<compile_context>
chip_gen: v7x
topology: tpu7x:2x2x1
jax: 0.10.2.dev20260603
libtpu: 0.0.44.dev20260713+nightly
codegen_flags: <defaults>
</compile_context>

<pallas_src>
import functools

import jax
import jax.numpy as jnp
from jax import lax
from jax.experimental import pallas as pl
from jax.experimental.pallas import tpu as pltpu
from jax.experimental.pallas import tpu_sc as plsc

N = 10000
NP = 10240
D = 128
DH = D // 2
E = 320000
NC, NS, L = 2, 16, 16
NT = NC * NS
CH1 = 125
CPT1 = (E // NS) // CH1
CH2 = 80
CPT2 = (E // NS) // CH2
RPT = NP // NS
ZR = 128
BN = 1024
NB1 = 4
NB2 = 5

_mesh = plsc.VectorSubcoreMesh(core_axis_name="c", subcore_axis_name="s")
_mesh1 = plsc.VectorSubcoreMesh(core_axis_name="c", subcore_axis_name="s",
                                num_cores=1)


@functools.partial(
    pl.kernel,
    out_type=(
        jax.ShapeDtypeStruct((NC, NP, DH), jnp.float32),
        jax.ShapeDtypeStruct((NC, NP), jnp.float32),
    ),
    mesh=_mesh,
    scratch_types=[
        pltpu.VMEM((CPT1, CH1), jnp.int32),
        pltpu.VMEM((CPT1, CH1), jnp.int32),
    ] + [pltpu.VMEM((CH1, DH), jnp.float32)] * NB1 + [
        pltpu.VMEM((ZR,), jnp.float32),
        pltpu.VMEM((ZR, DH), jnp.float32),
        pltpu.VMEM((RPT,), jnp.float32),
        pltpu.VMEM_SHARED((NP, DH), jnp.float32),
        pltpu.VMEM_SHARED((NP,), jnp.float32),
    ] + [pltpu.SemaphoreType.DMA] * NB1,
    compiler_params=pltpu.CompilerParams(use_tc_tiling_on_sc=False),
)
def _sc_agg_rows(xr_hbm, srcA_hbm, srcB_hbm, dst_hbm, acc_out, deg_out,
                 src_buf, dst_buf, rows_0, rows_1, rows_2, rows_3,
                 ones_v, zrow, zdeg, acc_sh, deg_sh,
                 sem_0, sem_1, sem_2, sem_3):
    cid = lax.axis_index("c")
    sid = lax.axis_index("s")
    bufs = [rows_0, rows_1, rows_2, rows_3]
    sems = [sem_0, sem_1, sem_2, sem_3]

    def zfill(r, _):
        for k in range(DH // L):
            zrow[r, pl.ds(k * L, L)] = jnp.zeros((L,), jnp.float32)
        return 0
    lax.fori_loop(0, ZR, zfill, 0)
    for k in range(RPT // L):
        zdeg[pl.ds(k * L, L)] = jnp.zeros((L,), jnp.float32)
    for k in range(ZR // L):
        ones_v[pl.ds(k * L, L)] = jnp.ones((L,), jnp.float32)

    for k in range(RPT // ZR):
        pltpu.sync_copy(zrow, acc_sh.at[pl.ds(sid * RPT + k * ZR, ZR)])
    pltpu.sync_copy(zdeg, deg_sh.at[pl.ds(sid * RPT, RPT)])
    plsc.subcore_barrier()

    @pl.when(cid == 0)
    def _():
        pltpu.sync_copy(srcA_hbm.at[sid], src_buf)

    @pl.when(cid == 1)
    def _():
        pltpu.sync_copy(srcB_hbm.at[sid], src_buf)
    pltpu.sync_copy(dst_hbm.at[sid], dst_buf)

    def start(j, b):
        pltpu.async_copy(xr_hbm.at[src_buf.at[j]], bufs[b], sems[b])

    def finish(j, b):
        pltpu.make_async_copy(xr_hbm.at[src_buf.at[j]], bufs[b],
                              sems[b]).wait()

    for k in range(NB1 - 1):
        start(k, k)

    def body(i, _):
        for k in range(NB1):
            j = NB1 * i + k

            @pl.when(j + NB1 - 1 < CPT1)
            def _():
                start(j + NB1 - 1, (k + NB1 - 1) % NB1)
            finish(j, k)
            pltpu.sync_copy(bufs[k], acc_sh.at[dst_buf.at[j]], add=True)

            @pl.when(cid == (k % 2))
            def _():
                pltpu.sync_copy(ones_v.at[pl.ds(0, CH1)],
                                deg_sh.at[dst_buf.at[j]], add=True)
        return 0
    lax.fori_loop(0, CPT1 // NB1, body, 0)
    plsc.subcore_barrier()

    pltpu.sync_copy(acc_sh.at[pl.ds(sid * RPT, RPT)],
                    acc_out.at[cid, pl.ds(sid * RPT, RPT)])
    pltpu.sync_copy(deg_sh.at[pl.ds(sid * RPT, RPT)],
                    deg_out.at[cid, pl.ds(sid * RPT, RPT)])


@functools.partial(
    pl.kernel,
    out_type=jax.ShapeDtypeStruct((NP,), jnp.float32),
    mesh=_mesh1,
    scratch_types=[
        pltpu.VMEM((CPT2, CH2), jnp.int32),
        pltpu.VMEM((CPT2, CH2), jnp.int32),
        pltpu.VMEM((NP,), jnp.float32),
        pltpu.VMEM((CPT2, CH2), jnp.float32),
        pltpu.VMEM((RPT,), jnp.float32),
        pltpu.VMEM((RPT,), jnp.float32),
        pltpu.VMEM((RPT,), jnp.float32),
        pltpu.VMEM((RPT,), jnp.float32),
        pltpu.VMEM((RPT,), jnp.float32),
        pltpu.VMEM_SHARED((NP,), jnp.float32),
    ] + [pltpu.SemaphoreType.DMA] * NB2,
    compiler_params=pltpu.CompilerParams(use_tc_tiling_on_sc=False,
                                         needs_layout_passes=False),
)
def _sc_agg_scalar(s_hbm, degc_hbm, s2rb_hbm, src_hbm, dst_hbm, out_hbm,
                   src_buf, dst_buf, s_tile, vals_all, zdeg,
                   agg_t, deg_t, s2r_t, out_t, agg_sh,
                   sem_0, sem_1, sem_2, sem_3, sem_4):
    sid = lax.axis_index("s")
    sems = [sem_0, sem_1, sem_2, sem_3, sem_4]

    for k in range(RPT // L):
        zdeg[pl.ds(k * L, L)] = jnp.zeros((L,), jnp.float32)
    pltpu.sync_copy(zdeg, agg_sh.at[pl.ds(sid * RPT, RPT)])
    plsc.subcore_barrier()

    pltpu.sync_copy(s_hbm, s_tile)
    pltpu.sync_copy(src_hbm.at[sid], src_buf)
    pltpu.sync_copy(dst_hbm.at[sid], dst_buf)

    def sstart(j, b):
        pltpu.async_copy(vals_all.at[j], agg_sh.at[dst_buf.at[j]], sems[b],
                         add=True)

    def sfinish(j, b):
        pltpu.make_async_copy(vals_all.at[j], agg_sh.at[dst_buf.at[j]],
                              sems[b]).wait()

    def sbody(i, _):
        for k in range(NB2):
            j = NB2 * i + k
            for g in range(CH2 // L):
                idx = src_buf[j, pl.ds(g * L, L)]
                vals_all[j, pl.ds(g * L, L)] = plsc.load_gather(s_tile, [idx])

            @pl.when(j >= NB2)
            def _():
                sfinish(j - NB2, k)
            sstart(j, k)
        return 0
    lax.fori_loop(0, CPT2 // NB2, sbody, 0)
    for k in range(NB2):
        sfinish(CPT2 - NB2 + k, k)
    plsc.subcore_barrier()

    pltpu.sync_copy(agg_sh.at[pl.ds(sid * RPT, RPT)], agg_t)
    pltpu.sync_copy(degc_hbm.at[pl.ds(sid * RPT, RPT)], deg_t)
    pltpu.sync_copy(s2rb_hbm.at[pl.ds(sid * RPT, RPT)], s2r_t)

    def ebody(k, _):
        a = agg_t[pl.ds(k * L, L)]
        d = deg_t[pl.ds(k * L, L)]
        out_t[pl.ds(k * L, L)] = a / d + s2r_t[pl.ds(k * L, L)]
        return 0
    lax.fori_loop(0, RPT // L, ebody, 0)
    pltpu.sync_copy(out_t, out_hbm.at[pl.ds(sid * RPT, RPT)])


def _tc_dense_body(acc_ref, deg_ref, x_ref, w1lt_ref, w1rt_ref, b1l_ref,
                   w2lt_ref, w2rt_ref, b2l_ref, s2l_ref, s2r_ref, degc_ref):
    d = jnp.maximum(deg_ref[0] + deg_ref[1], 1.0)
    degc_ref[...] = d
    m0 = acc_ref[0] / d[:, None]
    m1 = acc_ref[1] / d[:, None]
    w1lt = w1lt_ref[...]
    h = (jnp.dot(m0, w1lt[:DH], preferred_element_type=jnp.float32)
         + jnp.dot(m1, w1lt[DH:], preferred_element_type=jnp.float32)
         + jnp.dot(x_ref[...], w1rt_ref[...], preferred_element_type=jnp.float32)
         + b1l_ref[...])
    h = jnp.maximum(h, 0.0)
    s2l_ref[...] = jnp.dot(h, w2lt_ref[...],
                           preferred_element_type=jnp.float32)[:, 0]
    s2r_ref[...] = (jnp.dot(h, w2rt_ref[...],
                            preferred_element_type=jnp.float32)[:, 0]
                    + b2l_ref[0, 0])


_tc_dense = pl.pallas_call(
    _tc_dense_body,
    grid=(NP // BN,),
    in_specs=[
        pl.BlockSpec((NC, BN, DH), lambda i: (0, i, 0)),
        pl.BlockSpec((NC, BN), lambda i: (0, i)),
        pl.BlockSpec((BN, D), lambda i: (i, 0)),
        pl.BlockSpec((D, D), lambda i: (0, 0)),
        pl.BlockSpec((D, D), lambda i: (0, 0)),
        pl.BlockSpec((1, D), lambda i: (0, 0)),
        pl.BlockSpec((D, 1), lambda i: (0, 0)),
        pl.BlockSpec((D, 1), lambda i: (0, 0)),
        pl.BlockSpec((1, 1), lambda i: (0, 0)),
    ],
    out_specs=[
        pl.BlockSpec((BN,), lambda i: (i,)),
        pl.BlockSpec((BN,), lambda i: (i,)),
        pl.BlockSpec((BN,), lambda i: (i,)),
    ],
    out_shape=[
        jax.ShapeDtypeStruct((NP,), jnp.float32),
        jax.ShapeDtypeStruct((NP,), jnp.float32),
        jax.ShapeDtypeStruct((NP,), jnp.float32),
    ],
)


def kernel(x, edge_index, W1l, b1l, W1r, W2l, b2l, W2r):
    src = edge_index[0]
    srcA = (src * 2).reshape(NS, CPT1, CH1)
    srcB = (src * 2 + 1).reshape(NS, CPT1, CH1)
    dst_a = edge_index[1].reshape(NS, CPT1, CH1)
    src_c = src.reshape(NS, CPT2, CH2)
    dst_c = edge_index[1].reshape(NS, CPT2, CH2)

    xr = x.reshape(2 * N, DH)
    acc, deg = _sc_agg_rows(xr, srcA, srcB, dst_a)

    s2l, s2rb, degc = _tc_dense(acc, deg, x,
                                W1l.T, W1r.T, b1l.reshape(1, D),
                                W2l.T, W2r.T, b2l.reshape(1, 1))

    out = _sc_agg_scalar(s2l, degc, s2rb, src_c, dst_c)
    return out[:N]

# --- scband reference (transcript-rebuilt; emitter-appended) ---
"""Pipeline reference for scband-graph-sage-11493332484323 (READ-ONLY COPY).

The authoritative reference and input builder live on the scoring server;
editing this copy changes nothing except your own understanding.
"""

import jax, jax.numpy as jnp
import numpy as np

N = 10000
E = 320000
D_IN = 128
D_HID = 128


def _init_linear(key, out_f, in_f):
    k1, k2 = jax.random.split(key)
    bound = 1.0 / np.sqrt(in_f)
    W = jax.random.uniform(k1, (out_f, in_f), minval=-bound, maxval=bound, dtype=jnp.float32)
    b = jax.random.uniform(k2, (out_f,), minval=-bound, maxval=bound, dtype=jnp.float32)
    return W, b


def setup_inputs(seed: int = 0) -> dict:
    key = jax.random.key(seed)
    ks = jax.random.split(key, 6)
    x = jax.random.normal(ks[0], (N, D_IN), dtype=jnp.float32)
    edge_index = jax.random.randint(ks[1], (2, E), 0, N, dtype=jnp.int32)
    # SAGEConv layer 1: lin_l (applied to aggregated neighbors, has bias), lin_r (root, no bias)
    W1l, b1l = _init_linear(ks[2], D_HID, D_IN)
    W1r, _ = _init_linear(ks[3], D_HID, D_IN)
    # SAGEConv layer 2: hidden -> 1
    W2l, b2l = _init_linear(ks[4], 1, D_HID)
    W2r, _ = _init_linear(ks[5], 1, D_HID)
    return {
        "x": x,
        "edge_index": edge_index,
        "W1l": W1l, "b1l": b1l, "W1r": W1r,
        "W2l": W2l, "b2l": b2l, "W2r": W2r,
    }


def _sage_conv(x, edge_index, Wl, bl, Wr):
    # PyG-style SAGEConv with mean aggregation:
    #   out = lin_l(mean_{j in N(i)} x_j) + lin_r(x_i)
    src = edge_index[0]
    dst = edge_index[1]
    msg = jnp.take(x, src, axis=0)                       # gather source features
    agg = jax.ops.segment_sum(msg, dst, num_segments=x.shape[0])   # scatter-add
    deg = jax.ops.segment_sum(jnp.ones((edge_index.shape[1],), dtype=x.dtype), dst,
                              num_segments=x.shape[0])
    mean = agg / jnp.maximum(deg, 1.0)[:, None]
    return mean @ Wl.T + bl + x @ Wr.T


def reference(x, edge_index, W1l, b1l, W1r, W2l, b2l, W2r):
    h = jax.nn.relu(_sage_conv(x, edge_index, W1l, b1l, W1r))
    # Dropout(0.2) is identity in eval/inference mode
    out = _sage_conv(h, edge_index, W2l, b2l, W2r)
    return out.reshape(-1)

if __name__ == "__main__":
    import jax
    _d = setup_inputs()
    print(jax.jit(kernel)(*tuple(_d.values())))

</pallas_src>

<mosaic_0001>
#map = affine_map<(d0, d1) -> (0, 0)>
#map1 = affine_map<(d0, d1) -> (0, 0, 0)>
module attributes {stable_mosaic.version = 14 : i64} {
  func.func @_sc_agg_rows(%arg0: i32, %arg1: i32, %arg2: memref<20000x64xf32, #tpu.memory_space<hbm>>, %arg3: memref<16x160x125xi32, #tpu.memory_space<hbm>>, %arg4: memref<16x160x125xi32, #tpu.memory_space<hbm>>, %arg5: memref<16x160x125xi32, #tpu.memory_space<hbm>>, %arg6: memref<2x10240x64xf32, #tpu.memory_space<hbm>>, %arg7: memref<2x10240xf32, #tpu.memory_space<hbm>>, %arg8: memref<160x125xi32, #tpu.memory_space<vmem>>, %arg9: memref<160x125xi32, #tpu.memory_space<vmem>>, %arg10: memref<125x64xf32, #tpu.memory_space<vmem>>, %arg11: memref<125x64xf32, #tpu.memory_space<vmem>>, %arg12: memref<125x64xf32, #tpu.memory_space<vmem>>, %arg13: memref<125x64xf32, #tpu.memory_space<vmem>>, %arg14: memref<128xf32, #tpu.memory_space<vmem>>, %arg15: memref<128x64xf32, #tpu.memory_space<vmem>>, %arg16: memref<640xf32, #tpu.memory_space<vmem>>, %arg17: memref<10240x64xf32, #tpu.memory_space<vmem_shared>>, %arg18: memref<10240xf32, #tpu.memory_space<vmem_shared>>, %arg19: memref<!tpu.dma_semaphore, #tpu.memory_space<semaphore_mem>>, %arg20: memref<!tpu.dma_semaphore, #tpu.memory_space<semaphore_mem>>, %arg21: memref<!tpu.dma_semaphore, #tpu.memory_space<semaphore_mem>>, %arg22: memref<!tpu.dma_semaphore, #tpu.memory_space<semaphore_mem>>) attributes {dimension_semantics = [#tpu.dimension_semantics<core_parallel>, #tpu.dimension_semantics<subcore_parallel>], iteration_bounds = array<i64: 2, 16>, scalar_prefetch = 0 : i64, scratch_operands = 15 : i64, tpu.core_type = #tpu.core_type<sc_vector_subcore>, window_params = [{transform_indices = #map}, {transform_indices = #map1}, {transform_indices = #map1}, {transform_indices = #map1}, {transform_indices = #map1}, {transform_indices = #map}]} {
    %scan3A = arith.constant 0 : i32
    %scan3A_0 = arith.constant 0 : i32
    %scan3A_1 = arith.constant 128 : i32
    %scan3A_2 = arith.addi %scan3A_0, %scan3A_1 : i32
    %scan3A_3 = arith.constant 1 : i32
    %scan3A_4 = scf.for %scan3A_355 = %scan3A_0 to %scan3A_2 step %scan3A_3 iter_args(%scan3A_356 = %scan3A) -> (i32)  : i32 {
      %broadcast_in_dim3A_357 = arith.constant 0.000000e+00 : f32
      %broadcast_in_dim3A_358 = vector.broadcast %broadcast_in_dim3A_357 : f32 to vector<16xf32>
      %swap3A_359 = arith.index_cast %scan3A_355 : i32 to index
      %swap3A_360 = arith.constant 0 : index
      %swap3A_361 = tpu.vector_load %arg15[%swap3A_359, %swap3A_360] {strides = array<i32>} : memref<128x64xf32, #tpu.memory_space<vmem>>, vector<1x16xf32>,
      %swap3A_362 = vector.shape_cast %swap3A_361 : vector<1x16xf32> to vector<16xf32>
      %swap3A_363 = vector.shape_cast %broadcast_in_dim3A_358 : vector<16xf32> to vector<1x16xf32>
      tpu.vector_store %arg15[%swap3A_359, %swap3A_360], %swap3A_363 {strides = array<i32>} : memref<128x64xf32, #tpu.memory_space<vmem>>, vector<1x16xf32>,
      %broadcast_in_dim3A_364 = arith.constant 0.000000e+00 : f32
      %broadcast_in_dim3A_365 = vector.broadcast %broadcast_in_dim3A_364 : f32 to vector<16xf32>
      %swap3A_366 = arith.index_cast %scan3A_355 : i32 to index
      %swap3A_367 = arith.constant 16 : index
      %swap3A_368 = tpu.vector_load %arg15[%swap3A_366, %swap3A_367] {strides = array<i32>} : memref<128x64xf32, #tpu.memory_space<vmem>>, vector<1x16xf32>,
      %swap3A_369 = vector.shape_cast %swap3A_368 : vector<1x16xf32> to vector<16xf32>
      %swap3A_370 = vector.shape_cast %broadcast_in_dim3A_365 : vector<16xf32> to vector<1x16xf32>
      tpu.vector_store %arg15[%swap3A_366, %swap3A_367], %swap3A_370 {strides = array<i32>} : memref<128x64xf32, #tpu.memory_space<vmem>>, vector<1x16xf32>,
      %broadcast_in_dim3A_371 = arith.constant 0.000000e+00 : f32
      %broadcast_in_dim3A_372 = vector.broadcast %broadcast_in_dim3A_371 : f32 to vector<16xf32>
      %swap3A_373 = arith.index_cast %scan3A_355 : i32 to index
      %swap3A_374 = arith.constant 32 : index
      %swap3A_375 = tpu.vector_load %arg15[%swap3A_373, %swap3A_374] {strides = array<i32>} : memref<128x64xf32, #tpu.memory_space<vmem>>, vector<1x16xf32>,
      %swap3A_376 = vector.shape_cast %swap3A_375 : vector<1x16xf32> to vector<16xf32>
      %swap3A_377 = vector.shape_cast %broadcast_in_dim3A_372 : vector<16xf32> to vector<1x16xf32>
      tpu.vector_store %arg15[%swap3A_373, %swap3A_374], %swap3A_377 {strides = array<i32>} : memref<128x64xf32, #tpu.memory_space<vmem>>, vector<1x16xf32>,
      %broadcast_in_dim3A_378 = arith.constant 0.000000e+00 : f32
      %broadcast_in_dim3A_379 = vector.broadcast %broadcast_in_dim3A_378 : f32 to vector<16xf32>
      %swap3A_380 = arith.index_cast %scan3A_355 : i32 to index
      %swap3A_381 = arith.constant 48 : index
      %swap3A_382 = tpu.vector_load %arg15[%swap3A_380, %swap3A_381] {strides = array<i32>} : memref<128x64xf32, #tpu.memory_space<vmem>>, vector<1x16xf32>,
      %swap3A_383 = vector.shape_cast %swap3A_382 : vector<1x16xf32> to vector<16xf32>
      %swap3A_384 = vector.shape_cast %broadcast_in_dim3A_379 : vector<16xf32> to vector<1x16xf32>
      tpu.vector_store %arg15[%swap3A_380, %swap3A_381], %swap3A_384 {strides = array<i32>} : memref<128x64xf32, #tpu.memory_space<vmem>>, vector<1x16xf32>,
      %scan3A_385 = arith.constant 0 : i32
      scf.yield %scan3A_385 : i32
    }
    %scan3A_5 = arith.constant 128 : i32
    %broadcast_in_dim3A = arith.constant 0.000000e+00 : f32
    %broadcast_in_dim3A_6 = vector.broadcast %broadcast_in_dim3A : f32 to vector<16xf32>
    %swap3A = arith.constant 0 : index
    %swap3A_7 = tpu.vector_load %arg16[%swap3A] {strides = array<i32>} : memref<640xf32, #tpu.memory_space<vmem>>, vector<16xf32>,
    %swap3A_8 = vector.shape_cast %swap3A_7 : vector<16xf32> to vector<16xf32>
    %swap3A_9 = vector.shape_cast %broadcast_in_dim3A_6 : vector<16xf32> to vector<16xf32>
    tpu.vector_store %arg16[%swap3A], %swap3A_9 {strides = array<i32>} : memref<640xf32, #tpu.memory_space<vmem>>, vector<16xf32>,
    %broadcast_in_dim3A_10 = arith.constant 0.000000e+00 : f32
    %broadcast_in_dim3A_11 = vector.broadcast %broadcast_in_dim3A_10 : f32 to vector<16xf32>
    %swap3A_12 = arith.constant 16 : index
    %swap3A_13 = tpu.vector_load %arg16[%swap3A_12] {strides = array<i32>} : memref<640xf32, #tpu.memory_space<vmem>>, vector<16xf32>,
    %swap3A_14 = vector.shape_cast %swap3A_13 : vector<16xf32> to vector<16xf32>
    %swap3A_15 = vector.shape_cast %broadcast_in_dim3A_11 : vector<16xf32> to vector<16xf32>
    tpu.vector_store %arg16[%swap3A_12], %swap3A_15 {strides = array<i32>} : memref<640xf32, #tpu.memory_space<vmem>>, vector<16xf32>,
    %broadcast_in_dim3A_16 = arith.constant 0.000000e+00 : f32
    %broadcast_in_dim3A_17 = vector.broadcast %broadcast_in_dim3A_16 : f32 to vector<16xf32>
    %swap3A_18 = arith.constant 32 : index
    %swap3A_19 = tpu.vector_load %arg16[%swap3A_18] {strides = array<i32>} : memref<640xf32, #tpu.memory_space<vmem>>, vector<16xf32>,
    %swap3A_20 = vector.shape_cast %swap3A_19 : vector<16xf32> to vector<16xf32>
    %swap3A_21 = vector.shape_cast %broadcast_in_dim3A_17 : vector<16xf32> to vector<16xf32>
    tpu.vector_store %arg16[%swap3A_18], %swap3A_21 {strides = array<i32>} : memref<640xf32, #tpu.memory_space<vmem>>, vector<16xf32>,
    %broadcast_in_dim3A_22 = arith.constant 0.000000e+00 : f32
    %broadcast_in_dim3A_23 = vector.broadcast %broadcast_in_dim3A_22 : f32 to vector<16xf32>
    %swap3A_24 = arith.constant 48 : index
    %swap3A_25 = tpu.vector_load %arg16[%swap3A_24] {strides = array<i32>} : memref<640xf32, #tpu.memory_space<vmem>>, vector<16xf32>,
    %swap3A_26 = vector.shape_cast %swap3A_25 : vector<16xf32> to vector<16xf32>
    %swap3A_27 = vector.shape_cast %broadcast_in_dim3A_23 : vector<16xf32> to vector<16xf32>
    tpu.vector_store %arg16[%swap3A_24], %swap3A_27 {strides = array<i32>} : memref<640xf32, #tpu.memory_space<vmem>>, vector<16xf32>,
    %broadcast_in_dim3A_28 = arith.constant 0.000000e+00 : f32
    %broadcast_in_dim3A_29 = vector.broadcast %broadcast_in_dim3A_28 : f32 to vector<16xf32>
    %swap3A_30 = arith.constant 64 : index
    %swap3A_31 = tpu.vector_load %arg16[%swap3A_30] {strides = array<i32>} : memref<640xf32, #tpu.memory_space<vmem>>, vector<16xf32>,
    %swap3A_32 = vector.shape_cast %swap3A_31 : vector<16xf32> to vector<16xf32>
    %swap3A_33 = vector.shape_cast %broadcast_in_dim3A_29 : vector<16xf32> to vector<16xf32>
    tpu.vector_store %arg16[%swap3A_30], %swap3A_33 {strides = array<i32>} : memref<640xf32, #tpu.memory_space<vmem>>, vector<16xf32>,
    %broadcast_in_dim3A_34 = arith.constant 0.000000e+00 : f32
    %broadcast_in_dim3A_35 = vector.broadcast %broadcast_in_dim3A_34 : f32 to vector<16xf32>
    %swap3A_36 = arith.constant 80 : index
    %swap3A_37 = tpu.vector_load %arg16[%swap3A_36] {strides = array<i32>} : memref<640xf32, #tpu.memory_space<vmem>>, vector<16xf32>,
    %swap3A_38 = vector.shape_cast %swap3A_37 : vector<16xf32> to vector<16xf32>
    %swap3A_39 = vector.shape_cast %broadcast_in_dim3A_35 : vector<16xf32> to vector<16xf32>
    tpu.vector_store %arg16[%swap3A_36], %swap3A_39 {strides = array<i32>} : memref<640xf32, #tpu.memory_space<vmem>>, vector<16xf32>,
    %broadcast_in_dim3A_40 = arith.constant 0.000000e+00 : f32
    %broadcast_in_dim3A_41 = vector.broadcast %broadcast_in_dim3A_40 : f32 to vector<16xf32>
    %swap3A_42 = arith.constant 96 : index
    %swap3A_43 = tpu.vector_load %arg16[%swap3A_42] {strides = array<i32>} : memref<640xf32, #tpu.memory_space<vmem>>, vector<16xf32>,
    %swap3A_44 = vector.shape_cast %swap3A_43 : vector<16xf32> to vector<16xf32>
    %swap3A_45 = vector.shape_cast %broadcast_in_dim3A_41 : vector<16xf32> to vector<16xf32>
    tpu.vector_store %arg16[%swap3A_42], %swap3A_45 {strides = array<i32>} : memref<640xf32, #tpu.memory_space<vmem>>, vector<16xf32>,
    %broadcast_in_dim3A_46 = arith.constant 0.000000e+00 : f32
    %broadcast_in_dim3A_47 = vector.broadcast %broadcast_in_dim3A_46 : f32 to vector<16xf32>
    %swap3A_48 = arith.constant 112 : index
    %swap3A_49 = tpu.vector_load %arg16[%swap3A_48] {strides = array<i32>} : memref<640xf32, #tpu.memory_space<vmem>>, vector<16xf32>,
    %swap3A_50 = vector.shape_cast %swap3A_49 : vector<16xf32> to vector<16xf32>
    %swap3A_51 = vector.shape_cast %broadcast_in_dim3A_47 : vector<16xf32> to vector<16xf32>
    tpu.vector_store %arg16[%swap3A_48], %swap3A_51 {strides = array<i32>} : memref<640xf32, #tpu.memory_space<vmem>>, vector<16xf32>,
    %broadcast_in_dim3A_52 = arith.constant 0.000000e+00 : f32
    %broadcast_in_dim3A_53 = vector.broadcast %broadcast_in_dim3A_52 : f32 to vector<16xf32>
    %swap3A_54 = arith.constant 128 : index
    %swap3A_55 = tpu.vector_load %arg16[%swap3A_54] {strides = array<i32>} : memref<640xf32, #tpu.memory_space<vmem>>, vector<16xf32>,
    %swap3A_56 = vector.shape_cast %swap3A_55 : vector<16xf32> to vector<16xf32>
    %swap3A_57 = vector.shape_cast %broadcast_in_dim3A_53 : vector<16xf32> to vector<16xf32>
    tpu.vector_store %arg16[%swap3A_54], %swap3A_57 {strides = array<i32>} : memref<640xf32, #tpu.memory_space<vmem>>, vector<16xf32>,
    %broadcast_in_dim3A_58 = arith.constant 0.000000e+00 : f32
    %broadcast_in_dim3A_59 = vector.broadcast %broadcast_in_dim3A_58 : f32 to vector<16xf32>
    %swap3A_60 = arith.constant 144 : index
    %swap3A_61 = tpu.vector_load %arg16[%swap3A_60] {strides = array<i32>} : memref<640xf32, #tpu.memory_space<vmem>>, vector<16xf32>,
    %swap3A_62 = vector.shape_cast %swap3A_61 : vector<16xf32> to vector<16xf32>
    %swap3A_63 = vector.shape_cast %broadcast_in_dim3A_59 : vector<16xf32> to vector<16xf32>
    tpu.vector_store %arg16[%swap3A_60], %swap3A_63 {strides = array<i32>} : memref<640xf32, #tpu.memory_space<vmem>>, vector<16xf32>,
    %broadcast_in_dim3A_64 = arith.constant 0.000000e+00 : f32
    %broadcast_in_dim3A_65 = vector.broadcast %broadcast_in_dim3A_64 : f32 to vector<16xf32>
    %swap3A_66 = arith.constant 160 : index
    %swap3A_67 = tpu.vector_load %arg16[%swap3A_66] {strides = array<i32>} : memref<640xf32, #tpu.memory_space<vmem>>, vector<16xf32>,
    %swap3A_68 = vector.shape_cast %swap3A_67 : vector<16xf32> to vector<16xf32>
    %swap3A_69 = vector.shape_cast %broadcast_in_dim3A_65 : vector<16xf32> to vector<16xf32>
    tpu.vector_store %arg16[%swap3A_66], %swap3A_69 {strides = array<i32>} : memref<640xf32, #tpu.memory_space<vmem>>, vector<16xf32>,
    %broadcast_in_dim3A_70 = arith.constant 0.000000e+00 : f32
    %broadcast_in_dim3A_71 = vector.broadcast %broadcast_in_dim3A_70 : f32 to vector<16xf32>
    %swap3A_72 = arith.constant 176 : index
    %swap3A_73 = tpu.vector_load %arg16[%swap3A_72] {strides = array<i32>} : memref<640xf32, #tpu.memory_space<vmem>>, vector<16xf32>,
    %swap3A_74 = vector.shape_cast %swap3A_73 : vector<16xf32> to vector<16xf32>
    %swap3A_75 = vector.shape_cast %broadcast_in_dim3A_71 : vector<16xf32> to vector<16xf32>
    tpu.vector_store %arg16[%swap3A_72], %swap3A_75 {strides = array<i32>} : memref<640xf32, #tpu.memory_space<vmem>>, vector<16xf32>,
    %broadcast_in_dim3A_76 = arith.constant 0.000000e+00 : f32
    %broadcast_in_dim3A_77 = vector.broadcast %broadcast_in_dim3A_76 : f32 to vector<16xf32>
    %swap3A_78 = arith.constant 192 : index
    %swap3A_79 = tpu.vector_load %arg16[%swap3A_78] {strides = array<i32>} : memref<640xf32, #tpu.memory_space<vmem>>, vector<16xf32>,
    %swap3A_80 = vector.shape_cast %swap3A_79 : vector<16xf32> to vector<16xf32>
    %swap3A_81 = vector.shape_cast %broadcast_in_dim3A_77 : vector<16xf32> to vector<16xf32>
    tpu.vector_store %arg16[%swap3A_78], %swap3A_81 {strides = array<i32>} : memref<640xf32, #tpu.memory_space<vmem>>, vector<16xf32>,
    %broadcast_in_dim3A_82 = arith.constant 0.000000e+00 : f32
    %broadcast_in_dim3A_83 = vector.broadcast %broadcast_in_dim3A_82 : f32 to vector<16xf32>
    %swap3A_84 = arith.constant 208 : index
    %swap3A_85 = tpu.vector_load %arg16[%swap3A_84] {strides = array<i32>} : memref<640xf32, #tpu.memory_space<vmem>>, vector<16xf32>,
    %swap3A_86 = vector.shape_cast %swap3A_85 : vector<16xf32> to vector<16xf32>
    %swap3A_87 = vector.shape_cast %broadcast_in_dim3A_83 : vector<16xf32> to vector<16xf32>
    tpu.vector_store %arg16[%swap3A_84], %swap3A_87 {strides = array<i32>} : memref<640xf32, #tpu.memory_space<vmem>>, vector<16xf32>,
    %broadcast_in_dim3A_88 = arith.constant 0.000000e+00 : f32
    %broadcast_in_dim3A_89 = vector.broadcast %broadcast_in_dim3A_88 : f32 to vector<16xf32>
    %swap3A_90 = arith.constant 224 : index
    %swap3A_91 = tpu.vector_load %arg16[%swap3A_90] {strides = array<i32>} : memref<640xf32, #tpu.memory_space<vmem>>, vector<16xf32>,
    %swap3A_92 = vector.shape_cast %swap3A_91 : vector<16xf32> to vector<16xf32>
    %swap3A_93 = vector.shape_cast %broadcast_in_dim3A_89 : vector<16xf32> to vector<16xf32>
    tpu.vector_store %arg16[%swap3A_90], %swap3A_93 {strides = array<i32>} : memref<640xf32, #tpu.memory_space<vmem>>, vector<16xf32>,
    %broadcast_in_dim3A_94 = arith.constant 0.000000e+00 : f32
    %broadcast_in_dim3A_95 = vector.broadcast %broadcast_in_dim3A_94 : f32 to vector<16xf32>
    %swap3A_96 = arith.constant 240 : index
    %swap3A_97 = tpu.vector_load %arg16[%swap3A_96] {strides = array<i32>} : memref<640xf32, #tpu.memory_space<vmem>>, vector<16xf32>,
    %swap3A_98 = vector.shape_cast %swap3A_97 : vector<16xf32> to vector<16xf32>
    %swap3A_99 = vector.shape_cast %broadcast_in_dim3A_95 : vector<16xf32> to vector<16xf32>
    tpu.vector_store %arg16[%swap3A_96], %swap3A_99 {strides = array<i32>} : memref<640xf32, #tpu.memory_space<vmem>>, vector<16xf32>,
    %broadcast_in_dim3A_100 = arith.constant 0.000000e+00 : f32
    %broadcast_in_dim3A_101 = vector.broadcast %broadcast_in_dim3A_100 : f32 to vector<16xf32>
    %swap3A_102 = arith.constant 256 : index
    %swap3A_103 = tpu.vector_load %arg16[%swap3A_102] {strides = array<i32>} : memref<640xf32, #tpu.memory_space<vmem>>, vector<16xf32>,
    %swap3A_104 = vector.shape_cast %swap3A_103 : vector<16xf32> to vector<16xf32>
    %swap3A_105 = vector.shape_cast %broadcast_in_dim3A_101 : vector<16xf32> to vector<16xf32>
    tpu.vector_store %arg16[%swap3A_102], %swap3A_105 {strides = array<i32>} : memref<640xf32, #tpu.memory_space<vmem>>, vector<16xf32>,
    %broadcast_in_dim3A_106 = arith.constant 0.000000e+00 : f32
    %broadcast_in_dim3A_107 = vector.broadcast %broadcast_in_dim3A_106 : f32 to vector<16xf32>
    %swap3A_108 = arith.constant 272 : index
    %swap3A_109 = tpu.vector_load %arg16[%swap3A_108] {strides = array<i32>} : memref<640xf32, #tpu.memory_space<vmem>>, vector<16xf32>,
    %swap3A_110 = vector.shape_cast %swap3A_109 : vector<16xf32> to vector<16xf32>
    %swap3A_111 = vector.shape_cast %broadcast_in_dim3A_107 : vector<16xf32> to vector<16xf32>
    tpu.vector_store %arg16[%swap3A_108], %swap3A_111 {strides = array<i32>} : memref<640xf32, #tpu.memory_space<vmem>>, vector<16xf32>,
    %broadcast_in_dim3A_112 = arith.constant 0.000000e+00 : f32
    %broadcast_in_dim3A_113 = vector.broadcast %broadcast_in_dim3A_112 : f32 to vector<16xf32>
    %swap3A_114 = arith.constant 288 : index
    %swap3A_115 = tpu.vector_load %arg16[%swap3A_114] {strides = array<i32>} : memref<640xf32, #tpu.memory_space<vmem>>, vector<16xf32>,
    %swap3A_116 = vector.shape_cast %swap3A_115 : vector<16xf32> to vector<16xf32>
    %swap3A_117 = vector.shape_cast %broadcast_in_dim3A_113 : vector<16xf32> to vector<16xf32>
    tpu.vector_store %arg16[%swap3A_114], %swap3A_117 {strides = array<i32>} : memref<640xf32, #tpu.memory_space<vmem>>, vector<16xf32>,
    %broadcast_in_dim3A_118 = arith.constant 0.000000e+00 : f32
    %broadcast_in_dim3A_119 = vector.broadcast %broadcast_in_dim3A_118 : f32 to vector<16xf32>
    %swap3A_120 = arith.constant 304 : index
    %swap3A_121 = tpu.vector_load %arg16[%swap3A_120] {strides = array<i32>} : memref<640xf32, #tpu.memory_space<vmem>>, vector<16xf32>,
    %swap3A_122 = vector.shape_cast %swap3A_121 : vector<16xf32> to vector<16xf32>
    %swap3A_123 = vector.shape_cast %broadcast_in_dim3A_119 : vector<16xf32> to vector<16xf32>
    tpu.vector_store %arg16[%swap3A_120], %swap3A_123 {strides = array<i32>} : memref<640xf32, #tpu.memory_space<vmem>>, vector<16xf32>,
    %broadcast_in_dim3A_124 = arith.constant 0.000000e+00 : f32
    %broadcast_in_dim3A_125 = vector.broadcast %broadcast_in_dim3A_124 : f32 to vector<16xf32>
    %swap3A_126 = arith.constant 320 : index
    %swap3A_127 = tpu.vector_load %arg16[%swap3A_126] {strides = array<i32>} : memref<640xf32, #tpu.memory_space<vmem>>, vector<16xf32>,
    %swap3A_128 = vector.shape_cast %swap3A_127 : vector<16xf32> to vector<16xf32>
    %swap3A_129 = vector.shape_cast %broadcast_in_dim3A_125 : vector<16xf32> to vector<16xf32>
    tpu.vector_store %arg16[%swap3A_126], %swap3A_129 {strides = array<i32>} : memref<640xf32, #tpu.memory_space<vmem>>, vector<16xf32>,
    %broadcast_in_dim3A_130 = arith.constant 0.000000e+00 : f32
    %broadcast_in_dim3A_131 = vector.broadcast %broadcast_in_dim3A_130 : f32 to vector<16xf32>
    %swap3A_132 = arith.constant 336 : index
    %swap3A_133 = tpu.vector_load %arg16[%swap3A_132] {strides = array<i32>} : memref<640xf32, #tpu.memory_space<vmem>>, vector<16xf32>,
    %swap3A_134 = vector.shape_cast %swap3A_133 : vector<16xf32> to vector<16xf32>
    %swap3A_135 = vector.shape_cast %broadcast_in_dim3A_131 : vector<16xf32> to vector<16xf32>
    tpu.vector_store %arg16[%swap3A_132], %swap3A_135 {strides = array<i32>} : memref<640xf32, #tpu.memory_space<vmem>>, vector<16xf32>,
    %broadcast_in_dim3A_136 = arith.constant 0.000000e+00 : f32
    %broadcast_in_dim3A_137 = vector.broadcast %broadcast_in_dim3A_136 : f32 to vector<16xf32>
    %swap3A_138 = arith.constant 352 : index
    %swap3A_139 = tpu.vector_load %arg16[%swap3A_138] {strides = array<i32>} : memref<640xf32, #tpu.memory_space<vmem>>, vector<16xf32>,
    %swap3A_140 = vector.shape_cast %swap3A_139 : vector<16xf32> to vector<16xf32>
    %swap3A_141 = vector.shape_cast %broadcast_in_dim3A_137 : vector<16xf32> to vector<16xf32>
    tpu.vector_store %arg16[%swap3A_138], %swap3A_141 {strides = array<i32>} : memref<640xf32, #tpu.memory_space<vmem>>, vector<16xf32>,
    %broadcast_in_dim3A_142 = arith.constant 0.000000e+00 : f32
    %broadcast_in_dim3A_143 = vector.broadcast %broadcast_in_dim3A_142 : f32 to vector<16xf32>
    %swap3A_144 = arith.constant 368 : index
    %swap3A_145 = tpu.vector_load %arg16[%swap3A_144] {strides = array<i32>} : memref<640xf32, #tpu.memory_space<vmem>>, vector<16xf32>,
    %swap3A_146 = vector.shape_cast %swap3A_145 : vector<16xf32> to vector<16xf32>
    %swap3A_147 = vector.shape_cast %broadcast_in_dim3A_143 : vector<16xf32> to vector<16xf32>
    tpu.vector_store %arg16[%swap3A_144], %swap3A_147 {strides = array<i32>} : memref<640xf32, #tpu.memory_space<vmem>>, vector<16xf32>,
    %broadcast_in_dim3A_148 = arith.constant 0.000000e+00 : f32
    %broadcast_in_dim3A_149 = vector.broadcast %broadcast_in_dim3A_148 : f32 to vector<16xf32>
    %swap3A_150 = arith.constant 384 : index
    %swap3A_151 = tpu.vector_load %arg16[%swap3A_150] {strides = array<i32>} : memref<640xf32, #tpu.memory_space<vmem>>, vector<16xf32>,
    %swap3A_152 = vector.shape_cast %swap3A_151 : vector<16xf32> to vector<16xf32>
    %swap3A_153 = vector.shape_cast %broadcast_in_dim3A_149 : vector<16xf32> to vector<16xf32>
    tpu.vector_store %arg16[%swap3A_150], %swap3A_153 {strides = array<i32>} : memref<640xf32, #tpu.memory_space<vmem>>, vector<16xf32>,
    %broadcast_in_dim3A_154 = arith.constant 0.000000e+00 : f32
    %broadcast_in_dim3A_155 = vector.broadcast %broadcast_in_dim3A_154 : f32 to vector<16xf32>
    %swap3A_156 = arith.constant 400 : index
    %swap3A_157 = tpu.vector_load %arg16[%swap3A_156] {strides = array<i32>} : memref<640xf32, #tpu.memory_space<vmem>>, vector<16xf32>,
    %swap3A_158 = vector.shape_cast %swap3A_157 : vector<16xf32> to vector<16xf32>
    %swap3A_159 = vector.shape_cast %broadcast_in_dim3A_155 : vector<16xf32> to vector<16xf32>
    tpu.vector_store %arg16[%swap3A_156], %swap3A_159 {strides = array<i32>} : memref<640xf32, #tpu.memory_space<vmem>>, vector<16xf32>,
    %broadcast_in_dim3A_160 = arith.constant 0.000000e+00 : f32
    %broadcast_in_dim3A_161 = vector.broadcast %broadcast_in_dim3A_160 : f32 to vector<16xf32>
    %swap3A_162 = arith.constant 416 : index
    %swap3A_163 = tpu.vector_load %arg16[%swap3A_162] {strides = array<i32>} : memref<640xf32, #tpu.memory_space<vmem>>, vector<16xf32>,
    %swap3A_164 = vector.shape_cast %swap3A_163 : vector<16xf32> to vector<16xf32>
    %swap3A_165 = vector.shape_cast %broadcast_in_dim3A_161 : vector<16xf32> to vector<16xf32>
    tpu.vector_store %arg16[%swap3A_162], %swap3A_165 {strides = array<i32>} : memref<640xf32, #tpu.memory_space<vmem>>, vector<16xf32>,
    %broadcast_in_dim3A_166 = arith.constant 0.000000e+00 : f32
    %broadcast_in_dim3A_167 = vector.broadcast %broadcast_in_dim3A_166 : f32 to vector<16xf32>
    %swap3A_168 = arith.constant 432 : index
    %swap3A_169 = tpu.vector_load %arg16[%swap3A_168] {strides = array<i32>} : memref<640xf32, #tpu.memory_space<vmem>>, vector<16xf32>,
    %swap3A_170 = vector.shape_cast %swap3A_169 : vector<16xf32> to vector<16xf32>
    %swap3A_171 = vector.shape_cast %broadcast_in_dim3A_167 : vector<16xf32> to vector<16xf32>
    tpu.vector_store %arg16[%swap3A_168], %swap3A_171 {strides = array<i32>} : memref<640xf32, #tpu.memory_space<vmem>>, vector<16xf32>,
    %broadcast_in_dim3A_172 = arith.constant 0.000000e+00 : f32
    %broadcast_in_dim3A_173 = vector.broadcast %broadcast_in_dim3A_172 : f32 to vector<16xf32>
    %swap3A_174 = arith.constant 448 : index
    %swap3A_175 = tpu.vector_load %arg16[%swap3A_174] {strides = array<i32>} : memref<640xf32, #tpu.memory_space<vmem>>, vector<16xf32>,
    %swap3A_176 = vector.shape_cast %swap3A_175 : vector<16xf32> to vector<16xf32>
    %swap3A_177 = vector.shape_cast %broadcast_in_dim3A_173 : vector<16xf32> to vector<16xf32>
    tpu.vector_store %arg16[%swap3A_174], %swap3A_177 {strides = array<i32>} : memref<640xf32, #tpu.memory_space<vmem>>, vector<16xf32>,
    %broadcast_in_dim3A_178 = arith.constant 0.000000e+00 : f32
    %broadcast_in_dim3A_179 = vector.broadcast %broadcast_in_dim3A_178 : f32 to vector<16xf32>
    %swap3A_180 = arith.constant 464 : index
    %swap3A_181 = tpu.vector_load %arg16[%swap3A_180] {strides = array<i32>} : memref<640xf32, #tpu.memory_space<vmem>>, vector<16xf32>,
    %swap3A_182 = vector.shape_cast %swap3A_181 : vector<16xf32> to vector<16xf32>
    %swap3A_183 = vector.shape_cast %broadcast_in_dim3A_179 : vector<16xf32> to vector<16xf32>
    tpu.vector_store %arg16[%swap3A_180], %swap3A_183 {strides = array<i32>} : memref<640xf32, #tpu.memory_space<vmem>>, vector<16xf32>,
    %broadcast_in_dim3A_184 = arith.constant 0.000000e+00 : f32
    %broadcast_in_dim3A_185 = vector.broadcast %broadcast_in_dim3A_184 : f32 to vector<16xf32>
    %swap3A_186 = arith.constant 480 : index
    %swap3A_187 = tpu.vector_load %arg16[%swap3A_186] {strides = array<i32>} : memref<640xf32, #tpu.memory_space<vmem>>, vector<16xf32>,
    %swap3A_188 = vector.shape_cast %swap3A_187 : vector<16xf32> to vector<16xf32>
    %swap3A_189 = vector.shape_cast %broadcast_in_dim3A_185 : vector<16xf32> to vector<16xf32>
    tpu.vector_store %arg16[%swap3A_186], %swap3A_189 {strides = array<i32>} : memref<640xf32, #tpu.memory_space<vmem>>, vector<16xf32>,
    %broadcast_in_dim3A_190 = arith.constant 0.000000e+00 : f32
    %broadcast_in_dim3A_191 = vector.broadcast %broadcast_in_dim3A_190 : f32 to vector<16xf32>
    %swap3A_192 = arith.constant 496 : index
    %swap3A_193 = tpu.vector_load %arg16[%swap3A_192] {strides = array<i32>} : memref<640xf32, #tpu.memory_space<vmem>>, vector<16xf32>,
    %swap3A_194 = vector.shape_cast %swap3A_193 : vector<16xf32> to vector<16xf32>
    %swap3A_195 = vector.shape_cast %broadcast_in_dim3A_191 : vector<16xf32> to vector<16xf32>
    tpu.vector_store %arg16[%swap3A_192], %swap3A_195 {strides = array<i32>} : memref<640xf32, #tpu.memory_space<vmem>>, vector<16xf32>,
    %broadcast_in_dim3A_196 = arith.constant 0.000000e+00 : f32
    %broadcast_in_dim3A_197 = vector.broadcast %broadcast_in_dim3A_196 : f32 to vector<16xf32>
    %swap3A_198 = arith.constant 512 : index
    %swap3A_199 = tpu.vector_load %arg16[%swap3A_198] {strides = array<i32>} : memref<640xf32, #tpu.memory_space<vmem>>, vector<16xf32>,
    %swap3A_200 = vector.shape_cast %swap3A_199 : vector<16xf32> to vector<16xf32>
    %swap3A_201 = vector.shape_cast %broadcast_in_dim3A_197 : vector<16xf32> to vector<16xf32>
    tpu.vector_store %arg16[%swap3A_198], %swap3A_201 {strides = array<i32>} : memref<640xf32, #tpu.memory_space<vmem>>, vector<16xf32>,
    %broadcast_in_dim3A_202 = arith.constant 0.000000e+00 : f32
    %broadcast_in_dim3A_203 = vector.broadcast %broadcast_in_dim3A_202 : f32 to vector<16xf32>
    %swap3A_204 = arith.constant 528 : index
    %swap3A_205 = tpu.vector_load %arg16[%swap3A_204] {strides = array<i32>} : memref<640xf32, #tpu.memory_space<vmem>>, vector<16xf32>,
    %swap3A_206 = vector.shape_cast %swap3A_205 : vector<16xf32> to vector<16xf32>
    %swap3A_207 = vector.shape_cast %broadcast_in_dim3A_203 : vector<16xf32> to vector<16xf32>
    tpu.vector_store %arg16[%swap3A_204], %swap3A_207 {strides = array<i32>} : memref<640xf32, #tpu.memory_space<vmem>>, vector<16xf32>,
    %broadcast_in_dim3A_208 = arith.constant 0.000000e+00 : f32
    %broadcast_in_dim3A_209 = vector.broadcast %broadcast_in_dim3A_208 : f32 to vector<16xf32>
    %swap3A_210 = arith.constant 544 : index
    %swap3A_211 = tpu.vector_load %arg16[%swap3A_210] {strides = array<i32>} : memref<640xf32, #tpu.memory_space<vmem>>, vector<16xf32>,
    %swap3A_212 = vector.shape_cast %swap3A_211 : vector<16xf32> to vector<16xf32>
    %swap3A_213 = vector.shape_cast %broadcast_in_dim3A_209 : vector<16xf32> to vector<16xf32>
    tpu.vector_store %arg16[%swap3A_210], %swap3A_213 {strides = array<i32>} : memref<640xf32, #tpu.memory_space<vmem>>, vector<16xf32>,
    %broadcast_in_dim3A_214 = arith.constant 0.000000e+00 : f32
    %broadcast_in_dim3A_215 = vector.broadcast %broadcast_in_dim3A_214 : f32 to vector<16xf32>
    %swap3A_216 = arith.constant 560 : index
    %swap3A_217 = tpu.vector_load %arg16[%swap3A_216] {strides = array<i32>} : memref<640xf32, #tpu.memory_space<vmem>>, vector<16xf32>,
    %swap3A_218 = vector.shape_cast %swap3A_217 : vector<16xf32> to vector<16xf32>
    %swap3A_219 = vector.shape_cast %broadcast_in_dim3A_215 : vector<16xf32> to vector<16xf32>
    tpu.vector_store %arg16[%swap3A_216], %swap3A_219 {strides = array<i32>} : memref<640xf32, #tpu.memory_space<vmem>>, vector<16xf32>,
    %broadcast_in_dim3A_220 = arith.constant 0.000000e+00 : f32
    %broadcast_in_dim3A_221 = vector.broadcast %broadcast_in_dim3A_220 : f32 to vector<16xf32>
    %swap3A_222 = arith.constant 576 : index
    %swap3A_223 = tpu.vector_load %arg16[%swap3A_222] {strides = array<i32>} : memref<640xf32, #tpu.memory_space<vmem>>, vector<16xf32>,
    %swap3A_224 = vector.shape_cast %swap3A_223 : vector<16xf32> to vector<16xf32>
    %swap3A_225 = vector.shape_cast %broadcast_in_dim3A_221 : vector<16xf32> to vector<16xf32>
    tpu.vector_store %arg16[%swap3A_222], %swap3A_225 {strides = array<i32>} : memref<640xf32, #tpu.memory_space<vmem>>, vector<16xf32>,
    %broadcast_in_dim3A_226 = arith.constant 0.000000e+00 : f32
    %broadcast_in_dim3A_227 = vector.broadcast %broadcast_in_dim3A_226 : f32 to vector<16xf32>
    %swap3A_228 = arith.constant 592 : index
    %swap3A_229 = tpu.vector_load %arg16[%swap3A_228] {strides = array<i32>} : memref<640xf32, #tpu.memory_space<vmem>>, vector<16xf32>,
    %swap3A_230 = vector.shape_cast %swap3A_229 : vector<16xf32> to vector<16xf32>
    %swap3A_231 = vector.shape_cast %broadcast_in_dim3A_227 : vector<16xf32> to vector<16xf32>
    tpu.vector_store %arg16[%swap3A_228], %swap3A_231 {strides = array<i32>} : memref<640xf32, #tpu.memory_space<vmem>>, vector<16xf32>,
    %broadcast_in_dim3A_232 = arith.constant 0.000000e+00 : f32
    %broadcast_in_dim3A_233 = vector.broadcast %broadcast_in_dim3A_232 : f32 to vector<16xf32>
    %swap3A_234 = arith.constant 608 : index
    %swap3A_235 = tpu.vector_load %arg16[%swap3A_234] {strides = array<i32>} : memref<640xf32, #tpu.memory_space<vmem>>, vector<16xf32>,
    %swap3A_236 = vector.shape_cast %swap3A_235 : vector<16xf32> to vector<16xf32>
    %swap3A_237 = vector.shape_cast %broadcast_in_dim3A_233 : vector<16xf32> to vector<16xf32>
    tpu.vector_store %arg16[%swap3A_234], %swap3A_237 {strides = array<i32>} : memref<640xf32, #tpu.memory_space<vmem>>, vector<16xf32>,
    %broadcast_in_dim3A_238 = arith.constant 0.000000e+00 : f32
    %broadcast_in_dim3A_239 = vector.broadcast %broadcast_in_dim3A_238 : f32 to vector<16xf32>
    %swap3A_240 = arith.constant 624 : index
    %swap3A_241 = tpu.vector_load %arg16[%swap3A_240] {strides = array<i32>} : memref<640xf32, #tpu.memory_space<vmem>>, vector<16xf32>,
    %swap3A_242 = vector.shape_cast %swap3A_241 : vector<16xf32> to vector<16xf32>
    %swap3A_243 = vector.shape_cast %broadcast_in_dim3A_239 : vector<16xf32> to vector<16xf32>
    tpu.vector_store %arg16[%swap3A_240], %swap3A_243 {strides = array<i32>} : memref<640xf32, #tpu.memory_space<vmem>>, vector<16xf32>,
    %broadcast_in_dim3A_244 = arith.constant 1.000000e+00 : f32
    %broadcast_in_dim3A_245 = vector.broadcast %broadcast_in_dim3A_244 : f32 to vector<16xf32>
    %swap3A_246 = arith.constant 0 : index
    %swap3A_247 = tpu.vector_load %arg14[%swap3A_246] {strides = array<i32>} : memref<128xf32, #tpu.memory_space<vmem>>, vector<16xf32>,
    %swap3A_248 = vector.shape_cast %swap3A_247 : vector<16xf32> to vector<16xf32>
    %swap3A_249 = vector.shape_cast %broadcast_in_dim3A_245 : vector<16xf32> to vector<16xf32>
    tpu.vector_store %arg14[%swap3A_246], %swap3A_249 {strides = array<i32>} : memref<128xf32, #tpu.memory_space<vmem>>, vector<16xf32>,
    %broadcast_in_dim3A_250 = arith.constant 1.000000e+00 : f32
    %broadcast_in_dim3A_251 = vector.broadcast %broadcast_in_dim3A_250 : f32 to vector<16xf32>
    %swap3A_252 = arith.constant 16 : index
    %swap3A_253 = tpu.vector_load %arg14[%swap3A_252] {strides = array<i32>} : memref<128xf32, #tpu.memory_space<vmem>>, vector<16xf32>,
    %swap3A_254 = vector.shape_cast %swap3A_253 : vector<16xf32> to vector<16xf32>
    %swap3A_255 = vector.shape_cast %broadcast_in_dim3A_251 : vector<16xf32> to vector<16xf32>
    tpu.vector_store %arg14[%swap3A_252], %swap3A_255 {strides = array<i32>} : memref<128xf32, #tpu.memory_space<vmem>>, vector<16xf32>,
    %broadcast_in_dim3A_256 = arith.constant 1.000000e+00 : f32
    %broadcast_in_dim3A_257 = vector.broadcast %broadcast_in_dim3A_256 : f32 to vector<16xf32>
    %swap3A_258 = arith.constant 32 : index
    %swap3A_259 = tpu.vector_load %arg14[%swap3A_258] {strides = array<i32>} : memref<128xf32, #tpu.memory_space<vmem>>, vector<16xf32>,
    %swap3A_260 = vector.shape_cast %swap3A_259 : vector<16xf32> to vector<16xf32>
    %swap3A_261 = vector.shape_cast %broadcast_in_dim3A_257 : vector<16xf32> to vector<16xf32>
    tpu.vector_store %arg14[%swap3A_258], %swap3A_261 {strides = array<i32>} : memref<128xf32, #tpu.memory_space<vmem>>, vector<16xf32>,
    %broadcast_in_dim3A_262 = arith.constant 1.000000e+00 : f32
    %broadcast_in_dim3A_263 = vector.broadcast %broadcast_in_dim3A_262 : f32 to vector<16xf32>
    %swap3A_264 = arith.constant 48 : index
    %swap3A_265 = tpu.vector_load %arg14[%swap3A_264] {strides = array<i32>} : memref<128xf32, #tpu.memory_space<vmem>>, vector<16xf32>,
    %swap3A_266 = vector.shape_cast %swap3A_265 : vector<16xf32> to vector<16xf32>
    %swap3A_267 = vector.shape_cast %broadcast_in_dim3A_263 : vector<16xf32> to vector<16xf32>
    tpu.vector_store %arg14[%swap3A_264], %swap3A_267 {strides = array<i32>} : memref<128xf32, #tpu.memory_space<vmem>>, vector<16xf32>,
    %broadcast_in_dim3A_268 = arith.constant 1.000000e+00 : f32
    %broadcast_in_dim3A_269 = vector.broadcast %broadcast_in_dim3A_268 : f32 to vector<16xf32>
    %swap3A_270 = arith.constant 64 : index
    %swap3A_271 = tpu.vector_load %arg14[%swap3A_270] {strides = array<i32>} : memref<128xf32, #tpu.memory_space<vmem>>, vector<16xf32>,
    %swap3A_272 = vector.shape_cast %swap3A_271 : vector<16xf32> to vector<16xf32>
    %swap3A_273 = vector.shape_cast %broadcast_in_dim3A_269 : vector<16xf32> to vector<16xf32>
    tpu.vector_store %arg14[%swap3A_270], %swap3A_273 {strides = array<i32>} : memref<128xf32, #tpu.memory_space<vmem>>, vector<16xf32>,
    %broadcast_in_dim3A_274 = arith.constant 1.000000e+00 : f32
    %broadcast_in_dim3A_275 = vector.broadcast %broadcast_in_dim3A_274 : f32 to vector<16xf32>
    %swap3A_276 = arith.constant 80 : index
    %swap3A_277 = tpu.vector_load %arg14[%swap3A_276] {strides = array<i32>} : memref<128xf32, #tpu.memory_space<vmem>>, vector<16xf32>,
    %swap3A_278 = vector.shape_cast %swap3A_277 : vector<16xf32> to vector<16xf32>
    %swap3A_279 = vector.shape_cast %broadcast_in_dim3A_275 : vector<16xf32> to vector<16xf32>
    tpu.vector_store %arg14[%swap3A_276], %swap3A_279 {strides = array<i32>} : memref<128xf32, #tpu.memory_space<vmem>>, vector<16xf32>,
    %broadcast_in_dim3A_280 = arith.constant 1.000000e+00 : f32
    %broadcast_in_dim3A_281 = vector.broadcast %broadcast_in_dim3A_280 : f32 to vector<16xf32>
    %swap3A_282 = arith.constant 96 : index
    %swap3A_283 = tpu.vector_load %arg14[%swap3A_282] {strides = array<i32>} : memref<128xf32, #tpu.memory_space<vmem>>, vector<16xf32>,
    %swap3A_284 = vector.shape_cast %swap3A_283 : vector<16xf32> to vector<16xf32>
    %swap3A_285 = vector.shape_cast %broadcast_in_dim3A_281 : vector<16xf32> to vector<16xf32>
    tpu.vector_store %arg14[%swap3A_282], %swap3A_285 {strides = array<i32>} : memref<128xf32, #tpu.memory_space<vmem>>, vector<16xf32>,
    %broadcast_in_dim3A_286 = arith.constant 1.000000e+00 : f32
    %broadcast_in_dim3A_287 = vector.broadcast %broadcast_in_dim3A_286 : f32 to vector<16xf32>
    %swap3A_288 = arith.constant 112 : index
    %swap3A_289 = tpu.vector_load %arg14[%swap3A_288] {strides = array<i32>} : memref<128xf32, #tpu.memory_space<vmem>>, vector<16xf32>,
    %swap3A_290 = vector.shape_cast %swap3A_289 : vector<16xf32> to vector<16xf32>
    %swap3A_291 = vector.shape_cast %broadcast_in_dim3A_287 : vector<16xf32> to vector<16xf32>
    tpu.vector_store %arg14[%swap3A_288], %swap3A_291 {strides = array<i32>} : memref<128xf32, #tpu.memory_space<vmem>>, vector<16xf32>,
    %mul3A = arith.constant 640 : i32
    %mul3A_292 = arith.muli %arg1, %mul3A : i32
    %add3A = arith.constant 0 : i32
    %add3A_293 = arith.addi %mul3A_292, %add3A : i32
    "tpu.region"() ({
      %run_scoped3A = tpu.sem_alloc : memref<!tpu.dma_semaphore, #tpu.memory_space<semaphore_mem>>
      %dma_start3A_355 = arith.constant 0 : i32
      %dma_start3A_356 = tpu.memref_slice %arg17[%add3A_293, %dma_start3A_355] : memref<10240x64xf32, #tpu.memory_space<vmem_shared>> -> memref<128x64xf32, #tpu.memory_space<vmem_shared>>
      %dma_start3A_357 = arith.constant 0 : i32
      %dma_start3A_358 = tpu.memref_slice %arg17[%add3A_293, %dma_start3A_357] : memref<10240x64xf32, #tpu.memory_space<vmem_shared>> -> memref<128x64xf32, #tpu.memory_space<vmem_shared>>
      tpu.enqueue_dma source(%arg15 : memref<128x64xf32, #tpu.memory_space<vmem>>) target(%dma_start3A_358 : memref<128x64xf32, #tpu.memory_space<vmem_shared>>) target_semaphore(%run_scoped3A : memref<!tpu.dma_semaphore, #tpu.memory_space<semaphore_mem>>)
      %dma_wait3A = arith.constant 0 : i32
      %dma_wait3A_359 = tpu.memref_slice %arg17[%add3A_293, %dma_wait3A] : memref<10240x64xf32, #tpu.memory_space<vmem_shared>> -> memref<128x64xf32, #tpu.memory_space<vmem_shared>>
      %dma_wait3A_360 = arith.constant 0 : i32
      %dma_wait3A_361 = tpu.memref_slice %arg17[%add3A_293, %dma_wait3A_360] : memref<10240x64xf32, #tpu.memory_space<vmem_shared>> -> memref<128x64xf32, #tpu.memory_space<vmem_shared>>
      tpu.wait_dma2 semaphore(%run_scoped3A : memref<!tpu.dma_semaphore, #tpu.memory_space<semaphore_mem>>) src(%arg15 : memref<128x64xf32, #tpu.memory_space<vmem>>) dst(%dma_wait3A_361 : memref<128x64xf32, #tpu.memory_space<vmem_shared>>)
      tpu.yield
    }) : () -> ()
    %mul3A_294 = arith.constant 640 : i32
    %mul3A_295 = arith.muli %arg1, %mul3A_294 : i32
    %add3A_296 = arith.constant 128 : i32
    %add3A_297 = arith.addi %mul3A_295, %add3A_296 : i32
    "tpu.region"() ({
      %run_scoped3A = tpu.sem_alloc : memref<!tpu.dma_semaphore, #tpu.memory_space<semaphore_mem>>
      %dma_start3A_355 = arith.constant 0 : i32
      %dma_start3A_356 = tpu.memref_slice %arg17[%add3A_297, %dma_start3A_355] : memref<10240x64xf32, #tpu.memory_space<vmem_shared>> -> memref<128x64xf32, #tpu.memory_space<vmem_shared>>
      %dma_start3A_357 = arith.constant 0 : i32
      %dma_start3A_358 = tpu.memref_slice %arg17[%add3A_297, %dma_start3A_357] : memref<10240x64xf32, #tpu.memory_space<vmem_shared>> -> memref<128x64xf32, #tpu.memory_space<vmem_shared>>
      tpu.enqueue_dma source(%arg15 : memref<128x64xf32, #tpu.memory_space<vmem>>) target(%dma_start3A_358 : memref<128x64xf32, #tpu.memory_space<vmem_shared>>) target_semaphore(%run_scoped3A : memref<!tpu.dma_semaphore, #tpu.memory_space<semaphore_mem>>)
      %dma_wait3A = arith.constant 0 : i32
      %dma_wait3A_359 = tpu.memref_slice %arg17[%add3A_297, %dma_wait3A] : memref<10240x64xf32, #tpu.memory_space<vmem_shared>> -> memref<128x64xf32, #tpu.memory_space<vmem_shared>>
      %dma_wait3A_360 = arith.constant 0 : i32
      %dma_wait3A_361 = tpu.memref_slice %arg17[%add3A_297, %dma_wait3A_360] : memref<10240x64xf32, #tpu.memory_space<vmem_shared>> -> memref<128x64xf32, #tpu.memory_space<vmem_shared>>
      tpu.wait_dma2 semaphore(%run_scoped3A : memref<!tpu.dma_semaphore, #tpu.memory_space<semaphore_mem>>) src(%arg15 : memref<128x64xf32, #tpu.memory_space<vmem>>) dst(%dma_wait3A_361 : memref<128x64xf32, #tpu.memory_space<vmem_shared>>)
      tpu.yield
    }) : () -> ()
    %mul3A_298 = arith.constant 640 : i32
    %mul3A_299 = arith.muli %arg1, %mul3A_298 : i32
    %add3A_300 = arith.constant 256 : i32
    %add3A_301 = arith.addi %mul3A_299, %add3A_300 : i32
    "tpu.region"() ({
      %run_scoped3A = tpu.sem_alloc : memref<!tpu.dma_semaphore, #tpu.memory_space<semaphore_mem>>
      %dma_start3A_355 = arith.constant 0 : i32
      %dma_start3A_356 = tpu.memref_slice %arg17[%add3A_301, %dma_start3A_355] : memref<10240x64xf32, #tpu.memory_space<vmem_shared>> -> memref<128x64xf32, #tpu.memory_space<vmem_shared>>
      %dma_start3A_357 = arith.constant 0 : i32
      %dma_start3A_358 = tpu.memref_slice %arg17[%add3A_301, %dma_start3A_357] : memref<10240x64xf32, #tpu.memory_space<vmem_shared>> -> memref<128x64xf32, #tpu.memory_space<vmem_shared>>
      tpu.enqueue_dma source(%arg15 : memref<128x64xf32, #tpu.memory_space<vmem>>) target(%dma_start3A_358 : memref<128x64xf32, #tpu.memory_space<vmem_shared>>) target_semaphore(%run_scoped3A : memref<!tpu.dma_semaphore, #tpu.memory_space<semaphore_mem>>)
      %dma_wait3A = arith.constant 0 : i32
      %dma_wait3A_359 = tpu.memref_slice %arg17[%add3A_301, %dma_wait3A] : memref<10240x64xf32, #tpu.memory_space<vmem_shared>> -> memref<128x64xf32, #tpu.memory_space<vmem_shared>>
      %dma_wait3A_360 = arith.constant 0 : i32
      %dma_wait3A_361 = tpu.memref_slice %arg17[%add3A_301, %dma_wait3A_360] : memref<10240x64xf32, #tpu.memory_space<vmem_shared>> -> memref<128x64xf32, #tpu.memory_space<vmem_shared>>
      tpu.wait_dma2 semaphore(%run_scoped3A : memref<!tpu.dma_semaphore, #tpu.memory_space<semaphore_mem>>) src(%arg15 : memref<128x64xf32, #tpu.memory_space<vmem>>) dst(%dma_wait3A_361 : memref<128x64xf32, #tpu.memory_space<vmem_shared>>)
      tpu.yield
    }) : () -> ()
    %mul3A_302 = arith.constant 640 : i32
    %mul3A_303 = arith.muli %arg1, %mul3A_302 : i32
    %add3A_304 = arith.constant 384 : i32
    %add3A_305 = arith.addi %mul3A_303, %add3A_304 : i32
    "tpu.region"() ({
      %run_scoped3A = tpu.sem_alloc : memref<!tpu.dma_semaphore, #tpu.memory_space<semaphore_mem>>
      %dma_start3A_355 = arith.constant 0 : i32
      %dma_start3A_356 = tpu.memref_slice %arg17[%add3A_305, %dma_start3A_355] : memref<10240x64xf32, #tpu.memory_space<vmem_shared>> -> memref<128x64xf32, #tpu.memory_space<vmem_shared>>
      %dma_start3A_357 = arith.constant 0 : i32
      %dma_start3A_358 = tpu.memref_slice %arg17[%add3A_305, %dma_start3A_357] : memref<10240x64xf32, #tpu.memory_space<vmem_shared>> -> memref<128x64xf32, #tpu.memory_space<vmem_shared>>
      tpu.enqueue_dma source(%arg15 : memref<128x64xf32, #tpu.memory_space<vmem>>) target(%dma_start3A_358 : memref<128x64xf32, #tpu.memory_space<vmem_shared>>) target_semaphore(%run_scoped3A : memref<!tpu.dma_semaphore, #tpu.memory_space<semaphore_mem>>)
      %dma_wait3A = arith.constant 0 : i32
      %dma_wait3A_359 = tpu.memref_slice %arg17[%add3A_305, %dma_wait3A] : memref<10240x64xf32, #tpu.memory_space<vmem_shared>> -> memref<128x64xf32, #tpu.memory_space<vmem_shared>>
      %dma_wait3A_360 = arith.constant 0 : i32
      %dma_wait3A_361 = tpu.memref_slice %arg17[%add3A_305, %dma_wait3A_360] : memref<10240x64xf32, #tpu.memory_space<vmem_shared>> -> memref<128x64xf32, #tpu.memory_space<vmem_shared>>
      tpu.wait_dma2 semaphore(%run_scoped3A : memref<!tpu.dma_semaphore, #tpu.memory_space<semaphore_mem>>) src(%arg15 : memref<128x64xf32, #tpu.memory_space<vmem>>) dst(%dma_wait3A_361 : memref<128x64xf32, #tpu.memory_space<vmem_shared>>)
      tpu.yield
    }) : () -> ()
    %mul3A_306 = arith.constant 640 : i32
    %mul3A_307 = arith.muli %arg1, %mul3A_306 : i32
    %add3A_308 = arith.constant 512 : i32
    %add3A_309 = arith.addi %mul3A_307, %add3A_308 : i32
    "tpu.region"() ({
      %run_scoped3A = tpu.sem_alloc : memref<!tpu.dma_semaphore, #tpu.memory_space<semaphore_mem>>
      %dma_start3A_355 = arith.constant 0 : i32
      %dma_start3A_356 = tpu.memref_slice %arg17[%add3A_309, %dma_start3A_355] : memref<10240x64xf32, #tpu.memory_space<vmem_shared>> -> memref<128x64xf32, #tpu.memory_space<vmem_shared>>
      %dma_start3A_357 = arith.constant 0 : i32
      %dma_start3A_358 = tpu.memref_slice %arg17[%add3A_309, %dma_start3A_357] : memref<10240x64xf32, #tpu.memory_space<vmem_shared>> -> memref<128x64xf32, #tpu.memory_space<vmem_shared>>
      tpu.enqueue_dma source(%arg15 : memref<128x64xf32, #tpu.memory_space<vmem>>) target(%dma_start3A_358 : memref<128x64xf32, #tpu.memory_space<vmem_shared>>) target_semaphore(%run_scoped3A : memref<!tpu.dma_semaphore, #tpu.memory_space<semaphore_mem>>)
      %dma_wait3A = arith.constant 0 : i32
      %dma_wait3A_359 = tpu.memref_slice %arg17[%add3A_309, %dma_wait3A] : memref<10240x64xf32, #tpu.memory_space<vmem_shared>> -> memref<128x64xf32, #tpu.memory_space<vmem_shared>>
      %dma_wait3A_360 = arith.constant 0 : i32
      %dma_wait3A_361 = tpu.memref_slice %arg17[%add3A_309, %dma_wait3A_360] : memref<10240x64xf32, #tpu.memory_space<vmem_shared>> -> memref<128x64xf32, #tpu.memory_space<vmem_shared>>
      tpu.wait_dma2 semaphore(%run_scoped3A : memref<!tpu.dma_semaphore, #tpu.memory_space<semaphore_mem>>) src(%arg15 : memref<128x64xf32, #tpu.memory_space<vmem>>) dst(%dma_wait3A_361 : memref<128x64xf32, #tpu.memory_space<vmem_shared>>)
      tpu.yield
    }) : () -> ()
    %mul3A_310 = arith.constant 640 : i32
    %mul3A_311 = arith.muli %arg1, %mul3A_310 : i32
    "tpu.region"() ({
      %run_scoped3A = tpu.sem_alloc : memref<!tpu.dma_semaphore, #tpu.memory_space<semaphore_mem>>
      %dma_start3A_355 = tpu.memref_slice %arg18[%mul3A_311] : memref<10240xf32, #tpu.memory_space<vmem_shared>> -> memref<640xf32, #tpu.memory_space<vmem_shared>>
      %dma_start3A_356 = tpu.memref_slice %arg18[%mul3A_311] : memref<10240xf32, #tpu.memory_space<vmem_shared>> -> memref<640xf32, #tpu.memory_space<vmem_shared>>
      tpu.enqueue_dma source(%arg16 : memref<640xf32, #tpu.memory_space<vmem>>) target(%dma_start3A_356 : memref<640xf32, #tpu.memory_space<vmem_shared>>) target_semaphore(%run_scoped3A : memref<!tpu.dma_semaphore, #tpu.memory_space<semaphore_mem>>)
      %dma_wait3A = tpu.memref_slice %arg18[%mul3A_311] : memref<10240xf32, #tpu.memory_space<vmem_shared>> -> memref<640xf32, #tpu.memory_space<vmem_shared>>
      %dma_wait3A_357 = tpu.memref_slice %arg18[%mul3A_311] : memref<10240xf32, #tpu.memory_space<vmem_shared>> -> memref<640xf32, #tpu.memory_space<vmem_shared>>
      tpu.wait_dma2 semaphore(%run_scoped3A : memref<!tpu.dma_semaphore, #tpu.memory_space<semaphore_mem>>) src(%arg16 : memref<640xf32, #tpu.memory_space<vmem>>) dst(%dma_wait3A_357 : memref<640xf32, #tpu.memory_space<vmem_shared>>)
      tpu.yield
    }) : () -> ()
    %barrier3A = arith.constant 0 : index
    tpu.barrier barrier_id(%barrier3A)
    %eq3A = arith.constant 0 : i32
    %eq3A_312 = arith.cmpi eq, %arg0, %eq3A : i32
    %convert_element_type3A = arith.extui %eq3A_312 : i1 to i32
    %cond3A = arith.constant 0 : i32
    %cond3A_313 = arith.cmpi ne, %convert_element_type3A, %cond3A : i32
    scf.if %cond3A_313 {
      "tpu.region"() ({
        %run_scoped3A = tpu.sem_alloc : memref<!tpu.dma_semaphore, #tpu.memory_space<semaphore_mem>>
        %dma_start3A_355 = arith.constant 0 : i32
        %dma_start3A_356 = arith.constant 0 : i32
        %dma_start3A_357 = tpu.memref_slice %arg3[%arg1, %dma_start3A_355, %dma_start3A_356] : memref<16x160x125xi32, #tpu.memory_space<hbm>> -> memref<1x160x125xi32, #tpu.memory_space<hbm>>
        %dma_start3A_358 = tpu.memref_squeeze %dma_start3A_357 : memref<1x160x125xi32, #tpu.memory_space<hbm>> -> memref<160x125xi32, #tpu.memory_space<hbm>>
        %dma_start3A_359 = arith.constant 0 : i32
        %dma_start3A_360 = arith.constant 0 : i32
        %dma_start3A_361 = tpu.memref_slice %arg3[%arg1, %dma_start3A_359, %dma_start3A_360] : memref<16x160x125xi32, #tpu.memory_space<hbm>> -> memref<1x160x125xi32, #tpu.memory_space<hbm>>
        %dma_start3A_362 = tpu.memref_squeeze %dma_start3A_361 : memref<1x160x125xi32, #tpu.memory_space<hbm>> -> memref<160x125xi32, #tpu.memory_space<hbm>>
        tpu.enqueue_dma source(%dma_start3A_362 : memref<160x125xi32, #tpu.memory_space<hbm>>) target(%arg8 : memref<160x125xi32, #tpu.memory_space<vmem>>) target_semaphore(%run_scoped3A : memref<!tpu.dma_semaphore, #tpu.memory_space<semaphore_mem>>)
        %dma_wait3A = arith.constant 0 : i32
        %dma_wait3A_363 = arith.constant 0 : i32
        %dma_wait3A_364 = tpu.memref_slice %arg3[%arg1, %dma_wait3A, %dma_wait3A_363] : memref<16x160x125xi32, #tpu.memory_space<hbm>> -> memref<1x160x125xi32, #tpu.memory_space<hbm>>
        %dma_wait3A_365 = tpu.memref_squeeze %dma_wait3A_364 : memref<1x160x125xi32, #tpu.memory_space<hbm>> -> memref<160x125xi32, #tpu.memory_space<hbm>>
        %dma_wait3A_366 = arith.constant 0 : i32
        %dma_wait3A_367 = arith.constant 0 : i32
        %dma_wait3A_368 = tpu.memref_slice %arg3[%arg1, %dma_wait3A_366, %dma_wait3A_367] : memref<16x160x125xi32, #tpu.memory_space<hbm>> -> memref<1x160x125xi32, #tpu.memory_space<hbm>>
        %dma_wait3A_369 = tpu.memref_squeeze %dma_wait3A_368 : memref<1x160x125xi32, #tpu.memory_space<hbm>> -> memref<160x125xi32, #tpu.memory_space<hbm>>
        tpu.wait_dma2 semaphore(%run_scoped3A : memref<!tpu.dma_semaphore, #tpu.memory_space<semaphore_mem>>) src(%dma_wait3A_369 : memref<160x125xi32, #tpu.memory_space<hbm>>) dst(%arg8 : memref<160x125xi32, #tpu.memory_space<vmem>>)
        tpu.yield
      }) : () -> ()
    } else {
    }
    %eq3A_314 = arith.constant 1 : i32
    %eq3A_315 = arith.cmpi eq, %arg0, %eq3A_314 : i32
    %convert_element_type3A_316 = arith.extui %eq3A_315 : i1 to i32
    %cond3A_317 = arith.constant 0 : i32
    %cond3A_318 = arith.cmpi ne, %convert_element_type3A_316, %cond3A_317 : i32
    scf.if %cond3A_318 {
      "tpu.region"() ({
        %run_scoped3A = tpu.sem_alloc : memref<!tpu.dma_semaphore, #tpu.memory_space<semaphore_mem>>
        %dma_start3A_355 = arith.constant 0 : i32
        %dma_start3A_356 = arith.constant 0 : i32
        %dma_start3A_357 = tpu.memref_slice %arg4[%arg1, %dma_start3A_355, %dma_start3A_356] : memref<16x160x125xi32, #tpu.memory_space<hbm>> -> memref<1x160x125xi32, #tpu.memory_space<hbm>>
        %dma_start3A_358 = tpu.memref_squeeze %dma_start3A_357 : memref<1x160x125xi32, #tpu.memory_space<hbm>> -> memref<160x125xi32, #tpu.memory_space<hbm>>
        %dma_start3A_359 = arith.constant 0 : i32
        %dma_start3A_360 = arith.constant 0 : i32
        %dma_start3A_361 = tpu.memref_slice %arg4[%arg1, %dma_start3A_359, %dma_start3A_360] : memref<16x160x125xi32, #tpu.memory_space<hbm>> -> memref<1x160x125xi32, #tpu.memory_space<hbm>>
        %dma_start3A_362 = tpu.memref_squeeze %dma_start3A_361 : memref<1x160x125xi32, #tpu.memory_space<hbm>> -> memref<160x125xi32, #tpu.memory_space<hbm>>
        tpu.enqueue_dma source(%dma_start3A_362 : memref<160x125xi32, #tpu.memory_space<hbm>>) target(%arg8 : memref<160x125xi32, #tpu.memory_space<vmem>>) target_semaphore(%run_scoped3A : memref<!tpu.dma_semaphore, #tpu.memory_space<semaphore_mem>>)
        %dma_wait3A = arith.constant 0 : i32
        %dma_wait3A_363 = arith.constant 0 : i32
        %dma_wait3A_364 = tpu.memref_slice %arg4[%arg1, %dma_wait3A, %dma_wait3A_363] : memref<16x160x125xi32, #tpu.memory_space<hbm>> -> memref<1x160x125xi32, #tpu.memory_space<hbm>>
        %dma_wait3A_365 = tpu.memref_squeeze %dma_wait3A_364 : memref<1x160x125xi32, #tpu.memory_space<hbm>> -> memref<160x125xi32, #tpu.memory_space<hbm>>
        %dma_wait3A_366 = arith.constant 0 : i32
        %dma_wait3A_367 = arith.constant 0 : i32
        %dma_wait3A_368 = tpu.memref_slice %arg4[%arg1, %dma_wait3A_366, %dma_wait3A_367] : memref<16x160x125xi32, #tpu.memory_space<hbm>> -> memref<1x160x125xi32, #tpu.memory_space<hbm>>
        %dma_wait3A_369 = tpu.memref_squeeze %dma_wait3A_368 : memref<1x160x125xi32, #tpu.memory_space<hbm>> -> memref<160x125xi32, #tpu.memory_space<hbm>>
        tpu.wait_dma2 semaphore(%run_scoped3A : memref<!tpu.dma_semaphore, #tpu.memory_space<semaphore_mem>>) src(%dma_wait3A_369 : memref<160x125xi32, #tpu.memory_space<hbm>>) dst(%arg8 : memref<160x125xi32, #tpu.memory_space<vmem>>)
        tpu.yield
      }) : () -> ()
    } else {
    }
    "tpu.region"() ({
      %run_scoped3A = tpu.sem_alloc : memref<!tpu.dma_semaphore, #tpu.memory_space<semaphore_mem>>
      %dma_start3A_355 = arith.constant 0 : i32
      %dma_start3A_356 = arith.constant 0 : i32
      %dma_start3A_357 = tpu.memref_slice %arg5[%arg1, %dma_start3A_355, %dma_start3A_356] : memref<16x160x125xi32, #tpu.memory_space<hbm>> -> memref<1x160x125xi32, #tpu.memory_space<hbm>>
      %dma_start3A_358 = tpu.memref_squeeze %dma_start3A_357 : memref<1x160x125xi32, #tpu.memory_space<hbm>> -> memref<160x125xi32, #tpu.memory_space<hbm>>
      %dma_start3A_359 = arith.constant 0 : i32
      %dma_start3A_360 = arith.constant 0 : i32
      %dma_start3A_361 = tpu.memref_slice %arg5[%arg1, %dma_start3A_359, %dma_start3A_360] : memref<16x160x125xi32, #tpu.memory_space<hbm>> -> memref<1x160x125xi32, #tpu.memory_space<hbm>>
      %dma_start3A_362 = tpu.memref_squeeze %dma_start3A_361 : memref<1x160x125xi32, #tpu.memory_space<hbm>> -> memref<160x125xi32, #tpu.memory_space<hbm>>
      tpu.enqueue_dma source(%dma_start3A_362 : memref<160x125xi32, #tpu.memory_space<hbm>>) target(%arg9 : memref<160x125xi32, #tpu.memory_space<vmem>>) target_semaphore(%run_scoped3A : memref<!tpu.dma_semaphore, #tpu.memory_space<semaphore_mem>>)
      %dma_wait3A = arith.constant 0 : i32
      %dma_wait3A_363 = arith.constant 0 : i32
      %dma_wait3A_364 = tpu.memref_slice %arg5[%arg1, %dma_wait3A, %dma_wait3A_363] : memref<16x160x125xi32, #tpu.memory_space<hbm>> -> memref<1x160x125xi32, #tpu.memory_space<hbm>>
      %dma_wait3A_365 = tpu.memref_squeeze %dma_wait3A_364 : memref<1x160x125xi32, #tpu.memory_space<hbm>> -> memref<160x125xi32, #tpu.memory_space<hbm>>
      %dma_wait3A_366 = arith.constant 0 : i32
      %dma_wait3A_367 = arith.constant 0 : i32
      %dma_wait3A_368 = tpu.memref_slice %arg5[%arg1, %dma_wait3A_366, %dma_wait3A_367] : memref<16x160x125xi32, #tpu.memory_space<hbm>> -> memref<1x160x125xi32, #tpu.memory_space<hbm>>
      %dma_wait3A_369 = tpu.memref_squeeze %dma_wait3A_368 : memref<1x160x125xi32, #tpu.memory_space<hbm>> -> memref<160x125xi32, #tpu.memory_space<hbm>>
      tpu.wait_dma2 semaphore(%run_scoped3A : memref<!tpu.dma_semaphore, #tpu.memory_space<semaphore_mem>>) src(%dma_wait3A_369 : memref<160x125xi32, #tpu.memory_space<hbm>>) dst(%arg9 : memref<160x125xi32, #tpu.memory_space<vmem>>)
      tpu.yield
    }) : () -> ()
    %dma_start3A = arith.constant 0 : i32
    %dma_start3A_319 = arith.constant 0 : i32
    %dma_start3A_320 = tpu.memref_slice %arg8[%dma_start3A, %dma_start3A_319] : memref<160x125xi32, #tpu.memory_space<vmem>> -> memref<1x125xi32, #tpu.memory_space<vmem>>
    %dma_start3A_321 = tpu.memref_squeeze %dma_start3A_320 : memref<1x125xi32, #tpu.memory_space<vmem>> -> memref<125xi32, #tpu.memory_space<vmem>>
    %dma_start3A_322 = arith.constant 0 : i32
    %dma_start3A_323 = arith.constant 0 : i32
    %dma_start3A_324 = tpu.memref_slice %arg2[%dma_start3A_322, %dma_start3A_323] : memref<20000x64xf32, #tpu.memory_space<hbm>> -> memref<20000x64xf32, #tpu.memory_space<hbm>>
    tpu.enqueue_indirect_dma source(%dma_start3A_324 : memref<20000x64xf32, #tpu.memory_space<hbm>>) target(%arg10 : memref<125x64xf32, #tpu.memory_space<vmem>>) offsets(%dma_start3A_321 : memref<125xi32, #tpu.memory_space<vmem>>) semaphore(%arg19 : memref<!tpu.dma_semaphore, #tpu.memory_space<semaphore_mem>>)
    %dma_start3A_325 = arith.constant 1 : i32
    %dma_start3A_326 = arith.constant 0 : i32
    %dma_start3A_327 = tpu.memref_slice %arg8[%dma_start3A_325, %dma_start3A_326] : memref<160x125xi32, #tpu.memory_space<vmem>> -> memref<1x125xi32, #tpu.memory_space<vmem>>
    %dma_start3A_328 = tpu.memref_squeeze %dma_start3A_327 : memref<1x125xi32, #tpu.memory_space<vmem>> -> memref<125xi32, #tpu.memory_space<vmem>>
    %dma_start3A_329 = arith.constant 0 : i32
    %dma_start3A_330 = arith.constant 0 : i32
    %dma_start3A_331 = tpu.memref_slice %arg2[%dma_start3A_329, %dma_start3A_330] : memref<20000x64xf32, #tpu.memory_space<hbm>> -> memref<20000x64xf32, #tpu.memory_space<hbm>>
    tpu.enqueue_indirect_dma source(%dma_start3A_331 : memref<20000x64xf32, #tpu.memory_space<hbm>>) target(%arg11 : memref<125x64xf32, #tpu.memory_space<vmem>>) offsets(%dma_start3A_328 : memref<125xi32, #tpu.memory_space<vmem>>) semaphore(%arg20 : memref<!tpu.dma_semaphore, #tpu.memory_space<semaphore_mem>>)
    %dma_start3A_332 = arith.constant 2 : i32
    %dma_start3A_333 = arith.constant 0 : i32
    %dma_start3A_334 = tpu.memref_slice %arg8[%dma_start3A_332, %dma_start3A_333] : memref<160x125xi32, #tpu.memory_space<vmem>> -> memref<1x125xi32, #tpu.memory_space<vmem>>
    %dma_start3A_335 = tpu.memref_squeeze %dma_start3A_334 : memref<1x125xi32, #tpu.memory_space<vmem>> -> memref<125xi32, #tpu.memory_space<vmem>>
    %dma_start3A_336 = arith.constant 0 : i32
    %dma_start3A_337 = arith.constant 0 : i32
    %dma_start3A_338 = tpu.memref_slice %arg2[%dma_start3A_336, %dma_start3A_337] : memref<20000x64xf32, #tpu.memory_space<hbm>> -> memref<20000x64xf32, #tpu.memory_space<hbm>>
    tpu.enqueue_indirect_dma source(%dma_start3A_338 : memref<20000x64xf32, #tpu.memory_space<hbm>>) target(%arg12 : memref<125x64xf32, #tpu.memory_space<vmem>>) offsets(%dma_start3A_335 : memref<125xi32, #tpu.memory_space<vmem>>) semaphore(%arg21 : memref<!tpu.dma_semaphore, #tpu.memory_space<semaphore_mem>>)
    %scan3A_339 = arith.constant 0 : i32
    %scan3A_340 = arith.constant 0 : i32
    %scan3A_341 = arith.constant 40 : i32
    %scan3A_342 = arith.addi %scan3A_340, %scan3A_341 : i32
    %scan3A_343 = arith.constant 1 : i32
    %scan3A_344 = scf.for %scan3A_355 = %scan3A_340 to %scan3A_342 step %scan3A_343 iter_args(%scan3A_356 = %scan3A_339) -> (i32)  : i32 {
      %mul3A_357 = arith.constant 4 : i32
      %mul3A_358 = arith.muli %mul3A_357, %scan3A_355 : i32
      %add3A_359 = arith.constant 0 : i32
      %add3A_360 = arith.addi %mul3A_358, %add3A_359 : i32
      %add3A_361 = arith.constant 4 : i32
      %add3A_362 = arith.addi %add3A_360, %add3A_361 : i32
      %sub3A = arith.constant 1 : i32
      %sub3A_363 = arith.subi %add3A_362, %sub3A : i32
      %lt3A = arith.constant 160 : i32
      %lt3A_364 = arith.cmpi slt, %sub3A_363, %lt3A : i32
      %convert_element_type3A_365 = arith.extui %lt3A_364 : i1 to i32
      %cond3A_366 = arith.constant 0 : i32
      %cond3A_367 = arith.cmpi ne, %convert_element_type3A_365, %cond3A_366 : i32
      scf.if %cond3A_367 {
        %add3A_451 = arith.constant 4 : i32
        %add3A_452 = arith.addi %add3A_360, %add3A_451 : i32
        %sub3A_453 = arith.constant 1 : i32
        %sub3A_454 = arith.subi %add3A_452, %sub3A_453 : i32
        %dma_start3A_455 = arith.constant 0 : i32
        %dma_start3A_456 = tpu.memref_slice %arg8[%sub3A_454, %dma_start3A_455] : memref<160x125xi32, #tpu.memory_space<vmem>> -> memref<1x125xi32, #tpu.memory_space<vmem>>
        %dma_start3A_457 = tpu.memref_squeeze %dma_start3A_456 : memref<1x125xi32, #tpu.memory_space<vmem>> -> memref<125xi32, #tpu.memory_space<vmem>>
        %dma_start3A_458 = arith.constant 0 : i32
        %dma_start3A_459 = arith.constant 0 : i32
        %dma_start3A_460 = tpu.memref_slice %arg2[%dma_start3A_458, %dma_start3A_459] : memref<20000x64xf32, #tpu.memory_space<hbm>> -> memref<20000x64xf32, #tpu.memory_space<hbm>>
        tpu.enqueue_indirect_dma source(%dma_start3A_460 : memref<20000x64xf32, #tpu.memory_space<hbm>>) target(%arg13 : memref<125x64xf32, #tpu.memory_space<vmem>>) offsets(%dma_start3A_457 : memref<125xi32, #tpu.memory_space<vmem>>) semaphore(%arg22 : memref<!tpu.dma_semaphore, #tpu.memory_space<semaphore_mem>>)
      } else {
      }
      %dma_wait3A = arith.constant 0 : i32
      %dma_wait3A_368 = tpu.memref_slice %arg8[%add3A_360, %dma_wait3A] : memref<160x125xi32, #tpu.memory_space<vmem>> -> memref<1x125xi32, #tpu.memory_space<vmem>>
      %dma_wait3A_369 = tpu.memref_squeeze %dma_wait3A_368 : memref<1x125xi32, #tpu.memory_space<vmem>> -> memref<125xi32, #tpu.memory_space<vmem>>
      %dma_wait3A_370 = arith.constant 0 : i32
      %dma_wait3A_371 = arith.constant 0 : i32
      %dma_wait3A_372 = tpu.memref_slice %arg2[%dma_wait3A_370, %dma_wait3A_371] : memref<20000x64xf32, #tpu.memory_space<hbm>> -> memref<20000x64xf32, #tpu.memory_space<hbm>>
      tpu.wait_indirect_dma semaphore(%arg19 : memref<!tpu.dma_semaphore, #tpu.memory_space<semaphore_mem>>) src(%dma_wait3A_372 : memref<20000x64xf32, #tpu.memory_space<hbm>>) dst(%arg10 : memref<125x64xf32, #tpu.memory_space<vmem>>)
      "tpu.region"() ({
        %run_scoped3A = tpu.sem_alloc : memref<!tpu.dma_semaphore, #tpu.memory_space<semaphore_mem>>
        %dma_start3A_451 = arith.constant 0 : i32
        %dma_start3A_452 = tpu.memref_slice %arg9[%add3A_360, %dma_start3A_451] : memref<160x125xi32, #tpu.memory_space<vmem>> -> memref<1x125xi32, #tpu.memory_space<vmem>>
        %dma_start3A_453 = tpu.memref_squeeze %dma_start3A_452 : memref<1x125xi32, #tpu.memory_space<vmem>> -> memref<125xi32, #tpu.memory_space<vmem>>
        %dma_start3A_454 = arith.constant 0 : i32
        %dma_start3A_455 = arith.constant 0 : i32
        %dma_start3A_456 = tpu.memref_slice %arg17[%dma_start3A_454, %dma_start3A_455] : memref<10240x64xf32, #tpu.memory_space<vmem_shared>> -> memref<10240x64xf32, #tpu.memory_space<vmem_shared>>
        tpu.enqueue_indirect_dma source(%arg10 : memref<125x64xf32, #tpu.memory_space<vmem>>) target(%dma_start3A_456 : memref<10240x64xf32, #tpu.memory_space<vmem_shared>>) offsets(%dma_start3A_453 : memref<125xi32, #tpu.memory_space<vmem>>) semaphore(%run_scoped3A : memref<!tpu.dma_semaphore, #tpu.memory_space<semaphore_mem>>) {add = true}
        %dma_wait3A_457 = arith.constant 0 : i32
        %dma_wait3A_458 = tpu.memref_slice %arg9[%add3A_360, %dma_wait3A_457] : memref<160x125xi32, #tpu.memory_space<vmem>> -> memref<1x125xi32, #tpu.memory_space<vmem>>
        %dma_wait3A_459 = tpu.memref_squeeze %dma_wait3A_458 : memref<1x125xi32, #tpu.memory_space<vmem>> -> memref<125xi32, #tpu.memory_space<vmem>>
        %dma_wait3A_460 = arith.constant 0 : i32
        %dma_wait3A_461 = arith.constant 0 : i32
        %dma_wait3A_462 = tpu.memref_slice %arg17[%dma_wait3A_460, %dma_wait3A_461] : memref<10240x64xf32, #tpu.memory_space<vmem_shared>> -> memref<10240x64xf32, #tpu.memory_space<vmem_shared>>
        tpu.wait_indirect_dma semaphore(%run_scoped3A : memref<!tpu.dma_semaphore, #tpu.memory_space<semaphore_mem>>) src(%arg10 : memref<125x64xf32, #tpu.memory_space<vmem>>) dst(%dma_wait3A_462 : memref<10240x64xf32, #tpu.memory_space<vmem_shared>>)
        tpu.yield
      }) : () -> ()
      %eq3A_373 = arith.constant 0 : i32
      %eq3A_374 = arith.cmpi eq, %arg0, %eq3A_373 : i32
      %convert_element_type3A_375 = arith.extui %eq3A_374 : i1 to i32
      %cond3A_376 = arith.constant 0 : i32
      %cond3A_377 = arith.cmpi ne, %convert_element_type3A_375, %cond3A_376 : i32
      scf.if %cond3A_377 {
        "tpu.region"() ({
          %run_scoped3A = tpu.sem_alloc : memref<!tpu.dma_semaphore, #tpu.memory_space<semaphore_mem>>
          %dma_start3A_451 = arith.constant 0 : i32
          %dma_start3A_452 = tpu.memref_slice %arg14[%dma_start3A_451] : memref<128xf32, #tpu.memory_space<vmem>> -> memref<125xf32, #tpu.memory_space<vmem>>
          %dma_start3A_453 = arith.constant 0 : i32
          %dma_start3A_454 = tpu.memref_slice %arg9[%add3A_360, %dma_start3A_453] : memref<160x125xi32, #tpu.memory_space<vmem>> -> memref<1x125xi32, #tpu.memory_space<vmem>>
          %dma_start3A_455 = tpu.memref_squeeze %dma_start3A_454 : memref<1x125xi32, #tpu.memory_space<vmem>> -> memref<125xi32, #tpu.memory_space<vmem>>
          %dma_start3A_456 = arith.constant 0 : i32
          %dma_start3A_457 = tpu.memref_slice %arg18[%dma_start3A_456] : memref<10240xf32, #tpu.memory_space<vmem_shared>> -> memref<10240xf32, #tpu.memory_space<vmem_shared>>
          tpu.enqueue_indirect_dma source(%dma_start3A_452 : memref<125xf32, #tpu.memory_space<vmem>>) target(%dma_start3A_457 : memref<10240xf32, #tpu.memory_space<vmem_shared>>) offsets(%dma_start3A_455 : memref<125xi32, #tpu.memory_space<vmem>>) semaphore(%run_scoped3A : memref<!tpu.dma_semaphore, #tpu.memory_space<semaphore_mem>>) {add = true}
          %dma_wait3A_458 = arith.constant 0 : i32
          %dma_wait3A_459 = tpu.memref_slice %arg14[%dma_wait3A_458] : memref<128xf32, #tpu.memory_space<vmem>> -> memref<125xf32, #tpu.memory_space<vmem>>
          %dma_wait3A_460 = arith.constant 0 : i32
          %dma_wait3A_461 = tpu.memref_slice %arg9[%add3A_360, %dma_wait3A_460] : memref<160x125xi32, #tpu.memory_space<vmem>> -> memref<1x125xi32, #tpu.memory_space<vmem>>
          %dma_wait3A_462 = tpu.memref_squeeze %dma_wait3A_461 : memref<1x125xi32, #tpu.memory_space<vmem>> -> memref<125xi32, #tpu.memory_space<vmem>>
          %dma_wait3A_463 = arith.constant 0 : i32
          %dma_wait3A_464 = tpu.memref_slice %arg18[%dma_wait3A_463] : memref<10240xf32, #tpu.memory_space<vmem_shared>> -> memref<10240xf32, #tpu.memory_space<vmem_shared>>
          tpu.wait_indirect_dma semaphore(%run_scoped3A : memref<!tpu.dma_semaphore, #tpu.memory_space<semaphore_mem>>) src(%dma_wait3A_459 : memref<125xf32, #tpu.memory_space<vmem>>) dst(%dma_wait3A_464 : memref<10240xf32, #tpu.memory_space<vmem_shared>>)
          tpu.yield
        }) : () -> ()
      } else {
      }
      %mul3A_378 = arith.constant 4 : i32
      %mul3A_379 = arith.muli %mul3A_378, %scan3A_355 : i32
      %add3A_380 = arith.constant 1 : i32
      %add3A_381 = arith.addi %mul3A_379, %add3A_380 : i32
      %add3A_382 = arith.constant 4 : i32
      %add3A_383 = arith.addi %add3A_381, %add3A_382 : i32
      %sub3A_384 = arith.constant 1 : i32
      %sub3A_385 = arith.subi %add3A_383, %sub3A_384 : i32
      %lt3A_386 = arith.constant 160 : i32
      %lt3A_387 = arith.cmpi slt, %sub3A_385, %lt3A_386 : i32
      %convert_element_type3A_388 = arith.extui %lt3A_387 : i1 to i32
      %cond3A_389 = arith.constant 0 : i32
      %cond3A_390 = arith.cmpi ne, %convert_element_type3A_388, %cond3A_389 : i32
      scf.if %cond3A_390 {
        %add3A_451 = arith.constant 4 : i32
        %add3A_452 = arith.addi %add3A_381, %add3A_451 : i32
        %sub3A_453 = arith.constant 1 : i32
        %sub3A_454 = arith.subi %add3A_452, %sub3A_453 : i32
        %dma_start3A_455 = arith.constant 0 : i32
        %dma_start3A_456 = tpu.memref_slice %arg8[%sub3A_454, %dma_start3A_455] : memref<160x125xi32, #tpu.memory_space<vmem>> -> memref<1x125xi32, #tpu.memory_space<vmem>>
        %dma_start3A_457 = tpu.memref_squeeze %dma_start3A_456 : memref<1x125xi32, #tpu.memory_space<vmem>> -> memref<125xi32, #tpu.memory_space<vmem>>
        %dma_start3A_458 = arith.constant 0 : i32
        %dma_start3A_459 = arith.constant 0 : i32
        %dma_start3A_460 = tpu.memref_slice %arg2[%dma_start3A_458, %dma_start3A_459] : memref<20000x64xf32, #tpu.memory_space<hbm>> -> memref<20000x64xf32, #tpu.memory_space<hbm>>
        tpu.enqueue_indirect_dma source(%dma_start3A_460 : memref<20000x64xf32, #tpu.memory_space<hbm>>) target(%arg10 : memref<125x64xf32, #tpu.memory_space<vmem>>) offsets(%dma_start3A_457 : memref<125xi32, #tpu.memory_space<vmem>>) semaphore(%arg19 : memref<!tpu.dma_semaphore, #tpu.memory_space<semaphore_mem>>)
      } else {
      }
      %dma_wait3A_391 = arith.constant 0 : i32
      %dma_wait3A_392 = tpu.memref_slice %arg8[%add3A_381, %dma_wait3A_391] : memref<160x125xi32, #tpu.memory_space<vmem>> -> memref<1x125xi32, #tpu.memory_space<vmem>>
      %dma_wait3A_393 = tpu.memref_squeeze %dma_wait3A_392 : memref<1x125xi32, #tpu.memory_space<vmem>> -> memref<125xi32, #tpu.memory_space<vmem>>
      %dma_wait3A_394 = arith.constant 0 : i32
      %dma_wait3A_395 = arith.constant 0 : i32
      %dma_wait3A_396 = tpu.memref_slice %arg2[%dma_wait3A_394, %dma_wait3A_395] : memref<20000x64xf32, #tpu.memory_space<hbm>> -> memref<20000x64xf32, #tpu.memory_space<hbm>>
      tpu.wait_indirect_dma semaphore(%arg20 : memref<!tpu.dma_semaphore, #tpu.memory_space<semaphore_mem>>) src(%dma_wait3A_396 : memref<20000x64xf32, #tpu.memory_space<hbm>>) dst(%arg11 : memref<125x64xf32, #tpu.memory_space<vmem>>)
      "tpu.region"() ({
        %run_scoped3A = tpu.sem_alloc : memref<!tpu.dma_semaphore, #tpu.memory_space<semaphore_mem>>
        %dma_start3A_451 = arith.constant 0 : i32
        %dma_start3A_452 = tpu.memref_slice %arg9[%add3A_381, %dma_start3A_451] : memref<160x125xi32, #tpu.memory_space<vmem>> -> memref<1x125xi32, #tpu.memory_space<vmem>>
        %dma_start3A_453 = tpu.memref_squeeze %dma_start3A_452 : memref<1x125xi32, #tpu.memory_space<vmem>> -> memref<125xi32, #tpu.memory_space<vmem>>
        %dma_start3A_454 = arith.constant 0 : i32
        %dma_start3A_455 = arith.constant 0 : i32
        %dma_start3A_456 = tpu.memref_slice %arg17[%dma_start3A_454, %dma_start3A_455] : memref<10240x64xf32, #tpu.memory_space<vmem_shared>> -> memref<10240x64xf32, #tpu.memory_space<vmem_shared>>
        tpu.enqueue_indirect_dma source(%arg11 : memref<125x64xf32, #tpu.memory_space<vmem>>) target(%dma_start3A_456 : memref<10240x64xf32, #tpu.memory_space<vmem_shared>>) offsets(%dma_start3A_453 : memref<125xi32, #tpu.memory_space<vmem>>) semaphore(%run_scoped3A : memref<!tpu.dma_semaphore, #tpu.memory_space<semaphore_mem>>) {add = true}
        %dma_wait3A_457 = arith.constant 0 : i32
        %dma_wait3A_458 = tpu.memref_slice %arg9[%add3A_381, %dma_wait3A_457] : memref<160x125xi32, #tpu.memory_space<vmem>> -> memref<1x125xi32, #tpu.memory_space<vmem>>
        %dma_wait3A_459 = tpu.memref_squeeze %dma_wait3A_458 : memref<1x125xi32, #tpu.memory_space<vmem>> -> memref<125xi32, #tpu.memory_space<vmem>>
        %dma_wait3A_460 = arith.constant 0 : i32
        %dma_wait3A_461 = arith.constant 0 : i32
        %dma_wait3A_462 = tpu.memref_slice %arg17[%dma_wait3A_460, %dma_wait3A_461] : memref<10240x64xf32, #tpu.memory_space<vmem_shared>> -> memref<10240x64xf32, #tpu.memory_space<vmem_shared>>
        tpu.wait_indirect_dma semaphore(%run_scoped3A : memref<!tpu.dma_semaphore, #tpu.memory_space<semaphore_mem>>) src(%arg11 : memref<125x64xf32, #tpu.memory_space<vmem>>) dst(%dma_wait3A_462 : memref<10240x64xf32, #tpu.memory_space<vmem_shared>>)
        tpu.yield
      }) : () -> ()
      %eq3A_397 = arith.constant 1 : i32
      %eq3A_398 = arith.cmpi eq, %arg0, %eq3A_397 : i32
      %convert_element_type3A_399 = arith.extui %eq3A_398 : i1 to i32
      %cond3A_400 = arith.constant 0 : i32
      %cond3A_401 = arith.cmpi ne, %convert_element_type3A_399, %cond3A_400 : i32
      scf.if %cond3A_401 {
        "tpu.region"() ({
          %run_scoped3A = tpu.sem_alloc : memref<!tpu.dma_semaphore, #tpu.memory_space<semaphore_mem>>
          %dma_start3A_451 = arith.constant 0 : i32
          %dma_start3A_452 = tpu.memref_slice %arg14[%dma_start3A_451] : memref<128xf32, #tpu.memory_space<vmem>> -> memref<125xf32, #tpu.memory_space<vmem>>
          %dma_start3A_453 = arith.constant 0 : i32
          %dma_start3A_454 = tpu.memref_slice %arg9[%add3A_381, %dma_start3A_453] : memref<160x125xi32, #tpu.memory_space<vmem>> -> memref<1x125xi32, #tpu.memory_space<vmem>>
          %dma_start3A_455 = tpu.memref_squeeze %dma_start3A_454 : memref<1x125xi32, #tpu.memory_space<vmem>> -> memref<125xi32, #tpu.memory_space<vmem>>
          %dma_start3A_456 = arith.constant 0 : i32
          %dma_start3A_457 = tpu.memref_slice %arg18[%dma_start3A_456] : memref<10240xf32, #tpu.memory_space<vmem_shared>> -> memref<10240xf32, #tpu.memory_space<vmem_shared>>
          tpu.enqueue_indirect_dma source(%dma_start3A_452 : memref<125xf32, #tpu.memory_space<vmem>>) target(%dma_start3A_457 : memref<10240xf32, #tpu.memory_space<vmem_shared>>) offsets(%dma_start3A_455 : memref<125xi32, #tpu.memory_space<vmem>>) semaphore(%run_scoped3A : memref<!tpu.dma_semaphore, #tpu.memory_space<semaphore_mem>>) {add = true}
          %dma_wait3A_458 = arith.constant 0 : i32
          %dma_wait3A_459 = tpu.memref_slice %arg14[%dma_wait3A_458] : memref<128xf32, #tpu.memory_space<vmem>> -> memref<125xf32, #tpu.memory_space<vmem>>
          %dma_wait3A_460 = arith.constant 0 : i32
          %dma_wait3A_461 = tpu.memref_slice %arg9[%add3A_381, %dma_wait3A_460] : memref<160x125xi32, #tpu.memory_space<vmem>> -> memref<1x125xi32, #tpu.memory_space<vmem>>
          %dma_wait3A_462 = tpu.memref_squeeze %dma_wait3A_461 : memref<1x125xi32, #tpu.memory_space<vmem>> -> memref<125xi32, #tpu.memory_space<vmem>>
          %dma_wait3A_463 = arith.constant 0 : i32
          %dma_wait3A_464 = tpu.memref_slice %arg18[%dma_wait3A_463] : memref<10240xf32, #tpu.memory_space<vmem_shared>> -> memref<10240xf32, #tpu.memory_space<vmem_shared>>
          tpu.wait_indirect_dma semaphore(%run_scoped3A : memref<!tpu.dma_semaphore, #tpu.memory_space<semaphore_mem>>) src(%dma_wait3A_459 : memref<125xf32, #tpu.memory_space<vmem>>) dst(%dma_wait3A_464 : memref<10240xf32, #tpu.memory_space<vmem_shared>>)
          tpu.yield
        }) : () -> ()
      } else {
      }
      %mul3A_402 = arith.constant 4 : i32
      %mul3A_403 = arith.muli %mul3A_402, %scan3A_355 : i32
      %add3A_404 = arith.constant 2 : i32
      %add3A_405 = arith.addi %mul3A_403, %add3A_404 : i32
      %add3A_406 = arith.constant 4 : i32
      %add3A_407 = arith.addi %add3A_405, %add3A_406 : i32
      %sub3A_408 = arith.constant 1 : i32
      %sub3A_409 = arith.subi %add3A_407, %sub3A_408 : i32
      %lt3A_410 = arith.constant 160 : i32
      %lt3A_411 = arith.cmpi slt, %sub3A_409, %lt3A_410 : i32
      %convert_element_type3A_412 = arith.extui %lt3A_411 : i1 to i32
      %cond3A_413 = arith.constant 0 : i32
      %cond3A_414 = arith.cmpi ne, %convert_element_type3A_412, %cond3A_413 : i32
      scf.if %cond3A_414 {
        %add3A_451 = arith.constant 4 : i32
        %add3A_452 = arith.addi %add3A_405, %add3A_451 : i32
        %sub3A_453 = arith.constant 1 : i32
        %sub3A_454 = arith.subi %add3A_452, %sub3A_453 : i32
        %dma_start3A_455 = arith.constant 0 : i32
        %dma_start3A_456 = tpu.memref_slice %arg8[%sub3A_454, %dma_start3A_455] : memref<160x125xi32, #tpu.memory_space<vmem>> -> memref<1x125xi32, #tpu.memory_space<vmem>>
        %dma_start3A_457 = tpu.memref_squeeze %dma_start3A_456 : memref<1x125xi32, #tpu.memory_space<vmem>> -> memref<125xi32, #tpu.memory_space<vmem>>
        %dma_start3A_458 = arith.constant 0 : i32
        %dma_start3A_459 = arith.constant 0 : i32
        %dma_start3A_460 = tpu.memref_slice %arg2[%dma_start3A_458, %dma_start3A_459] : memref<20000x64xf32, #tpu.memory_space<hbm>> -> memref<20000x64xf32, #tpu.memory_space<hbm>>
        tpu.enqueue_indirect_dma source(%dma_start3A_460 : memref<20000x64xf32, #tpu.memory_space<hbm>>) target(%arg11 : memref<125x64xf32, #tpu.memory_space<vmem>>) offsets(%dma_start3A_457 : memref<125xi32, #tpu.memory_space<vmem>>) semaphore(%arg20 : memref<!tpu.dma_semaphore, #tpu.memory_space<semaphore_mem>>)
      } else {
      }
      %dma_wait3A_415 = arith.constant 0 : i32
      %dma_wait3A_416 = tpu.memref_slice %arg8[%add3A_405, %dma_wait3A_415] : memref<160x125xi32, #tpu.memory_space<vmem>> -> memref<1x125xi32, #tpu.memory_space<vmem>>
      %dma_wait3A_417 = tpu.memref_squeeze %dma_wait3A_416 : memref<1x125xi32, #tpu.memory_space<vmem>> -> memref<125xi32, #tpu.memory_space<vmem>>
      %dma_wait3A_418 = arith.constant 0 : i32
      %dma_wait3A_419 = arith.constant 0 : i32
      %dma_wait3A_420 = tpu.memref_slice %arg2[%dma_wait3A_418, %dma_wait3A_419] : memref<20000x64xf32, #tpu.memory_space<hbm>> -> memref<20000x64xf32, #tpu.memory_space<hbm>>
      tpu.wait_indirect_dma semaphore(%arg21 : memref<!tpu.dma_semaphore, #tpu.memory_space<semaphore_mem>>) src(%dma_wait3A_420 : memref<20000x64xf32, #tpu.memory_space<hbm>>) dst(%arg12 : memref<125x64xf32, #tpu.memory_space<vmem>>)
      "tpu.region"() ({
        %run_scoped3A = tpu.sem_alloc : memref<!tpu.dma_semaphore, #tpu.memory_space<semaphore_mem>>
        %dma_start3A_451 = arith.constant 0 : i32
        %dma_start3A_452 = tpu.memref_slice %arg9[%add3A_405, %dma_start3A_451] : memref<160x125xi32, #tpu.memory_space<vmem>> -> memref<1x125xi32, #tpu.memory_space<vmem>>
        %dma_start3A_453 = tpu.memref_squeeze %dma_start3A_452 : memref<1x125xi32, #tpu.memory_space<vmem>> -> memref<125xi32, #tpu.memory_space<vmem>>
        %dma_start3A_454 = arith.constant 0 : i32
        %dma_start3A_455 = arith.constant 0 : i32
        %dma_start3A_456 = tpu.memref_slice %arg17[%dma_start3A_454, %dma_start3A_455] : memref<10240x64xf32, #tpu.memory_space<vmem_shared>> -> memref<10240x64xf32, #tpu.memory_space<vmem_shared>>
        tpu.enqueue_indirect_dma source(%arg12 : memref<125x64xf32, #tpu.memory_space<vmem>>) target(%dma_start3A_456 : memref<10240x64xf32, #tpu.memory_space<vmem_shared>>) offsets(%dma_start3A_453 : memref<125xi32, #tpu.memory_space<vmem>>) semaphore(%run_scoped3A : memref<!tpu.dma_semaphore, #tpu.memory_space<semaphore_mem>>) {add = true}
        %dma_wait3A_457 = arith.constant 0 : i32
        %dma_wait3A_458 = tpu.memref_slice %arg9[%add3A_405, %dma_wait3A_457] : memref<160x125xi32, #tpu.memory_space<vmem>> -> memref<1x125xi32, #tpu.memory_space<vmem>>
        %dma_wait3A_459 = tpu.memref_squeeze %dma_wait3A_458 : memref<1x125xi32, #tpu.memory_space<vmem>> -> memref<125xi32, #tpu.memory_space<vmem>>
        %dma_wait3A_460 = arith.constant 0 : i32
        %dma_wait3A_461 = arith.constant 0 : i32
        %dma_wait3A_462 = tpu.memref_slice %arg17[%dma_wait3A_460, %dma_wait3A_461] : memref<10240x64xf32, #tpu.memory_space<vmem_shared>> -> memref<10240x64xf32, #tpu.memory_space<vmem_shared>>
        tpu.wait_indirect_dma semaphore(%run_scoped3A : memref<!tpu.dma_semaphore, #tpu.memory_space<semaphore_mem>>) src(%arg12 : memref<125x64xf32, #tpu.memory_space<vmem>>) dst(%dma_wait3A_462 : memref<10240x64xf32, #tpu.memory_space<vmem_shared>>)
        tpu.yield
      }) : () -> ()
      %eq3A_421 = arith.constant 0 : i32
      %eq3A_422 = arith.cmpi eq, %arg0, %eq3A_421 : i32
      %convert_element_type3A_423 = arith.extui %eq3A_422 : i1 to i32
      %cond3A_424 = arith.constant 0 : i32
      %cond3A_425 = arith.cmpi ne, %convert_element_type3A_423, %cond3A_424 : i32
      scf.if %cond3A_425 {
        "tpu.region"() ({
          %run_scoped3A = tpu.sem_alloc : memref<!tpu.dma_semaphore, #tpu.memory_space<semaphore_mem>>
          %dma_start3A_451 = arith.constant 0 : i32
          %dma_start3A_452 = tpu.memref_slice %arg14[%dma_start3A_451] : memref<128xf32, #tpu.memory_space<vmem>> -> memref<125xf32, #tpu.memory_space<vmem>>
          %dma_start3A_453 = arith.constant 0 : i32
          %dma_start3A_454 = tpu.memref_slice %arg9[%add3A_405, %dma_start3A_453] : memref<160x125xi32, #tpu.memory_space<vmem>> -> memref<1x125xi32, #tpu.memory_space<vmem>>
          %dma_start3A_455 = tpu.memref_squeeze %dma_start3A_454 : memref<1x125xi32, #tpu.memory_space<vmem>> -> memref<125xi32, #tpu.memory_space<vmem>>
          %dma_start3A_456 = arith.constant 0 : i32
          %dma_start3A_457 = tpu.memref_slice %arg18[%dma_start3A_456] : memref<10240xf32, #tpu.memory_space<vmem_shared>> -> memref<10240xf32, #tpu.memory_space<vmem_shared>>
          tpu.enqueue_indirect_dma source(%dma_start3A_452 : memref<125xf32, #tpu.memory_space<vmem>>) target(%dma_start3A_457 : memref<10240xf32, #tpu.memory_space<vmem_shared>>) offsets(%dma_start3A_455 : memref<125xi32, #tpu.memory_space<vmem>>) semaphore(%run_scoped3A : memref<!tpu.dma_semaphore, #tpu.memory_space<semaphore_mem>>) {add = true}
          %dma_wait3A_458 = arith.constant 0 : i32
          %dma_wait3A_459 = tpu.memref_slice %arg14[%dma_wait3A_458] : memref<128xf32, #tpu.memory_space<vmem>> -> memref<125xf32, #tpu.memory_space<vmem>>
          %dma_wait3A_460 = arith.constant 0 : i32
          %dma_wait3A_461 = tpu.memref_slice %arg9[%add3A_405, %dma_wait3A_460] : memref<160x125xi32, #tpu.memory_space<vmem>> -> memref<1x125xi32, #tpu.memory_space<vmem>>
          %dma_wait3A_462 = tpu.memref_squeeze %dma_wait3A_461 : memref<1x125xi32, #tpu.memory_space<vmem>> -> memref<125xi32, #tpu.memory_space<vmem>>
          %dma_wait3A_463 = arith.constant 0 : i32
          %dma_wait3A_464 = tpu.memref_slice %arg18[%dma_wait3A_463] : memref<10240xf32, #tpu.memory_space<vmem_shared>> -> memref<10240xf32, #tpu.memory_space<vmem_shared>>
          tpu.wait_indirect_dma semaphore(%run_scoped3A : memref<!tpu.dma_semaphore, #tpu.memory_space<semaphore_mem>>) src(%dma_wait3A_459 : memref<125xf32, #tpu.memory_space<vmem>>) dst(%dma_wait3A_464 : memref<10240xf32, #tpu.memory_space<vmem_shared>>)
          tpu.yield
        }) : () -> ()
      } else {
      }
      %mul3A_426 = arith.constant 4 : i32
      %mul3A_427 = arith.muli %mul3A_426, %scan3A_355 : i32
      %add3A_428 = arith.constant 3 : i32
      %add3A_429 = arith.addi %mul3A_427, %add3A_428 : i32
      %add3A_430 = arith.constant 4 : i32
      %add3A_431 = arith.addi %add3A_429, %add3A_430 : i32
      %sub3A_432 = arith.constant 1 : i32
      %sub3A_433 = arith.subi %add3A_431, %sub3A_432 : i32
      %lt3A_434 = arith.constant 160 : i32
      %lt3A_435 = arith.cmpi slt, %sub3A_433, %lt3A_434 : i32
      %convert_element_type3A_436 = arith.extui %lt3A_435 : i1 to i32
      %cond3A_437 = arith.constant 0 : i32
      %cond3A_438 = arith.cmpi ne, %convert_element_type3A_436, %cond3A_437 : i32
      scf.if %cond3A_438 {
        %add3A_451 = arith.constant 4 : i32
        %add3A_452 = arith.addi %add3A_429, %add3A_451 : i32
        %sub3A_453 = arith.constant 1 : i32
        %sub3A_454 = arith.subi %add3A_452, %sub3A_453 : i32
        %dma_start3A_455 = arith.constant 0 : i32
        %dma_start3A_456 = tpu.memref_slice %arg8[%sub3A_454, %dma_start3A_455] : memref<160x125xi32, #tpu.memory_space<vmem>> -> memref<1x125xi32, #tpu.memory_space<vmem>>
        %dma_start3A_457 = tpu.memref_squeeze %dma_start3A_456 : memref<1x125xi32, #tpu.memory_space<vmem>> -> memref<125xi32, #tpu.memory_space<vmem>>
        %dma_start3A_458 = arith.constant 0 : i32
        %dma_start3A_459 = arith.constant 0 : i32
        %dma_start3A_460 = tpu.memref_slice %arg2[%dma_start3A_458, %dma_start3A_459] : memref<20000x64xf32, #tpu.memory_space<hbm>> -> memref<20000x64xf32, #tpu.memory_space<hbm>>
        tpu.enqueue_indirect_dma source(%dma_start3A_460 : memref<20000x64xf32, #tpu.memory_space<hbm>>) target(%arg12 : memref<125x64xf32, #tpu.memory_space<vmem>>) offsets(%dma_start3A_457 : memref<125xi32, #tpu.memory_space<vmem>>) semaphore(%arg21 : memref<!tpu.dma_semaphore, #tpu.memory_space<semaphore_mem>>)
      } else {
      }
      %dma_wait3A_439 = arith.constant 0 : i32
      %dma_wait3A_440 = tpu.memref_slice %arg8[%add3A_429, %dma_wait3A_439] : memref<160x125xi32, #tpu.memory_space<vmem>> -> memref<1x125xi32, #tpu.memory_space<vmem>>
      %dma_wait3A_441 = tpu.memref_squeeze %dma_wait3A_440 : memref<1x125xi32, #tpu.memory_space<vmem>> -> memref<125xi32, #tpu.memory_space<vmem>>
      %dma_wait3A_442 = arith.constant 0 : i32
      %dma_wait3A_443 = arith.constant 0 : i32
      %dma_wait3A_444 = tpu.memref_slice %arg2[%dma_wait3A_442, %dma_wait3A_443] : memref<20000x64xf32, #tpu.memory_space<hbm>> -> memref<20000x64xf32, #tpu.memory_space<hbm>>
      tpu.wait_indirect_dma semaphore(%arg22 : memref<!tpu.dma_semaphore, #tpu.memory_space<semaphore_mem>>) src(%dma_wait3A_444 : memref<20000x64xf32, #tpu.memory_space<hbm>>) dst(%arg13 : memref<125x64xf32, #tpu.memory_space<vmem>>)
      "tpu.region"() ({
        %run_scoped3A = tpu.sem_alloc : memref<!tpu.dma_semaphore, #tpu.memory_space<semaphore_mem>>
        %dma_start3A_451 = arith.constant 0 : i32
        %dma_start3A_452 = tpu.memref_slice %arg9[%add3A_429, %dma_start3A_451] : memref<160x125xi32, #tpu.memory_space<vmem>> -> memref<1x125xi32, #tpu.memory_space<vmem>>
        %dma_start3A_453 = tpu.memref_squeeze %dma_start3A_452 : memref<1x125xi32, #tpu.memory_space<vmem>> -> memref<125xi32, #tpu.memory_space<vmem>>
        %dma_start3A_454 = arith.constant 0 : i32
        %dma_start3A_455 = arith.constant 0 : i32
        %dma_start3A_456 = tpu.memref_slice %arg17[%dma_start3A_454, %dma_start3A_455] : memref<10240x64xf32, #tpu.memory_space<vmem_shared>> -> memref<10240x64xf32, #tpu.memory_space<vmem_shared>>
        tpu.enqueue_indirect_dma source(%arg13 : memref<125x64xf32, #tpu.memory_space<vmem>>) target(%dma_start3A_456 : memref<10240x64xf32, #tpu.memory_space<vmem_shared>>) offsets(%dma_start3A_453 : memref<125xi32, #tpu.memory_space<vmem>>) semaphore(%run_scoped3A : memref<!tpu.dma_semaphore, #tpu.memory_space<semaphore_mem>>) {add = true}
        %dma_wait3A_457 = arith.constant 0 : i32
        %dma_wait3A_458 = tpu.memref_slice %arg9[%add3A_429, %dma_wait3A_457] : memref<160x125xi32, #tpu.memory_space<vmem>> -> memref<1x125xi32, #tpu.memory_space<vmem>>
        %dma_wait3A_459 = tpu.memref_squeeze %dma_wait3A_458 : memref<1x125xi32, #tpu.memory_space<vmem>> -> memref<125xi32, #tpu.memory_space<vmem>>
        %dma_wait3A_460 = arith.constant 0 : i32
        %dma_wait3A_461 = arith.constant 0 : i32
        %dma_wait3A_462 = tpu.memref_slice %arg17[%dma_wait3A_460, %dma_wait3A_461] : memref<10240x64xf32, #tpu.memory_space<vmem_shared>> -> memref<10240x64xf32, #tpu.memory_space<vmem_shared>>
        tpu.wait_indirect_dma semaphore(%run_scoped3A : memref<!tpu.dma_semaphore, #tpu.memory_space<semaphore_mem>>) src(%arg13 : memref<125x64xf32, #tpu.memory_space<vmem>>) dst(%dma_wait3A_462 : memref<10240x64xf32, #tpu.memory_space<vmem_shared>>)
        tpu.yield
      }) : () -> ()
      %eq3A_445 = arith.constant 1 : i32
      %eq3A_446 = arith.cmpi eq, %arg0, %eq3A_445 : i32
      %convert_element_type3A_447 = arith.extui %eq3A_446 : i1 to i32
      %cond3A_448 = arith.constant 0 : i32
      %cond3A_449 = arith.cmpi ne, %convert_element_type3A_447, %cond3A_448 : i32
      scf.if %cond3A_449 {
        "tpu.region"() ({
          %run_scoped3A = tpu.sem_alloc : memref<!tpu.dma_semaphore, #tpu.memory_space<semaphore_mem>>
          %dma_start3A_451 = arith.constant 0 : i32
          %dma_start3A_452 = tpu.memref_slice %arg14[%dma_start3A_451] : memref<128xf32, #tpu.memory_space<vmem>> -> memref<125xf32, #tpu.memory_space<vmem>>
          %dma_start3A_453 = arith.constant 0 : i32
          %dma_start3A_454 = tpu.memref_slice %arg9[%add3A_429, %dma_start3A_453] : memref<160x125xi32, #tpu.memory_space<vmem>> -> memref<1x125xi32, #tpu.memory_space<vmem>>
          %dma_start3A_455 = tpu.memref_squeeze %dma_start3A_454 : memref<1x125xi32, #tpu.memory_space<vmem>> -> memref<125xi32, #tpu.memory_space<vmem>>
          %dma_start3A_456 = arith.constant 0 : i32
          %dma_start3A_457 = tpu.memref_slice %arg18[%dma_start3A_456] : memref<10240xf32, #tpu.memory_space<vmem_shared>> -> memref<10240xf32, #tpu.memory_space<vmem_shared>>
          tpu.enqueue_indirect_dma source(%dma_start3A_452 : memref<125xf32, #tpu.memory_space<vmem>>) target(%dma_start3A_457 : memref<10240xf32, #tpu.memory_space<vmem_shared>>) offsets(%dma_start3A_455 : memref<125xi32, #tpu.memory_space<vmem>>) semaphore(%run_scoped3A : memref<!tpu.dma_semaphore, #tpu.memory_space<semaphore_mem>>) {add = true}
          %dma_wait3A_458 = arith.constant 0 : i32
          %dma_wait3A_459 = tpu.memref_slice %arg14[%dma_wait3A_458] : memref<128xf32, #tpu.memory_space<vmem>> -> memref<125xf32, #tpu.memory_space<vmem>>
          %dma_wait3A_460 = arith.constant 0 : i32
          %dma_wait3A_461 = tpu.memref_slice %arg9[%add3A_429, %dma_wait3A_460] : memref<160x125xi32, #tpu.memory_space<vmem>> -> memref<1x125xi32, #tpu.memory_space<vmem>>
          %dma_wait3A_462 = tpu.memref_squeeze %dma_wait3A_461 : memref<1x125xi32, #tpu.memory_space<vmem>> -> memref<125xi32, #tpu.memory_space<vmem>>
          %dma_wait3A_463 = arith.constant 0 : i32
          %dma_wait3A_464 = tpu.memref_slice %arg18[%dma_wait3A_463] : memref<10240xf32, #tpu.memory_space<vmem_shared>> -> memref<10240xf32, #tpu.memory_space<vmem_shared>>
          tpu.wait_indirect_dma semaphore(%run_scoped3A : memref<!tpu.dma_semaphore, #tpu.memory_space<semaphore_mem>>) src(%dma_wait3A_459 : memref<125xf32, #tpu.memory_space<vmem>>) dst(%dma_wait3A_464 : memref<10240xf32, #tpu.memory_space<vmem_shared>>)
          tpu.yield
        }) : () -> ()
      } else {
      }
      %scan3A_450 = arith.constant 0 : i32
      scf.yield %scan3A_450 : i32
    }
    %scan3A_345 = arith.constant 40 : i32
    %barrier3A_346 = arith.constant 0 : index
    tpu.barrier barrier_id(%barrier3A_346)
    %mul3A_347 = arith.constant 640 : i32
    %mul3A_348 = arith.muli %arg1, %mul3A_347 : i32
    %mul3A_349 = arith.constant 640 : i32
    %mul3A_350 = arith.muli %arg1, %mul3A_349 : i32
    "tpu.region"() ({
      %run_scoped3A = tpu.sem_alloc : memref<!tpu.dma_semaphore, #tpu.memory_space<semaphore_mem>>
      %dma_start3A_355 = arith.constant 0 : i32
      %dma_start3A_356 = tpu.memref_slice %arg6[%arg0, %mul3A_350, %dma_start3A_355] : memref<2x10240x64xf32, #tpu.memory_space<hbm>> -> memref<1x640x64xf32, #tpu.memory_space<hbm>>
      %dma_start3A_357 = tpu.memref_squeeze %dma_start3A_356 : memref<1x640x64xf32, #tpu.memory_space<hbm>> -> memref<640x64xf32, #tpu.memory_space<hbm>>
      %dma_start3A_358 = arith.constant 0 : i32
      %dma_start3A_359 = tpu.memref_slice %arg17[%mul3A_348, %dma_start3A_358] : memref<10240x64xf32, #tpu.memory_space<vmem_shared>> -> memref<640x64xf32, #tpu.memory_space<vmem_shared>>
      tpu.enqueue_dma source(%dma_start3A_359 : memref<640x64xf32, #tpu.memory_space<vmem_shared>>) target(%dma_start3A_357 : memref<640x64xf32, #tpu.memory_space<hbm>>) target_semaphore(%run_scoped3A : memref<!tpu.dma_semaphore, #tpu.memory_space<semaphore_mem>>)
      %dma_wait3A = arith.constant 0 : i32
      %dma_wait3A_360 = tpu.memref_slice %arg6[%arg0, %mul3A_350, %dma_wait3A] : memref<2x10240x64xf32, #tpu.memory_space<hbm>> -> memref<1x640x64xf32, #tpu.memory_space<hbm>>
      %dma_wait3A_361 = tpu.memref_squeeze %dma_wait3A_360 : memref<1x640x64xf32, #tpu.memory_space<hbm>> -> memref<640x64xf32, #tpu.memory_space<hbm>>
      %dma_wait3A_362 = arith.constant 0 : i32
      %dma_wait3A_363 = tpu.memref_slice %arg17[%mul3A_348, %dma_wait3A_362] : memref<10240x64xf32, #tpu.memory_space<vmem_shared>> -> memref<640x64xf32, #tpu.memory_space<vmem_shared>>
      tpu.wait_dma2 semaphore(%run_scoped3A : memref<!tpu.dma_semaphore, #tpu.memory_space<semaphore_mem>>) src(%dma_wait3A_363 : memref<640x64xf32, #tpu.memory_space<vmem_shared>>) dst(%dma_wait3A_361 : memref<640x64xf32, #tpu.memory_space<hbm>>)
      tpu.yield
    }) : () -> ()
    %mul3A_351 = arith.constant 640 : i32
    %mul3A_352 = arith.muli %arg1, %mul3A_351 : i32
    %mul3A_353 = arith.constant 640 : i32
    %mul3A_354 = arith.muli %arg1, %mul3A_353 : i32
    "tpu.region"() ({
      %run_scoped3A = tpu.sem_alloc : memref<!tpu.dma_semaphore, #tpu.memory_space<semaphore_mem>>
      %dma_start3A_355 = tpu.memref_slice %arg7[%arg0, %mul3A_354] : memref<2x10240xf32, #tpu.memory_space<hbm>> -> memref<1x640xf32, #tpu.memory_space<hbm>>
      %dma_start3A_356 = tpu.memref_squeeze %dma_start3A_355 : memref<1x640xf32, #tpu.memory_space<hbm>> -> memref<640xf32, #tpu.memory_space<hbm>>
      %dma_start3A_357 = tpu.memref_slice %arg18[%mul3A_352] : memref<10240xf32, #tpu.memory_space<vmem_shared>> -> memref<640xf32, #tpu.memory_space<vmem_shared>>
      tpu.enqueue_dma source(%dma_start3A_357 : memref<640xf32, #tpu.memory_space<vmem_shared>>) target(%dma_start3A_356 : memref<640xf32, #tpu.memory_space<hbm>>) target_semaphore(%run_scoped3A : memref<!tpu.dma_semaphore, #tpu.memory_space<semaphore_mem>>)
      %dma_wait3A = tpu.memref_slice %arg7[%arg0, %mul3A_354] : memref<2x10240xf32, #tpu.memory_space<hbm>> -> memref<1x640xf32, #tpu.memory_space<hbm>>
      %dma_wait3A_358 = tpu.memref_squeeze %dma_wait3A : memref<1x640xf32, #tpu.memory_space<hbm>> -> memref<640xf32, #tpu.memory_space<hbm>>
      %dma_wait3A_359 = tpu.memref_slice %arg18[%mul3A_352] : memref<10240xf32, #tpu.memory_space<vmem_shared>> -> memref<640xf32, #tpu.memory_space<vmem_shared>>
      tpu.wait_dma2 semaphore(%run_scoped3A : memref<!tpu.dma_semaphore, #tpu.memory_space<semaphore_mem>>) src(%dma_wait3A_359 : memref<640xf32, #tpu.memory_space<vmem_shared>>) dst(%dma_wait3A_358 : memref<640xf32, #tpu.memory_space<hbm>>)
      tpu.yield
    }) : () -> ()
    return
  }
}

#map = affine_map<(d0, d1) -> (0)>
#map1 = affine_map<(d0, d1) -> (0, 0, 0)>
module attributes {stable_mosaic.version = 14 : i64} {
  func.func @_sc_agg_scalar(%arg0: i32, %arg1: i32, %arg2: memref<10240xf32, #tpu.memory_space<hbm>>, %arg3: memref<10240xf32, #tpu.memory_space<hbm>>, %arg4: memref<10240xf32, #tpu.memory_space<hbm>>, %arg5: memref<16x250x80xi32, #tpu.memory_space<hbm>>, %arg6: memref<16x250x80xi32, #tpu.memory_space<hbm>>, %arg7: memref<10240xf32, #tpu.memory_space<hbm>>, %arg8: memref<250x80xi32, #tpu.memory_space<vmem>>, %arg9: memref<250x80xi32, #tpu.memory_space<vmem>>, %arg10: memref<10240xf32, #tpu.memory_space<vmem>>, %arg11: memref<250x80xf32, #tpu.memory_space<vmem>>, %arg12: memref<640xf32, #tpu.memory_space<vmem>>, %arg13: memref<640xf32, #tpu.memory_space<vmem>>, %arg14: memref<640xf32, #tpu.memory_space<vmem>>, %arg15: memref<640xf32, #tpu.memory_space<vmem>>, %arg16: memref<640xf32, #tpu.memory_space<vmem>>, %arg17: memref<10240xf32, #tpu.memory_space<vmem_shared>>, %arg18: memref<!tpu.dma_semaphore, #tpu.memory_space<semaphore_mem>>, %arg19: memref<!tpu.dma_semaphore, #tpu.memory_space<semaphore_mem>>, %arg20: memref<!tpu.dma_semaphore, #tpu.memory_space<semaphore_mem>>, %arg21: memref<!tpu.dma_semaphore, #tpu.memory_space<semaphore_mem>>, %arg22: memref<!tpu.dma_semaphore, #tpu.memory_space<semaphore_mem>>) attributes {dimension_semantics = [#tpu.dimension_semantics<core_parallel>, #tpu.dimension_semantics<subcore_parallel>], iteration_bounds = array<i64: 1, 16>, scalar_prefetch = 0 : i64, scratch_operands = 15 : i64, tpu.core_type = #tpu.core_type<sc_vector_subcore>, window_params = [{transform_indices = #map}, {transform_indices = #map}, {transform_indices = #map}, {transform_indices = #map1}, {transform_indices = #map1}, {transform_indices = #map}]} {
    %broadcast_in_dim3A = arith.constant 0.000000e+00 : f32
    %broadcast_in_dim3A_0 = vector.broadcast %broadcast_in_dim3A : f32 to vector<16xf32>
    %swap3A = arith.constant 0 : index
    %swap3A_1 = tpu.vector_load %arg12[%swap3A] {strides = array<i32>} : memref<640xf32, #tpu.memory_space<vmem>>, vector<16xf32>,
    tpu.vector_store %arg12[%swap3A], %broadcast_in_dim3A_0 {strides = array<i32>} : memref<640xf32, #tpu.memory_space<vmem>>, vector<16xf32>,
    %broadcast_in_dim3A_2 = arith.constant 0.000000e+00 : f32
    %broadcast_in_dim3A_3 = vector.broadcast %broadcast_in_dim3A_2 : f32 to vector<16xf32>
    %swap3A_4 = arith.constant 16 : index
    %swap3A_5 = tpu.vector_load %arg12[%swap3A_4] {strides = array<i32>} : memref<640xf32, #tpu.memory_space<vmem>>, vector<16xf32>,
    tpu.vector_store %arg12[%swap3A_4], %broadcast_in_dim3A_3 {strides = array<i32>} : memref<640xf32, #tpu.memory_space<vmem>>, vector<16xf32>,
    %broadcast_in_dim3A_6 = arith.constant 0.000000e+00 : f32
    %broadcast_in_dim3A_7 = vector.broadcast %broadcast_in_dim3A_6 : f32 to vector<16xf32>
    %swap3A_8 = arith.constant 32 : index
    %swap3A_9 = tpu.vector_load %arg12[%swap3A_8] {strides = array<i32>} : memref<640xf32, #tpu.memory_space<vmem>>, vector<16xf32>,
    tpu.vector_store %arg12[%swap3A_8], %broadcast_in_dim3A_7 {strides = array<i32>} : memref<640xf32, #tpu.memory_space<vmem>>, vector<16xf32>,
    %broadcast_in_dim3A_10 = arith.constant 0.000000e+00 : f32
    %broadcast_in_dim3A_11 = vector.broadcast %broadcast_in_dim3A_10 : f32 to vector<16xf32>
    %swap3A_12 = arith.constant 48 : index
    %swap3A_13 = tpu.vector_load %arg12[%swap3A_12] {strides = array<i32>} : memref<640xf32, #tpu.memory_space<vmem>>, vector<16xf32>,
    tpu.vector_store %arg12[%swap3A_12], %broadcast_in_dim3A_11 {strides = array<i32>} : memref<640xf32, #tpu.memory_space<vmem>>, vector<16xf32>,
    %broadcast_in_dim3A_14 = arith.constant 0.000000e+00 : f32
    %broadcast_in_dim3A_15 = vector.broadcast %broadcast_in_dim3A_14 : f32 to vector<16xf32>
    %swap3A_16 = arith.constant 64 : index
    %swap3A_17 = tpu.vector_load %arg12[%swap3A_16] {strides = array<i32>} : memref<640xf32, #tpu.memory_space<vmem>>, vector<16xf32>,
    tpu.vector_store %arg12[%swap3A_16], %broadcast_in_dim3A_15 {strides = array<i32>} : memref<640xf32, #tpu.memory_space<vmem>>, vector<16xf32>,
    %broadcast_in_dim3A_18 = arith.constant 0.000000e+00 : f32
    %broadcast_in_dim3A_19 = vector.broadcast %broadcast_in_dim3A_18 : f32 to vector<16xf32>
    %swap3A_20 = arith.constant 80 : index
    %swap3A_21 = tpu.vector_load %arg12[%swap3A_20] {strides = array<i32>} : memref<640xf32, #tpu.memory_space<vmem>>, vector<16xf32>,
    tpu.vector_store %arg12[%swap3A_20], %broadcast_in_dim3A_19 {strides = array<i32>} : memref<640xf32, #tpu.memory_space<vmem>>, vector<16xf32>,
    %broadcast_in_dim3A_22 = arith.constant 0.000000e+00 : f32
    %broadcast_in_dim3A_23 = vector.broadcast %broadcast_in_dim3A_22 : f32 to vector<16xf32>
    %swap3A_24 = arith.constant 96 : index
    %swap3A_25 = tpu.vector_load %arg12[%swap3A_24] {strides = array<i32>} : memref<640xf32, #tpu.memory_space<vmem>>, vector<16xf32>,
    tpu.vector_store %arg12[%swap3A_24], %broadcast_in_dim3A_23 {strides = array<i32>} : memref<640xf32, #tpu.memory_space<vmem>>, vector<16xf32>,
    %broadcast_in_dim3A_26 = arith.constant 0.000000e+00 : f32
    %broadcast_in_dim3A_27 = vector.broadcast %broadcast_in_dim3A_26 : f32 to vector<16xf32>
    %swap3A_28 = arith.constant 112 : index
    %swap3A_29 = tpu.vector_load %arg12[%swap3A_28] {strides = array<i32>} : memref<640xf32, #tpu.memory_space<vmem>>, vector<16xf32>,
    tpu.vector_store %arg12[%swap3A_28], %broadcast_in_dim3A_27 {strides = array<i32>} : memref<640xf32, #tpu.memory_space<vmem>>, vector<16xf32>,
    %broadcast_in_dim3A_30 = arith.constant 0.000000e+00 : f32
    %broadcast_in_dim3A_31 = vector.broadcast %broadcast_in_dim3A_30 : f32 to vector<16xf32>
    %swap3A_32 = arith.constant 128 : index
    %swap3A_33 = tpu.vector_load %arg12[%swap3A_32] {strides = array<i32>} : memref<640xf32, #tpu.memory_space<vmem>>, vector<16xf32>,
    tpu.vector_store %arg12[%swap3A_32], %broadcast_in_dim3A_31 {strides = array<i32>} : memref<640xf32, #tpu.memory_space<vmem>>, vector<16xf32>,
    %broadcast_in_dim3A_34 = arith.constant 0.000000e+00 : f32
    %broadcast_in_dim3A_35 = vector.broadcast %broadcast_in_dim3A_34 : f32 to vector<16xf32>
    %swap3A_36 = arith.constant 144 : index
    %swap3A_37 = tpu.vector_load %arg12[%swap3A_36] {strides = array<i32>} : memref<640xf32, #tpu.memory_space<vmem>>, vector<16xf32>,
    tpu.vector_store %arg12[%swap3A_36], %broadcast_in_dim3A_35 {strides = array<i32>} : memref<640xf32, #tpu.memory_space<vmem>>, vector<16xf32>,
    %broadcast_in_dim3A_38 = arith.constant 0.000000e+00 : f32
    %broadcast_in_dim3A_39 = vector.broadcast %broadcast_in_dim3A_38 : f32 to vector<16xf32>
    %swap3A_40 = arith.constant 160 : index
    %swap3A_41 = tpu.vector_load %arg12[%swap3A_40] {strides = array<i32>} : memref<640xf32, #tpu.memory_space<vmem>>, vector<16xf32>,
    tpu.vector_store %arg12[%swap3A_40], %broadcast_in_dim3A_39 {strides = array<i32>} : memref<640xf32, #tpu.memory_space<vmem>>, vector<16xf32>,
    %broadcast_in_dim3A_42 = arith.constant 0.000000e+00 : f32
    %broadcast_in_dim3A_43 = vector.broadcast %broadcast_in_dim3A_42 : f32 to vector<16xf32>
    %swap3A_44 = arith.constant 176 : index
    %swap3A_45 = tpu.vector_load %arg12[%swap3A_44] {strides = array<i32>} : memref<640xf32, #tpu.memory_space<vmem>>, vector<16xf32>,
    tpu.vector_store %arg12[%swap3A_44], %broadcast_in_dim3A_43 {strides = array<i32>} : memref<640xf32, #tpu.memory_space<vmem>>, vector<16xf32>,
    %broadcast_in_dim3A_46 = arith.constant 0.000000e+00 : f32
    %broadcast_in_dim3A_47 = vector.broadcast %broadcast_in_dim3A_46 : f32 to vector<16xf32>
    %swap3A_48 = arith.constant 192 : index
    %swap3A_49 = tpu.vector_load %arg12[%swap3A_48] {strides = array<i32>} : memref<640xf32, #tpu.memory_space<vmem>>, vector<16xf32>,
    tpu.vector_store %arg12[%swap3A_48], %broadcast_in_dim3A_47 {strides = array<i32>} : memref<640xf32, #tpu.memory_space<vmem>>, vector<16xf32>,
    %broadcast_in_dim3A_50 = arith.constant 0.000000e+00 : f32
    %broadcast_in_dim3A_51 = vector.broadcast %broadcast_in_dim3A_50 : f32 to vector<16xf32>
    %swap3A_52 = arith.constant 208 : index
    %swap3A_53 = tpu.vector_load %arg12[%swap3A_52] {strides = array<i32>} : memref<640xf32, #tpu.memory_space<vmem>>, vector<16xf32>,
    tpu.vector_store %arg12[%swap3A_52], %broadcast_in_dim3A_51 {strides = array<i32>} : memref<640xf32, #tpu.memory_space<vmem>>, vector<16xf32>,
    %broadcast_in_dim3A_54 = arith.constant 0.000000e+00 : f32
    %broadcast_in_dim3A_55 = vector.broadcast %broadcast_in_dim3A_54 : f32 to vector<16xf32>
    %swap3A_56 = arith.constant 224 : index
    %swap3A_57 = tpu.vector_load %arg12[%swap3A_56] {strides = array<i32>} : memref<640xf32, #tpu.memory_space<vmem>>, vector<16xf32>,
    tpu.vector_store %arg12[%swap3A_56], %broadcast_in_dim3A_55 {strides = array<i32>} : memref<640xf32, #tpu.memory_space<vmem>>, vector<16xf32>,
    %broadcast_in_dim3A_58 = arith.constant 0.000000e+00 : f32
    %broadcast_in_dim3A_59 = vector.broadcast %broadcast_in_dim3A_58 : f32 to vector<16xf32>
    %swap3A_60 = arith.constant 240 : index
    %swap3A_61 = tpu.vector_load %arg12[%swap3A_60] {strides = array<i32>} : memref<640xf32, #tpu.memory_space<vmem>>, vector<16xf32>,
    tpu.vector_store %arg12[%swap3A_60], %broadcast_in_dim3A_59 {strides = array<i32>} : memref<640xf32, #tpu.memory_space<vmem>>, vector<16xf32>,
    %broadcast_in_dim3A_62 = arith.constant 0.000000e+00 : f32
    %broadcast_in_dim3A_63 = vector.broadcast %broadcast_in_dim3A_62 : f32 to vector<16xf32>
    %swap3A_64 = arith.constant 256 : index
    %swap3A_65 = tpu.vector_load %arg12[%swap3A_64] {strides = array<i32>} : memref<640xf32, #tpu.memory_space<vmem>>, vector<16xf32>,
    tpu.vector_store %arg12[%swap3A_64], %broadcast_in_dim3A_63 {strides = array<i32>} : memref<640xf32, #tpu.memory_space<vmem>>, vector<16xf32>,
    %broadcast_in_dim3A_66 = arith.constant 0.000000e+00 : f32
    %broadcast_in_dim3A_67 = vector.broadcast %broadcast_in_dim3A_66 : f32 to vector<16xf32>
    %swap3A_68 = arith.constant 272 : index
    %swap3A_69 = tpu.vector_load %arg12[%swap3A_68] {strides = array<i32>} : memref<640xf32, #tpu.memory_space<vmem>>, vector<16xf32>,
    tpu.vector_store %arg12[%swap3A_68], %broadcast_in_dim3A_67 {strides = array<i32>} : memref<640xf32, #tpu.memory_space<vmem>>, vector<16xf32>,
    %broadcast_in_dim3A_70 = arith.constant 0.000000e+00 : f32
    %broadcast_in_dim3A_71 = vector.broadcast %broadcast_in_dim3A_70 : f32 to vector<16xf32>
    %swap3A_72 = arith.constant 288 : index
    %swap3A_73 = tpu.vector_load %arg12[%swap3A_72] {strides = array<i32>} : memref<640xf32, #tpu.memory_space<vmem>>, vector<16xf32>,
    tpu.vector_store %arg12[%swap3A_72], %broadcast_in_dim3A_71 {strides = array<i32>} : memref<640xf32, #tpu.memory_space<vmem>>, vector<16xf32>,
    %broadcast_in_dim3A_74 = arith.constant 0.000000e+00 : f32
    %broadcast_in_dim3A_75 = vector.broadcast %broadcast_in_dim3A_74 : f32 to vector<16xf32>
    %swap3A_76 = arith.constant 304 : index
    %swap3A_77 = tpu.vector_load %arg12[%swap3A_76] {strides = array<i32>} : memref<640xf32, #tpu.memory_space<vmem>>, vector<16xf32>,
    tpu.vector_store %arg12[%swap3A_76], %broadcast_in_dim3A_75 {strides = array<i32>} : memref<640xf32, #tpu.memory_space<vmem>>, vector<16xf32>,
    %broadcast_in_dim3A_78 = arith.constant 0.000000e+00 : f32
    %broadcast_in_dim3A_79 = vector.broadcast %broadcast_in_dim3A_78 : f32 to vector<16xf32>
    %swap3A_80 = arith.constant 320 : index
    %swap3A_81 = tpu.vector_load %arg12[%swap3A_80] {strides = array<i32>} : memref<640xf32, #tpu.memory_space<vmem>>, vector<16xf32>,
    tpu.vector_store %arg12[%swap3A_80], %broadcast_in_dim3A_79 {strides = array<i32>} : memref<640xf32, #tpu.memory_space<vmem>>, vector<16xf32>,
    %broadcast_in_dim3A_82 = arith.constant 0.000000e+00 : f32
    %broadcast_in_dim3A_83 = vector.broadcast %broadcast_in_dim3A_82 : f32 to vector<16xf32>
    %swap3A_84 = arith.constant 336 : index
    %swap3A_85 = tpu.vector_load %arg12[%swap3A_84] {strides = array<i32>} : memref<640xf32, #tpu.memory_space<vmem>>, vector<16xf32>,
    tpu.vector_store %arg12[%swap3A_84], %broadcast_in_dim3A_83 {strides = array<i32>} : memref<640xf32, #tpu.memory_space<vmem>>, vector<16xf32>,
    %broadcast_in_dim3A_86 = arith.constant 0.000000e+00 : f32
    %broadcast_in_dim3A_87 = vector.broadcast %broadcast_in_dim3A_86 : f32 to vector<16xf32>
    %swap3A_88 = arith.constant 352 : index
    %swap3A_89 = tpu.vector_load %arg12[%swap3A_88] {strides = array<i32>} : memref<640xf32, #tpu.memory_space<vmem>>, vector<16xf32>,
    tpu.vector_store %arg12[%swap3A_88], %broadcast_in_dim3A_87 {strides = array<i32>} : memref<640xf32, #tpu.memory_space<vmem>>, vector<16xf32>,
    %broadcast_in_dim3A_90 = arith.constant 0.000000e+00 : f32
    %broadcast_in_dim3A_91 = vector.broadcast %broadcast_in_dim3A_90 : f32 to vector<16xf32>
    %swap3A_92 = arith.constant 368 : index
    %swap3A_93 = tpu.vector_load %arg12[%swap3A_92] {strides = array<i32>} : memref<640xf32, #tpu.memory_space<vmem>>, vector<16xf32>,
    tpu.vector_store %arg12[%swap3A_92], %broadcast_in_dim3A_91 {strides = array<i32>} : memref<640xf32, #tpu.memory_space<vmem>>, vector<16xf32>,
    %broadcast_in_dim3A_94 = arith.constant 0.000000e+00 : f32
    %broadcast_in_dim3A_95 = vector.broadcast %broadcast_in_dim3A_94 : f32 to vector<16xf32>
    %swap3A_96 = arith.constant 384 : index
    %swap3A_97 = tpu.vector_load %arg12[%swap3A_96] {strides = array<i32>} : memref<640xf32, #tpu.memory_space<vmem>>, vector<16xf32>,
    tpu.vector_store %arg12[%swap3A_96], %broadcast_in_dim3A_95 {strides = array<i32>} : memref<640xf32, #tpu.memory_space<vmem>>, vector<16xf32>,
    %broadcast_in_dim3A_98 = arith.constant 0.000000e+00 : f32
    %broadcast_in_dim3A_99 = vector.broadcast %broadcast_in_dim3A_98 : f32 to vector<16xf32>
    %swap3A_100 = arith.constant 400 : index
    %swap3A_101 = tpu.vector_load %arg12[%swap3A_100] {strides = array<i32>} : memref<640xf32, #tpu.memory_space<vmem>>, vector<16xf32>,
    tpu.vector_store %arg12[%swap3A_100], %broadcast_in_dim3A_99 {strides = array<i32>} : memref<640xf32, #tpu.memory_space<vmem>>, vector<16xf32>,
    %broadcast_in_dim3A_102 = arith.constant 0.000000e+00 : f32
    %broadcast_in_dim3A_103 = vector.broadcast %broadcast_in_dim3A_102 : f32 to vector<16xf32>
    %swap3A_104 = arith.constant 416 : index
    %swap3A_105 = tpu.vector_load %arg12[%swap3A_104] {strides = array<i32>} : memref<640xf32, #tpu.memory_space<vmem>>, vector<16xf32>,
    tpu.vector_store %arg12[%swap3A_104], %broadcast_in_dim3A_103 {strides = array<i32>} : memref<640xf32, #tpu.memory_space<vmem>>, vector<16xf32>,
    %broadcast_in_dim3A_106 = arith.constant 0.000000e+00 : f32
    %broadcast_in_dim3A_107 = vector.broadcast %broadcast_in_dim3A_106 : f32 to vector<16xf32>
    %swap3A_108 = arith.constant 432 : index
    %swap3A_109 = tpu.vector_load %arg12[%swap3A_108] {strides = array<i32>} : memref<640xf32, #tpu.memory_space<vmem>>, vector<16xf32>,
    tpu.vector_store %arg12[%swap3A_108], %broadcast_in_dim3A_107 {strides = array<i32>} : memref<640xf32, #tpu.memory_space<vmem>>, vector<16xf32>,
    %broadcast_in_dim3A_110 = arith.constant 0.000000e+00 : f32
    %broadcast_in_dim3A_111 = vector.broadcast %broadcast_in_dim3A_110 : f32 to vector<16xf32>
    %swap3A_112 = arith.constant 448 : index
    %swap3A_113 = tpu.vector_load %arg12[%swap3A_112] {strides = array<i32>} : memref<640xf32, #tpu.memory_space<vmem>>, vector<16xf32>,
    tpu.vector_store %arg12[%swap3A_112], %broadcast_in_dim3A_111 {strides = array<i32>} : memref<640xf32, #tpu.memory_space<vmem>>, vector<16xf32>,
    %broadcast_in_dim3A_114 = arith.constant 0.000000e+00 : f32
    %broadcast_in_dim3A_115 = vector.broadcast %broadcast_in_dim3A_114 : f32 to vector<16xf32>
    %swap3A_116 = arith.constant 464 : index
    %swap3A_117 = tpu.vector_load %arg12[%swap3A_116] {strides = array<i32>} : memref<640xf32, #tpu.memory_space<vmem>>, vector<16xf32>,
    tpu.vector_store %arg12[%swap3A_116], %broadcast_in_dim3A_115 {strides = array<i32>} : memref<640xf32, #tpu.memory_space<vmem>>, vector<16xf32>,
    %broadcast_in_dim3A_118 = arith.constant 0.000000e+00 : f32
    %broadcast_in_dim3A_119 = vector.broadcast %broadcast_in_dim3A_118 : f32 to vector<16xf32>
    %swap3A_120 = arith.constant 480 : index
    %swap3A_121 = tpu.vector_load %arg12[%swap3A_120] {strides = array<i32>} : memref<640xf32, #tpu.memory_space<vmem>>, vector<16xf32>,
    tpu.vector_store %arg12[%swap3A_120], %broadcast_in_dim3A_119 {strides = array<i32>} : memref<640xf32, #tpu.memory_space<vmem>>, vector<16xf32>,
    %broadcast_in_dim3A_122 = arith.constant 0.000000e+00 : f32
    %broadcast_in_dim3A_123 = vector.broadcast %broadcast_in_dim3A_122 : f32 to vector<16xf32>
    %swap3A_124 = arith.constant 496 : index
    %swap3A_125 = tpu.vector_load %arg12[%swap3A_124] {strides = array<i32>} : memref<640xf32, #tpu.memory_space<vmem>>, vector<16xf32>,
    tpu.vector_store %arg12[%swap3A_124], %broadcast_in_dim3A_123 {strides = array<i32>} : memref<640xf32, #tpu.memory_space<vmem>>, vector<16xf32>,
    %broadcast_in_dim3A_126 = arith.constant 0.000000e+00 : f32
    %broadcast_in_dim3A_127 = vector.broadcast %broadcast_in_dim3A_126 : f32 to vector<16xf32>
    %swap3A_128 = arith.constant 512 : index
    %swap3A_129 = tpu.vector_load %arg12[%swap3A_128] {strides = array<i32>} : memref<640xf32, #tpu.memory_space<vmem>>, vector<16xf32>,
    tpu.vector_store %arg12[%swap3A_128], %broadcast_in_dim3A_127 {strides = array<i32>} : memref<640xf32, #tpu.memory_space<vmem>>, vector<16xf32>,
    %broadcast_in_dim3A_130 = arith.constant 0.000000e+00 : f32
    %broadcast_in_dim3A_131 = vector.broadcast %broadcast_in_dim3A_130 : f32 to vector<16xf32>
    %swap3A_132 = arith.constant 528 : index
    %swap3A_133 = tpu.vector_load %arg12[%swap3A_132] {strides = array<i32>} : memref<640xf32, #tpu.memory_space<vmem>>, vector<16xf32>,
    tpu.vector_store %arg12[%swap3A_132], %broadcast_in_dim3A_131 {strides = array<i32>} : memref<640xf32, #tpu.memory_space<vmem>>, vector<16xf32>,
    %broadcast_in_dim3A_134 = arith.constant 0.000000e+00 : f32
    %broadcast_in_dim3A_135 = vector.broadcast %broadcast_in_dim3A_134 : f32 to vector<16xf32>
    %swap3A_136 = arith.constant 544 : index
    %swap3A_137 = tpu.vector_load %arg12[%swap3A_136] {strides = array<i32>} : memref<640xf32, #tpu.memory_space<vmem>>, vector<16xf32>,
    tpu.vector_store %arg12[%swap3A_136], %broadcast_in_dim3A_135 {strides = array<i32>} : memref<640xf32, #tpu.memory_space<vmem>>, vector<16xf32>,
    %broadcast_in_dim3A_138 = arith.constant 0.000000e+00 : f32
    %broadcast_in_dim3A_139 = vector.broadcast %broadcast_in_dim3A_138 : f32 to vector<16xf32>
    %swap3A_140 = arith.constant 560 : index
    %swap3A_141 = tpu.vector_load %arg12[%swap3A_140] {strides = array<i32>} : memref<640xf32, #tpu.memory_space<vmem>>, vector<16xf32>,
    tpu.vector_store %arg12[%swap3A_140], %broadcast_in_dim3A_139 {strides = array<i32>} : memref<640xf32, #tpu.memory_space<vmem>>, vector<16xf32>,
    %broadcast_in_dim3A_142 = arith.constant 0.000000e+00 : f32
    %broadcast_in_dim3A_143 = vector.broadcast %broadcast_in_dim3A_142 : f32 to vector<16xf32>
    %swap3A_144 = arith.constant 576 : index
    %swap3A_145 = tpu.vector_load %arg12[%swap3A_144] {strides = array<i32>} : memref<640xf32, #tpu.memory_space<vmem>>, vector<16xf32>,
    tpu.vector_store %arg12[%swap3A_144], %broadcast_in_dim3A_143 {strides = array<i32>} : memref<640xf32, #tpu.memory_space<vmem>>, vector<16xf32>,
    %broadcast_in_dim3A_146 = arith.constant 0.000000e+00 : f32
    %broadcast_in_dim3A_147 = vector.broadcast %broadcast_in_dim3A_146 : f32 to vector<16xf32>
    %swap3A_148 = arith.constant 592 : index
    %swap3A_149 = tpu.vector_load %arg12[%swap3A_148] {strides = array<i32>} : memref<640xf32, #tpu.memory_space<vmem>>, vector<16xf32>,
    tpu.vector_store %arg12[%swap3A_148], %broadcast_in_dim3A_147 {strides = array<i32>} : memref<640xf32, #tpu.memory_space<vmem>>, vector<16xf32>,
    %broadcast_in_dim3A_150 = arith.constant 0.000000e+00 : f32
    %broadcast_in_dim3A_151 = vector.broadcast %broadcast_in_dim3A_150 : f32 to vector<16xf32>
    %swap3A_152 = arith.constant 608 : index
    %swap3A_153 = tpu.vector_load %arg12[%swap3A_152] {strides = array<i32>} : memref<640xf32, #tpu.memory_space<vmem>>, vector<16xf32>,
    tpu.vector_store %arg12[%swap3A_152], %broadcast_in_dim3A_151 {strides = array<i32>} : memref<640xf32, #tpu.memory_space<vmem>>, vector<16xf32>,
    %broadcast_in_dim3A_154 = arith.constant 0.000000e+00 : f32
    %broadcast_in_dim3A_155 = vector.broadcast %broadcast_in_dim3A_154 : f32 to vector<16xf32>
    %swap3A_156 = arith.constant 624 : index
    %swap3A_157 = tpu.vector_load %arg12[%swap3A_156] {strides = array<i32>} : memref<640xf32, #tpu.memory_space<vmem>>, vector<16xf32>,
    tpu.vector_store %arg12[%swap3A_156], %broadcast_in_dim3A_155 {strides = array<i32>} : memref<640xf32, #tpu.memory_space<vmem>>, vector<16xf32>,
    %mul3A = arith.constant 640 : i32
    %mul3A_158 = arith.muli %arg1, %mul3A : i32
    "tpu.region"() ({
      %run_scoped3A = tpu.sem_alloc : memref<!tpu.dma_semaphore, #tpu.memory_space<semaphore_mem>>
      %dma_start3A = tpu.memref_slice %arg17[%mul3A_158] : memref<10240xf32, #tpu.memory_space<vmem_shared>> -> memref<640xf32, #tpu.memory_space<vmem_shared>>
      %dma_start3A_230 = tpu.memref_slice %arg17[%mul3A_158] : memref<10240xf32, #tpu.memory_space<vmem_shared>> -> memref<640xf32, #tpu.memory_space<vmem_shared>>
      tpu.enqueue_dma source(%arg12 : memref<640xf32, #tpu.memory_space<vmem>>) target(%dma_start3A_230 : memref<640xf32, #tpu.memory_space<vmem_shared>>) target_semaphore(%run_scoped3A : memref<!tpu.dma_semaphore, #tpu.memory_space<semaphore_mem>>)
      %dma_wait3A_231 = tpu.memref_slice %arg17[%mul3A_158] : memref<10240xf32, #tpu.memory_space<vmem_shared>> -> memref<640xf32, #tpu.memory_space<vmem_shared>>
      %dma_wait3A_232 = tpu.memref_slice %arg17[%mul3A_158] : memref<10240xf32, #tpu.memory_space<vmem_shared>> -> memref<640xf32, #tpu.memory_space<vmem_shared>>
      tpu.wait_dma2 semaphore(%run_scoped3A : memref<!tpu.dma_semaphore, #tpu.memory_space<semaphore_mem>>) src(%arg12 : memref<640xf32, #tpu.memory_space<vmem>>) dst(%dma_wait3A_232 : memref<640xf32, #tpu.memory_space<vmem_shared>>)
      tpu.yield
    }) : () -> ()
    %barrier3A = arith.constant 0 : index
    tpu.barrier barrier_id(%barrier3A)
    "tpu.region"() ({
      %run_scoped3A = tpu.sem_alloc : memref<!tpu.dma_semaphore, #tpu.memory_space<semaphore_mem>>
      tpu.enqueue_dma source(%arg2 : memref<10240xf32, #tpu.memory_space<hbm>>) target(%arg10 : memref<10240xf32, #tpu.memory_space<vmem>>) target_semaphore(%run_scoped3A : memref<!tpu.dma_semaphore, #tpu.memory_space<semaphore_mem>>)
      tpu.wait_dma2 semaphore(%run_scoped3A : memref<!tpu.dma_semaphore, #tpu.memory_space<semaphore_mem>>) src(%arg2 : memref<10240xf32, #tpu.memory_space<hbm>>) dst(%arg10 : memref<10240xf32, #tpu.memory_space<vmem>>)
      tpu.yield
    }) : () -> ()
    "tpu.region"() ({
      %run_scoped3A = tpu.sem_alloc : memref<!tpu.dma_semaphore, #tpu.memory_space<semaphore_mem>>
      %dma_start3A = arith.constant 0 : i32
      %dma_start3A_230 = arith.constant 0 : i32
      %dma_start3A_231 = tpu.memref_slice %arg5[%arg1, %dma_start3A, %dma_start3A_230] : memref<16x250x80xi32, #tpu.memory_space<hbm>> -> memref<1x250x80xi32, #tpu.memory_space<hbm>>
      %dma_start3A_232 = tpu.memref_squeeze %dma_start3A_231 : memref<1x250x80xi32, #tpu.memory_space<hbm>> -> memref<250x80xi32, #tpu.memory_space<hbm>>
      %dma_start3A_233 = arith.constant 0 : i32
      %dma_start3A_234 = arith.constant 0 : i32
      %dma_start3A_235 = tpu.memref_slice %arg5[%arg1, %dma_start3A_233, %dma_start3A_234] : memref<16x250x80xi32, #tpu.memory_space<hbm>> -> memref<1x250x80xi32, #tpu.memory_space<hbm>>
      %dma_start3A_236 = tpu.memref_squeeze %dma_start3A_235 : memref<1x250x80xi32, #tpu.memory_space<hbm>> -> memref<250x80xi32, #tpu.memory_space<hbm>>
      tpu.enqueue_dma source(%dma_start3A_236 : memref<250x80xi32, #tpu.memory_space<hbm>>) target(%arg8 : memref<250x80xi32, #tpu.memory_space<vmem>>) target_semaphore(%run_scoped3A : memref<!tpu.dma_semaphore, #tpu.memory_space<semaphore_mem>>)
      %dma_wait3A_237 = arith.constant 0 : i32
      %dma_wait3A_238 = arith.constant 0 : i32
      %dma_wait3A_239 = tpu.memref_slice %arg5[%arg1, %dma_wait3A_237, %dma_wait3A_238] : memref<16x250x80xi32, #tpu.memory_space<hbm>> -> memref<1x250x80xi32, #tpu.memory_space<hbm>>
      %dma_wait3A_240 = tpu.memref_squeeze %dma_wait3A_239 : memref<1x250x80xi32, #tpu.memory_space<hbm>> -> memref<250x80xi32, #tpu.memory_space<hbm>>
      %dma_wait3A_241 = arith.constant 0 : i32
      %dma_wait3A_242 = arith.constant 0 : i32
      %dma_wait3A_243 = tpu.memref_slice %arg5[%arg1, %dma_wait3A_241, %dma_wait3A_242] : memref<16x250x80xi32, #tpu.memory_space<hbm>> -> memref<1x250x80xi32, #tpu.memory_space<hbm>>
      %dma_wait3A_244 = tpu.memref_squeeze %dma_wait3A_243 : memref<1x250x80xi32, #tpu.memory_space<hbm>> -> memref<250x80xi32, #tpu.memory_space<hbm>>
      tpu.wait_dma2 semaphore(%run_scoped3A : memref<!tpu.dma_semaphore, #tpu.memory_space<semaphore_mem>>) src(%dma_wait3A_244 : memref<250x80xi32, #tpu.memory_space<hbm>>) dst(%arg8 : memref<250x80xi32, #tpu.memory_space<vmem>>)
      tpu.yield
    }) : () -> ()
    "tpu.region"() ({
      %run_scoped3A = tpu.sem_alloc : memref<!tpu.dma_semaphore, #tpu.memory_space<semaphore_mem>>
      %dma_start3A = arith.constant 0 : i32
      %dma_start3A_230 = arith.constant 0 : i32
      %dma_start3A_231 = tpu.memref_slice %arg6[%arg1, %dma_start3A, %dma_start3A_230] : memref<16x250x80xi32, #tpu.memory_space<hbm>> -> memref<1x250x80xi32, #tpu.memory_space<hbm>>
      %dma_start3A_232 = tpu.memref_squeeze %dma_start3A_231 : memref<1x250x80xi32, #tpu.memory_space<hbm>> -> memref<250x80xi32, #tpu.memory_space<hbm>>
      %dma_start3A_233 = arith.constant 0 : i32
      %dma_start3A_234 = arith.constant 0 : i32
      %dma_start3A_235 = tpu.memref_slice %arg6[%arg1, %dma_start3A_233, %dma_start3A_234] : memref<16x250x80xi32, #tpu.memory_space<hbm>> -> memref<1x250x80xi32, #tpu.memory_space<hbm>>
      %dma_start3A_236 = tpu.memref_squeeze %dma_start3A_235 : memref<1x250x80xi32, #tpu.memory_space<hbm>> -> memref<250x80xi32, #tpu.memory_space<hbm>>
      tpu.enqueue_dma source(%dma_start3A_236 : memref<250x80xi32, #tpu.memory_space<hbm>>) target(%arg9 : memref<250x80xi32, #tpu.memory_space<vmem>>) target_semaphore(%run_scoped3A : memref<!tpu.dma_semaphore, #tpu.memory_space<semaphore_mem>>)
      %dma_wait3A_237 = arith.constant 0 : i32
      %dma_wait3A_238 = arith.constant 0 : i32
      %dma_wait3A_239 = tpu.memref_slice %arg6[%arg1, %dma_wait3A_237, %dma_wait3A_238] : memref<16x250x80xi32, #tpu.memory_space<hbm>> -> memref<1x250x80xi32, #tpu.memory_space<hbm>>
      %dma_wait3A_240 = tpu.memref_squeeze %dma_wait3A_239 : memref<1x250x80xi32, #tpu.memory_space<hbm>> -> memref<250x80xi32, #tpu.memory_space<hbm>>
      %dma_wait3A_241 = arith.constant 0 : i32
      %dma_wait3A_242 = arith.constant 0 : i32
      %dma_wait3A_243 = tpu.memref_slice %arg6[%arg1, %dma_wait3A_241, %dma_wait3A_242] : memref<16x250x80xi32, #tpu.memory_space<hbm>> -> memref<1x250x80xi32, #tpu.memory_space<hbm>>
      %dma_wait3A_244 = tpu.memref_squeeze %dma_wait3A_243 : memref<1x250x80xi32, #tpu.memory_space<hbm>> -> memref<250x80xi32, #tpu.memory_space<hbm>>
      tpu.wait_dma2 semaphore(%run_scoped3A : memref<!tpu.dma_semaphore, #tpu.memory_space<semaphore_mem>>) src(%dma_wait3A_244 : memref<250x80xi32, #tpu.memory_space<hbm>>) dst(%arg9 : memref<250x80xi32, #tpu.memory_space<vmem>>)
      tpu.yield
    }) : () -> ()
    %scan3A = arith.constant 0 : i32
    %scan3A_159 = arith.constant 0 : i32
    %scan3A_160 = arith.constant 50 : i32
    %scan3A_161 = arith.addi %scan3A_159, %scan3A_160 : i32
    %scan3A_162 = arith.constant 1 : i32
    %scan3A_163 = scf.for %scan3A_230 = %scan3A_159 to %scan3A_161 step %scan3A_162 iter_args(%scan3A_231 = %scan3A) -> (i32)  : i32 {
      %mul3A_232 = arith.constant 5 : i32
      %mul3A_233 = arith.muli %mul3A_232, %scan3A_230 : i32
      %add3A = arith.constant 0 : i32
      %add3A_234 = arith.addi %mul3A_233, %add3A : i32
      %get3A = arith.index_cast %add3A_234 : i32 to index
      %get3A_235 = arith.constant 0 : index
      %get3A_236 = tpu.vector_load %arg8[%get3A, %get3A_235] {strides = array<i32>} : memref<250x80xi32, #tpu.memory_space<vmem>>, vector<16xi32>,
      %gather3A = tpu.vector_load_idx %arg10[%get3A_236] : memref<10240xf32, #tpu.memory_space<vmem>>[vector<16xi32>], vector<16xf32>,
      %swap3A_237 = arith.index_cast %add3A_234 : i32 to index
      %swap3A_238 = arith.constant 0 : index
      %swap3A_239 = tpu.vector_load %arg11[%swap3A_237, %swap3A_238] {strides = array<i32>} : memref<250x80xf32, #tpu.memory_space<vmem>>, vector<16xf32>,
      tpu.vector_store %arg11[%swap3A_237, %swap3A_238], %gather3A {strides = array<i32>} : memref<250x80xf32, #tpu.memory_space<vmem>>, vector<16xf32>,
      %get3A_240 = arith.index_cast %add3A_234 : i32 to index
      %get3A_241 = arith.constant 16 : index
      %get3A_242 = tpu.vector_load %arg8[%get3A_240, %get3A_241] {strides = array<i32>} : memref<250x80xi32, #tpu.memory_space<vmem>>, vector<16xi32>,
      %gather3A_243 = tpu.vector_load_idx %arg10[%get3A_242] : memref<10240xf32, #tpu.memory_space<vmem>>[vector<16xi32>], vector<16xf32>,
      %swap3A_244 = arith.index_cast %add3A_234 : i32 to index
      %swap3A_245 = arith.constant 16 : index
      %swap3A_246 = tpu.vector_load %arg11[%swap3A_244, %swap3A_245] {strides = array<i32>} : memref<250x80xf32, #tpu.memory_space<vmem>>, vector<16xf32>,
      tpu.vector_store %arg11[%swap3A_244, %swap3A_245], %gather3A_243 {strides = array<i32>} : memref<250x80xf32, #tpu.memory_space<vmem>>, vector<16xf32>,
      %get3A_247 = arith.index_cast %add3A_234 : i32 to index
      %get3A_248 = arith.constant 32 : index
      %get3A_249 = tpu.vector_load %arg8[%get3A_247, %get3A_248] {strides = array<i32>} : memref<250x80xi32, #tpu.memory_space<vmem>>, vector<16xi32>,
      %gather3A_250 = tpu.vector_load_idx %arg10[%get3A_249] : memref<10240xf32, #tpu.memory_space<vmem>>[vector<16xi32>], vector<16xf32>,
      %swap3A_251 = arith.index_cast %add3A_234 : i32 to index
      %swap3A_252 = arith.constant 32 : index
      %swap3A_253 = tpu.vector_load %arg11[%swap3A_251, %swap3A_252] {strides = array<i32>} : memref<250x80xf32, #tpu.memory_space<vmem>>, vector<16xf32>,
      tpu.vector_store %arg11[%swap3A_251, %swap3A_252], %gather3A_250 {strides = array<i32>} : memref<250x80xf32, #tpu.memory_space<vmem>>, vector<16xf32>,
      %get3A_254 = arith.index_cast %add3A_234 : i32 to index
      %get3A_255 = arith.constant 48 : index
      %get3A_256 = tpu.vector_load %arg8[%get3A_254, %get3A_255] {strides = array<i32>} : memref<250x80xi32, #tpu.memory_space<vmem>>, vector<16xi32>,
      %gather3A_257 = tpu.vector_load_idx %arg10[%get3A_256] : memref<10240xf32, #tpu.memory_space<vmem>>[vector<16xi32>], vector<16xf32>,
      %swap3A_258 = arith.index_cast %add3A_234 : i32 to index
      %swap3A_259 = arith.constant 48 : index
      %swap3A_260 = tpu.vector_load %arg11[%swap3A_258, %swap3A_259] {strides = array<i32>} : memref<250x80xf32, #tpu.memory_space<vmem>>, vector<16xf32>,
      tpu.vector_store %arg11[%swap3A_258, %swap3A_259], %gather3A_257 {strides = array<i32>} : memref<250x80xf32, #tpu.memory_space<vmem>>, vector<16xf32>,
      %get3A_261 = arith.index_cast %add3A_234 : i32 to index
      %get3A_262 = arith.constant 64 : index
      %get3A_263 = tpu.vector_load %arg8[%get3A_261, %get3A_262] {strides = array<i32>} : memref<250x80xi32, #tpu.memory_space<vmem>>, vector<16xi32>,
      %gather3A_264 = tpu.vector_load_idx %arg10[%get3A_263] : memref<10240xf32, #tpu.memory_space<vmem>>[vector<16xi32>], vector<16xf32>,
      %swap3A_265 = arith.index_cast %add3A_234 : i32 to index
      %swap3A_266 = arith.constant 64 : index
      %swap3A_267 = tpu.vector_load %arg11[%swap3A_265, %swap3A_266] {strides = array<i32>} : memref<250x80xf32, #tpu.memory_space<vmem>>, vector<16xf32>,
      tpu.vector_store %arg11[%swap3A_265, %swap3A_266], %gather3A_264 {strides = array<i32>} : memref<250x80xf32, #tpu.memory_space<vmem>>, vector<16xf32>,
      %ge3A = arith.constant 5 : i32
      %ge3A_268 = arith.cmpi sge, %add3A_234, %ge3A : i32
      %convert_element_type3A = arith.extui %ge3A_268 : i1 to i32
      %cond3A = arith.constant 0 : i32
      %cond3A_269 = arith.cmpi ne, %convert_element_type3A, %cond3A : i32
      scf.if %cond3A_269 {
        %sub3A = arith.constant 5 : i32
        %sub3A_486 = arith.subi %add3A_234, %sub3A : i32
        %dma_wait3A_487 = arith.constant 0 : i32
        %dma_wait3A_488 = tpu.memref_slice %arg11[%sub3A_486, %dma_wait3A_487] : memref<250x80xf32, #tpu.memory_space<vmem>> -> memref<1x80xf32, #tpu.memory_space<vmem>>
        %dma_wait3A_489 = tpu.memref_squeeze %dma_wait3A_488 : memref<1x80xf32, #tpu.memory_space<vmem>> -> memref<80xf32, #tpu.memory_space<vmem>>
        %dma_wait3A_490 = arith.constant 0 : i32
        %dma_wait3A_491 = tpu.memref_slice %arg9[%sub3A_486, %dma_wait3A_490] : memref<250x80xi32, #tpu.memory_space<vmem>> -> memref<1x80xi32, #tpu.memory_space<vmem>>
        %dma_wait3A_492 = tpu.memref_squeeze %dma_wait3A_491 : memref<1x80xi32, #tpu.memory_space<vmem>> -> memref<80xi32, #tpu.memory_space<vmem>>
        %dma_wait3A_493 = arith.constant 0 : i32
        %dma_wait3A_494 = tpu.memref_slice %arg17[%dma_wait3A_493] : memref<10240xf32, #tpu.memory_space<vmem_shared>> -> memref<10240xf32, #tpu.memory_space<vmem_shared>>
        tpu.wait_indirect_dma semaphore(%arg18 : memref<!tpu.dma_semaphore, #tpu.memory_space<semaphore_mem>>) src(%dma_wait3A_489 : memref<80xf32, #tpu.memory_space<vmem>>) dst(%dma_wait3A_494 : memref<10240xf32, #tpu.memory_space<vmem_shared>>)
      } else {
      }
      %dma_start3A = arith.constant 0 : i32
      %dma_start3A_270 = tpu.memref_slice %arg11[%add3A_234, %dma_start3A] : memref<250x80xf32, #tpu.memory_space<vmem>> -> memref<1x80xf32, #tpu.memory_space<vmem>>
      %dma_start3A_271 = tpu.memref_squeeze %dma_start3A_270 : memref<1x80xf32, #tpu.memory_space<vmem>> -> memref<80xf32, #tpu.memory_space<vmem>>
      %dma_start3A_272 = arith.constant 0 : i32
      %dma_start3A_273 = tpu.memref_slice %arg9[%add3A_234, %dma_start3A_272] : memref<250x80xi32, #tpu.memory_space<vmem>> -> memref<1x80xi32, #tpu.memory_space<vmem>>
      %dma_start3A_274 = tpu.memref_squeeze %dma_start3A_273 : memref<1x80xi32, #tpu.memory_space<vmem>> -> memref<80xi32, #tpu.memory_space<vmem>>
      %dma_start3A_275 = arith.constant 0 : i32
      %dma_start3A_276 = tpu.memref_slice %arg17[%dma_start3A_275] : memref<10240xf32, #tpu.memory_space<vmem_shared>> -> memref<10240xf32, #tpu.memory_space<vmem_shared>>
      tpu.enqueue_indirect_dma source(%dma_start3A_271 : memref<80xf32, #tpu.memory_space<vmem>>) target(%dma_start3A_276 : memref<10240xf32, #tpu.memory_space<vmem_shared>>) offsets(%dma_start3A_274 : memref<80xi32, #tpu.memory_space<vmem>>) semaphore(%arg18 : memref<!tpu.dma_semaphore, #tpu.memory_space<semaphore_mem>>) {add = true}
      %mul3A_277 = arith.constant 5 : i32
      %mul3A_278 = arith.muli %mul3A_277, %scan3A_230 : i32
      %add3A_279 = arith.constant 1 : i32
      %add3A_280 = arith.addi %mul3A_278, %add3A_279 : i32
      %get3A_281 = arith.index_cast %add3A_280 : i32 to index
      %get3A_282 = arith.constant 0 : index
      %get3A_283 = tpu.vector_load %arg8[%get3A_281, %get3A_282] {strides = array<i32>} : memref<250x80xi32, #tpu.memory_space<vmem>>, vector<16xi32>,
      %gather3A_284 = tpu.vector_load_idx %arg10[%get3A_283] : memref<10240xf32, #tpu.memory_space<vmem>>[vector<16xi32>], vector<16xf32>,
      %swap3A_285 = arith.index_cast %add3A_280 : i32 to index
      %swap3A_286 = arith.constant 0 : index
      %swap3A_287 = tpu.vector_load %arg11[%swap3A_285, %swap3A_286] {strides = array<i32>} : memref<250x80xf32, #tpu.memory_space<vmem>>, vector<16xf32>,
      tpu.vector_store %arg11[%swap3A_285, %swap3A_286], %gather3A_284 {strides = array<i32>} : memref<250x80xf32, #tpu.memory_space<vmem>>, vector<16xf32>,
      %get3A_288 = arith.index_cast %add3A_280 : i32 to index
      %get3A_289 = arith.constant 16 : index
      %get3A_290 = tpu.vector_load %arg8[%get3A_288, %get3A_289] {strides = array<i32>} : memref<250x80xi32, #tpu.memory_space<vmem>>, vector<16xi32>,
      %gather3A_291 = tpu.vector_load_idx %arg10[%get3A_290] : memref<10240xf32, #tpu.memory_space<vmem>>[vector<16xi32>], vector<16xf32>,
      %swap3A_292 = arith.index_cast %add3A_280 : i32 to index
      %swap3A_293 = arith.constant 16 : index
      %swap3A_294 = tpu.vector_load %arg11[%swap3A_292, %swap3A_293] {strides = array<i32>} : memref<250x80xf32, #tpu.memory_space<vmem>>, vector<16xf32>,
      tpu.vector_store %arg11[%swap3A_292, %swap3A_293], %gather3A_291 {strides = array<i32>} : memref<250x80xf32, #tpu.memory_space<vmem>>, vector<16xf32>,
      %get3A_295 = arith.index_cast %add3A_280 : i32 to index
      %get3A_296 = arith.constant 32 : index
      %get3A_297 = tpu.vector_load %arg8[%get3A_295, %get3A_296] {strides = array<i32>} : memref<250x80xi32, #tpu.memory_space<vmem>>, vector<16xi32>,
      %gather3A_298 = tpu.vector_load_idx %arg10[%get3A_297] : memref<10240xf32, #tpu.memory_space<vmem>>[vector<16xi32>], vector<16xf32>,
      %swap3A_299 = arith.index_cast %add3A_280 : i32 to index
      %swap3A_300 = arith.constant 32 : index
      %swap3A_301 = tpu.vector_load %arg11[%swap3A_299, %swap3A_300] {strides = array<i32>} : memref<250x80xf32, #tpu.memory_space<vmem>>, vector<16xf32>,
      tpu.vector_store %arg11[%swap3A_299, %swap3A_300], %gather3A_298 {strides = array<i32>} : memref<250x80xf32, #tpu.memory_space<vmem>>, vector<16xf32>,
      %get3A_302 = arith.index_cast %add3A_280 : i32 to index
      %get3A_303 = arith.constant 48 : index
      %get3A_304 = tpu.vector_load %arg8[%get3A_302, %get3A_303] {strides = array<i32>} : memref<250x80xi32, #tpu.memory_space<vmem>>, vector<16xi32>,
      %gather3A_305 = tpu.vector_load_idx %arg10[%get3A_304] : memref<10240xf32, #tpu.memory_space<vmem>>[vector<16xi32>], vector<16xf32>,
      %swap3A_306 = arith.index_cast %add3A_280 : i32 to index
      %swap3A_307 = arith.constant 48 : index
      %swap3A_308 = tpu.vector_load %arg11[%swap3A_306, %swap3A_307] {strides = array<i32>} : memref<250x80xf32, #tpu.memory_space<vmem>>, vector<16xf32>,
      tpu.vector_store %arg11[%swap3A_306, %swap3A_307], %gather3A_305 {strides = array<i32>} : memref<250x80xf32, #tpu.memory_space<vmem>>, vector<16xf32>,
      %get3A_309 = arith.index_cast %add3A_280 : i32 to index
      %get3A_310 = arith.constant 64 : index
      %get3A_311 = tpu.vector_load %arg8[%get3A_309, %get3A_310] {strides = array<i32>} : memref<250x80xi32, #tpu.memory_space<vmem>>, vector<16xi32>,
      %gather3A_312 = tpu.vector_load_idx %arg10[%get3A_311] : memref<10240xf32, #tpu.memory_space<vmem>>[vector<16xi32>], vector<16xf32>,
      %swap3A_313 = arith.index_cast %add3A_280 : i32 to index
      %swap3A_314 = arith.constant 64 : index
      %swap3A_315 = tpu.vector_load %arg11[%swap3A_313, %swap3A_314] {strides = array<i32>} : memref<250x80xf32, #tpu.memory_space<vmem>>, vector<16xf32>,
      tpu.vector_store %arg11[%swap3A_313, %swap3A_314], %gather3A_312 {strides = array<i32>} : memref<250x80xf32, #tpu.memory_space<vmem>>, vector<16xf32>,
      %ge3A_316 = arith.constant 5 : i32
      %ge3A_317 = arith.cmpi sge, %add3A_280, %ge3A_316 : i32
      %convert_element_type3A_318 = arith.extui %ge3A_317 : i1 to i32
      %cond3A_319 = arith.constant 0 : i32
      %cond3A_320 = arith.cmpi ne, %convert_element_type3A_318, %cond3A_319 : i32
      scf.if %cond3A_320 {
        %sub3A = arith.constant 5 : i32
        %sub3A_486 = arith.subi %add3A_280, %sub3A : i32
        %dma_wait3A_487 = arith.constant 0 : i32
        %dma_wait3A_488 = tpu.memref_slice %arg11[%sub3A_486, %dma_wait3A_487] : memref<250x80xf32, #tpu.memory_space<vmem>> -> memref<1x80xf32, #tpu.memory_space<vmem>>
        %dma_wait3A_489 = tpu.memref_squeeze %dma_wait3A_488 : memref<1x80xf32, #tpu.memory_space<vmem>> -> memref<80xf32, #tpu.memory_space<vmem>>
        %dma_wait3A_490 = arith.constant 0 : i32
        %dma_wait3A_491 = tpu.memref_slice %arg9[%sub3A_486, %dma_wait3A_490] : memref<250x80xi32, #tpu.memory_space<vmem>> -> memref<1x80xi32, #tpu.memory_space<vmem>>
        %dma_wait3A_492 = tpu.memref_squeeze %dma_wait3A_491 : memref<1x80xi32, #tpu.memory_space<vmem>> -> memref<80xi32, #tpu.memory_space<vmem>>
        %dma_wait3A_493 = arith.constant 0 : i32
        %dma_wait3A_494 = tpu.memref_slice %arg17[%dma_wait3A_493] : memref<10240xf32, #tpu.memory_space<vmem_shared>> -> memref<10240xf32, #tpu.memory_space<vmem_shared>>
        tpu.wait_indirect_dma semaphore(%arg19 : memref<!tpu.dma_semaphore, #tpu.memory_space<semaphore_mem>>) src(%dma_wait3A_489 : memref<80xf32, #tpu.memory_space<vmem>>) dst(%dma_wait3A_494 : memref<10240xf32, #tpu.memory_space<vmem_shared>>)
      } else {
      }
      %dma_start3A_321 = arith.constant 0 : i32
      %dma_start3A_322 = tpu.memref_slice %arg11[%add3A_280, %dma_start3A_321] : memref<250x80xf32, #tpu.memory_space<vmem>> -> memref<1x80xf32, #tpu.memory_space<vmem>>
      %dma_start3A_323 = tpu.memref_squeeze %dma_start3A_322 : memref<1x80xf32, #tpu.memory_space<vmem>> -> memref<80xf32, #tpu.memory_space<vmem>>
      %dma_start3A_324 = arith.constant 0 : i32
      %dma_start3A_325 = tpu.memref_slice %arg9[%add3A_280, %dma_start3A_324] : memref<250x80xi32, #tpu.memory_space<vmem>> -> memref<1x80xi32, #tpu.memory_space<vmem>>
      %dma_start3A_326 = tpu.memref_squeeze %dma_start3A_325 : memref<1x80xi32, #tpu.memory_space<vmem>> -> memref<80xi32, #tpu.memory_space<vmem>>
      %dma_start3A_327 = arith.constant 0 : i32
      %dma_start3A_328 = tpu.memref_slice %arg17[%dma_start3A_327] : memref<10240xf32, #tpu.memory_space<vmem_shared>> -> memref<10240xf32, #tpu.memory_space<vmem_shared>>
      tpu.enqueue_indirect_dma source(%dma_start3A_323 : memref<80xf32, #tpu.memory_space<vmem>>) target(%dma_start3A_328 : memref<10240xf32, #tpu.memory_space<vmem_shared>>) offsets(%dma_start3A_326 : memref<80xi32, #tpu.memory_space<vmem>>) semaphore(%arg19 : memref<!tpu.dma_semaphore, #tpu.memory_space<semaphore_mem>>) {add = true}
      %mul3A_329 = arith.constant 5 : i32
      %mul3A_330 = arith.muli %mul3A_329, %scan3A_230 : i32
      %add3A_331 = arith.constant 2 : i32
      %add3A_332 = arith.addi %mul3A_330, %add3A_331 : i32
      %get3A_333 = arith.index_cast %add3A_332 : i32 to index
      %get3A_334 = arith.constant 0 : index
      %get3A_335 = tpu.vector_load %arg8[%get3A_333, %get3A_334] {strides = array<i32>} : memref<250x80xi32, #tpu.memory_space<vmem>>, vector<16xi32>,
      %gather3A_336 = tpu.vector_load_idx %arg10[%get3A_335] : memref<10240xf32, #tpu.memory_space<vmem>>[vector<16xi32>], vector<16xf32>,
      %swap3A_337 = arith.index_cast %add3A_332 : i32 to index
      %swap3A_338 = arith.constant 0 : index
      %swap3A_339 = tpu.vector_load %arg11[%swap3A_337, %swap3A_338] {strides = array<i32>} : memref<250x80xf32, #tpu.memory_space<vmem>>, vector<16xf32>,
      tpu.vector_store %arg11[%swap3A_337, %swap3A_338], %gather3A_336 {strides = array<i32>} : memref<250x80xf32, #tpu.memory_space<vmem>>, vector<16xf32>,
      %get3A_340 = arith.index_cast %add3A_332 : i32 to index
      %get3A_341 = arith.constant 16 : index
      %get3A_342 = tpu.vector_load %arg8[%get3A_340, %get3A_341] {strides = array<i32>} : memref<250x80xi32, #tpu.memory_space<vmem>>, vector<16xi32>,
      %gather3A_343 = tpu.vector_load_idx %arg10[%get3A_342] : memref<10240xf32, #tpu.memory_space<vmem>>[vector<16xi32>], vector<16xf32>,
      %swap3A_344 = arith.index_cast %add3A_332 : i32 to index
      %swap3A_345 = arith.constant 16 : index
      %swap3A_346 = tpu.vector_load %arg11[%swap3A_344, %swap3A_345] {strides = array<i32>} : memref<250x80xf32, #tpu.memory_space<vmem>>, vector<16xf32>,
      tpu.vector_store %arg11[%swap3A_344, %swap3A_345], %gather3A_343 {strides = array<i32>} : memref<250x80xf32, #tpu.memory_space<vmem>>, vector<16xf32>,
      %get3A_347 = arith.index_cast %add3A_332 : i32 to index
      %get3A_348 = arith.constant 32 : index
      %get3A_349 = tpu.vector_load %arg8[%get3A_347, %get3A_348] {strides = array<i32>} : memref<250x80xi32, #tpu.memory_space<vmem>>, vector<16xi32>,
      %gather3A_350 = tpu.vector_load_idx %arg10[%get3A_349] : memref<10240xf32, #tpu.memory_space<vmem>>[vector<16xi32>], vector<16xf32>,
      %swap3A_351 = arith.index_cast %add3A_332 : i32 to index
      %swap3A_352 = arith.constant 32 : index
      %swap3A_353 = tpu.vector_load %arg11[%swap3A_351, %swap3A_352] {strides = array<i32>} : memref<250x80xf32, #tpu.memory_space<vmem>>, vector<16xf32>,
      tpu.vector_store %arg11[%swap3A_351, %swap3A_352], %gather3A_350 {strides = array<i32>} : memref<250x80xf32, #tpu.memory_space<vmem>>, vector<16xf32>,
      %get3A_354 = arith.index_cast %add3A_332 : i32 to index
      %get3A_355 = arith.constant 48 : index
      %get3A_356 = tpu.vector_load %arg8[%get3A_354, %get3A_355] {strides = array<i32>} : memref<250x80xi32, #tpu.memory_space<vmem>>, vector<16xi32>,
      %gather3A_357 = tpu.vector_load_idx %arg10[%get3A_356] : memref<10240xf32, #tpu.memory_space<vmem>>[vector<16xi32>], vector<16xf32>,
      %swap3A_358 = arith.index_cast %add3A_332 : i32 to index
      %swap3A_359 = arith.constant 48 : index
      %swap3A_360 = tpu.vector_load %arg11[%swap3A_358, %swap3A_359] {strides = array<i32>} : memref<250x80xf32, #tpu.memory_space<vmem>>, vector<16xf32>,
      tpu.vector_store %arg11[%swap3A_358, %swap3A_359], %gather3A_357 {strides = array<i32>} : memref<250x80xf32, #tpu.memory_space<vmem>>, vector<16xf32>,
      %get3A_361 = arith.index_cast %add3A_332 : i32 to index
      %get3A_362 = arith.constant 64 : index
      %get3A_363 = tpu.vector_load %arg8[%get3A_361, %get3A_362] {strides = array<i32>} : memref<250x80xi32, #tpu.memory_space<vmem>>, vector<16xi32>,
      %gather3A_364 = tpu.vector_load_idx %arg10[%get3A_363] : memref<10240xf32, #tpu.memory_space<vmem>>[vector<16xi32>], vector<16xf32>,
      %swap3A_365 = arith.index_cast %add3A_332 : i32 to index
      %swap3A_366 = arith.constant 64 : index
      %swap3A_367 = tpu.vector_load %arg11[%swap3A_365, %swap3A_366] {strides = array<i32>} : memref<250x80xf32, #tpu.memory_space<vmem>>, vector<16xf32>,
      tpu.vector_store %arg11[%swap3A_365, %swap3A_366], %gather3A_364 {strides = array<i32>} : memref<250x80xf32, #tpu.memory_space<vmem>>, vector<16xf32>,
      %ge3A_368 = arith.constant 5 : i32
      %ge3A_369 = arith.cmpi sge, %add3A_332, %ge3A_368 : i32
      %convert_element_type3A_370 = arith.extui %ge3A_369 : i1 to i32
      %cond3A_371 = arith.constant 0 : i32
      %cond3A_372 = arith.cmpi ne, %convert_element_type3A_370, %cond3A_371 : i32
      scf.if %cond3A_372 {
        %sub3A = arith.constant 5 : i32
        %sub3A_486 = arith.subi %add3A_332, %sub3A : i32
        %dma_wait3A_487 = arith.constant 0 : i32
        %dma_wait3A_488 = tpu.memref_slice %arg11[%sub3A_486, %dma_wait3A_487] : memref<250x80xf32, #tpu.memory_space<vmem>> -> memref<1x80xf32, #tpu.memory_space<vmem>>
        %dma_wait3A_489 = tpu.memref_squeeze %dma_wait3A_488 : memref<1x80xf32, #tpu.memory_space<vmem>> -> memref<80xf32, #tpu.memory_space<vmem>>
        %dma_wait3A_490 = arith.constant 0 : i32
        %dma_wait3A_491 = tpu.memref_slice %arg9[%sub3A_486, %dma_wait3A_490] : memref<250x80xi32, #tpu.memory_space<vmem>> -> memref<1x80xi32, #tpu.memory_space<vmem>>
        %dma_wait3A_492 = tpu.memref_squeeze %dma_wait3A_491 : memref<1x80xi32, #tpu.memory_space<vmem>> -> memref<80xi32, #tpu.memory_space<vmem>>
        %dma_wait3A_493 = arith.constant 0 : i32
        %dma_wait3A_494 = tpu.memref_slice %arg17[%dma_wait3A_493] : memref<10240xf32, #tpu.memory_space<vmem_shared>> -> memref<10240xf32, #tpu.memory_space<vmem_shared>>
        tpu.wait_indirect_dma semaphore(%arg20 : memref<!tpu.dma_semaphore, #tpu.memory_space<semaphore_mem>>) src(%dma_wait3A_489 : memref<80xf32, #tpu.memory_space<vmem>>) dst(%dma_wait3A_494 : memref<10240xf32, #tpu.memory_space<vmem_shared>>)
      } else {
      }
      %dma_start3A_373 = arith.constant 0 : i32
      %dma_start3A_374 = tpu.memref_slice %arg11[%add3A_332, %dma_start3A_373] : memref<250x80xf32, #tpu.memory_space<vmem>> -> memref<1x80xf32, #tpu.memory_space<vmem>>
      %dma_start3A_375 = tpu.memref_squeeze %dma_start3A_374 : memref<1x80xf32, #tpu.memory_space<vmem>> -> memref<80xf32, #tpu.memory_space<vmem>>
      %dma_start3A_376 = arith.constant 0 : i32
      %dma_start3A_377 = tpu.memref_slice %arg9[%add3A_332, %dma_start3A_376] : memref<250x80xi32, #tpu.memory_space<vmem>> -> memref<1x80xi32, #tpu.memory_space<vmem>>
      %dma_start3A_378 = tpu.memref_squeeze %dma_start3A_377 : memref<1x80xi32, #tpu.memory_space<vmem>> -> memref<80xi32, #tpu.memory_space<vmem>>
      %dma_start3A_379 = arith.constant 0 : i32
      %dma_start3A_380 = tpu.memref_slice %arg17[%dma_start3A_379] : memref<10240xf32, #tpu.memory_space<vmem_shared>> -> memref<10240xf32, #tpu.memory_space<vmem_shared>>
      tpu.enqueue_indirect_dma source(%dma_start3A_375 : memref<80xf32, #tpu.memory_space<vmem>>) target(%dma_start3A_380 : memref<10240xf32, #tpu.memory_space<vmem_shared>>) offsets(%dma_start3A_378 : memref<80xi32, #tpu.memory_space<vmem>>) semaphore(%arg20 : memref<!tpu.dma_semaphore, #tpu.memory_space<semaphore_mem>>) {add = true}
      %mul3A_381 = arith.constant 5 : i32
      %mul3A_382 = arith.muli %mul3A_381, %scan3A_230 : i32
      %add3A_383 = arith.constant 3 : i32
      %add3A_384 = arith.addi %mul3A_382, %add3A_383 : i32
      %get3A_385 = arith.index_cast %add3A_384 : i32 to index
      %get3A_386 = arith.constant 0 : index
      %get3A_387 = tpu.vector_load %arg8[%get3A_385, %get3A_386] {strides = array<i32>} : memref<250x80xi32, #tpu.memory_space<vmem>>, vector<16xi32>,
      %gather3A_388 = tpu.vector_load_idx %arg10[%get3A_387] : memref<10240xf32, #tpu.memory_space<vmem>>[vector<16xi32>], vector<16xf32>,
      %swap3A_389 = arith.index_cast %add3A_384 : i32 to index
      %swap3A_390 = arith.constant 0 : index
      %swap3A_391 = tpu.vector_load %arg11[%swap3A_389, %swap3A_390] {strides = array<i32>} : memref<250x80xf32, #tpu.memory_space<vmem>>, vector<16xf32>,
      tpu.vector_store %arg11[%swap3A_389, %swap3A_390], %gather3A_388 {strides = array<i32>} : memref<250x80xf32, #tpu.memory_space<vmem>>, vector<16xf32>,
      %get3A_392 = arith.index_cast %add3A_384 : i32 to index
      %get3A_393 = arith.constant 16 : index
      %get3A_394 = tpu.vector_load %arg8[%get3A_392, %get3A_393] {strides = array<i32>} : memref<250x80xi32, #tpu.memory_space<vmem>>, vector<16xi32>,
      %gather3A_395 = tpu.vector_load_idx %arg10[%get3A_394] : memref<10240xf32, #tpu.memory_space<vmem>>[vector<16xi32>], vector<16xf32>,
      %swap3A_396 = arith.index_cast %add3A_384 : i32 to index
      %swap3A_397 = arith.constant 16 : index
      %swap3A_398 = tpu.vector_load %arg11[%swap3A_396, %swap3A_397] {strides = array<i32>} : memref<250x80xf32, #tpu.memory_space<vmem>>, vector<16xf32>,
      tpu.vector_store %arg11[%swap3A_396, %swap3A_397], %gather3A_395 {strides = array<i32>} : memref<250x80xf32, #tpu.memory_space<vmem>>, vector<16xf32>,
      %get3A_399 = arith.index_cast %add3A_384 : i32 to index
      %get3A_400 = arith.constant 32 : index
      %get3A_401 = tpu.vector_load %arg8[%get3A_399, %get3A_400] {strides = array<i32>} : memref<250x80xi32, #tpu.memory_space<vmem>>, vector<16xi32>,
      %gather3A_402 = tpu.vector_load_idx %arg10[%get3A_401] : memref<10240xf32, #tpu.memory_space<vmem>>[vector<16xi32>], vector<16xf32>,
      %swap3A_403 = arith.index_cast %add3A_384 : i32 to index
      %swap3A_404 = arith.constant 32 : index
      %swap3A_405 = tpu.vector_load %arg11[%swap3A_403, %swap3A_404] {strides = array<i32>} : memref<250x80xf32, #tpu.memory_space<vmem>>, vector<16xf32>,
      tpu.vector_store %arg11[%swap3A_403, %swap3A_404], %gather3A_402 {strides = array<i32>} : memref<250x80xf32, #tpu.memory_space<vmem>>, vector<16xf32>,
      %get3A_406 = arith.index_cast %add3A_384 : i32 to index
      %get3A_407 = arith.constant 48 : index
      %get3A_408 = tpu.vector_load %arg8[%get3A_406, %get3A_407] {strides = array<i32>} : memref<250x80xi32, #tpu.memory_space<vmem>>, vector<16xi32>,
      %gather3A_409 = tpu.vector_load_idx %arg10[%get3A_408] : memref<10240xf32, #tpu.memory_space<vmem>>[vector<16xi32>], vector<16xf32>,
      %swap3A_410 = arith.index_cast %add3A_384 : i32 to index
      %swap3A_411 = arith.constant 48 : index
      %swap3A_412 = tpu.vector_load %arg11[%swap3A_410, %swap3A_411] {strides = array<i32>} : memref<250x80xf32, #tpu.memory_space<vmem>>, vector<16xf32>,
      tpu.vector_store %arg11[%swap3A_410, %swap3A_411], %gather3A_409 {strides = array<i32>} : memref<250x80xf32, #tpu.memory_space<vmem>>, vector<16xf32>,
      %get3A_413 = arith.index_cast %add3A_384 : i32 to index
      %get3A_414 = arith.constant 64 : index
      %get3A_415 = tpu.vector_load %arg8[%get3A_413, %get3A_414] {strides = array<i32>} : memref<250x80xi32, #tpu.memory_space<vmem>>, vector<16xi32>,
      %gather3A_416 = tpu.vector_load_idx %arg10[%get3A_415] : memref<10240xf32, #tpu.memory_space<vmem>>[vector<16xi32>], vector<16xf32>,
      %swap3A_417 = arith.index_cast %add3A_384 : i32 to index
      %swap3A_418 = arith.constant 64 : index
      %swap3A_419 = tpu.vector_load %arg11[%swap3A_417, %swap3A_418] {strides = array<i32>} : memref<250x80xf32, #tpu.memory_space<vmem>>, vector<16xf32>,
      tpu.vector_store %arg11[%swap3A_417, %swap3A_418], %gather3A_416 {strides = array<i32>} : memref<250x80xf32, #tpu.memory_space<vmem>>, vector<16xf32>,
      %ge3A_420 = arith.constant 5 : i32
      %ge3A_421 = arith.cmpi sge, %add3A_384, %ge3A_420 : i32
      %convert_element_type3A_422 = arith.extui %ge3A_421 : i1 to i32
      %cond3A_423 = arith.constant 0 : i32
      %cond3A_424 = arith.cmpi ne, %convert_element_type3A_422, %cond3A_423 : i32
      scf.if %cond3A_424 {
        %sub3A = arith.constant 5 : i32
        %sub3A_486 = arith.subi %add3A_384, %sub3A : i32
        %dma_wait3A_487 = arith.constant 0 : i32
        %dma_wait3A_488 = tpu.memref_slice %arg11[%sub3A_486, %dma_wait3A_487] : memref<250x80xf32, #tpu.memory_space<vmem>> -> memref<1x80xf32, #tpu.memory_space<vmem>>
        %dma_wait3A_489 = tpu.memref_squeeze %dma_wait3A_488 : memref<1x80xf32, #tpu.memory_space<vmem>> -> memref<80xf32, #tpu.memory_space<vmem>>
        %dma_wait3A_490 = arith.constant 0 : i32
        %dma_wait3A_491 = tpu.memref_slice %arg9[%sub3A_486, %dma_wait3A_490] : memref<250x80xi32, #tpu.memory_space<vmem>> -> memref<1x80xi32, #tpu.memory_space<vmem>>
        %dma_wait3A_492 = tpu.memref_squeeze %dma_wait3A_491 : memref<1x80xi32, #tpu.memory_space<vmem>> -> memref<80xi32, #tpu.memory_space<vmem>>
        %dma_wait3A_493 = arith.constant 0 : i32
        %dma_wait3A_494 = tpu.memref_slice %arg17[%dma_wait3A_493] : memref<10240xf32, #tpu.memory_space<vmem_shared>> -> memref<10240xf32, #tpu.memory_space<vmem_shared>>
        tpu.wait_indirect_dma semaphore(%arg21 : memref<!tpu.dma_semaphore, #tpu.memory_space<semaphore_mem>>) src(%dma_wait3A_489 : memref<80xf32, #tpu.memory_space<vmem>>) dst(%dma_wait3A_494 : memref<10240xf32, #tpu.memory_space<vmem_shared>>)
      } else {
      }
      %dma_start3A_425 = arith.constant 0 : i32
      %dma_start3A_426 = tpu.memref_slice %arg11[%add3A_384, %dma_start3A_425] : memref<250x80xf32, #tpu.memory_space<vmem>> -> memref<1x80xf32, #tpu.memory_space<vmem>>
      %dma_start3A_427 = tpu.memref_squeeze %dma_start3A_426 : memref<1x80xf32, #tpu.memory_space<vmem>> -> memref<80xf32, #tpu.memory_space<vmem>>
      %dma_start3A_428 = arith.constant 0 : i32
      %dma_start3A_429 = tpu.memref_slice %arg9[%add3A_384, %dma_start3A_428] : memref<250x80xi32, #tpu.memory_space<vmem>> -> memref<1x80xi32, #tpu.memory_space<vmem>>
      %dma_start3A_430 = tpu.memref_squeeze %dma_start3A_429 : memref<1x80xi32, #tpu.memory_space<vmem>> -> memref<80xi32, #tpu.memory_space<vmem>>
      %dma_start3A_431 = arith.constant 0 : i32
      %dma_start3A_432 = tpu.memref_slice %arg17[%dma_start3A_431] : memref<10240xf32, #tpu.memory_space<vmem_shared>> -> memref<10240xf32, #tpu.memory_space<vmem_shared>>
      tpu.enqueue_indirect_dma source(%dma_start3A_427 : memref<80xf32, #tpu.memory_space<vmem>>) target(%dma_start3A_432 : memref<10240xf32, #tpu.memory_space<vmem_shared>>) offsets(%dma_start3A_430 : memref<80xi32, #tpu.memory_space<vmem>>) semaphore(%arg21 : memref<!tpu.dma_semaphore, #tpu.memory_space<semaphore_mem>>) {add = true}
      %mul3A_433 = arith.constant 5 : i32
      %mul3A_434 = arith.muli %mul3A_433, %scan3A_230 : i32
      %add3A_435 = arith.constant 4 : i32
      %add3A_436 = arith.addi %mul3A_434, %add3A_435 : i32
      %get3A_437 = arith.index_cast %add3A_436 : i32 to index
      %get3A_438 = arith.constant 0 : index
      %get3A_439 = tpu.vector_load %arg8[%get3A_437, %get3A_438] {strides = array<i32>} : memref<250x80xi32, #tpu.memory_space<vmem>>, vector<16xi32>,
      %gather3A_440 = tpu.vector_load_idx %arg10[%get3A_439] : memref<10240xf32, #tpu.memory_space<vmem>>[vector<16xi32>], vector<16xf32>,
      %swap3A_441 = arith.index_cast %add3A_436 : i32 to index
      %swap3A_442 = arith.constant 0 : index
      %swap3A_443 = tpu.vector_load %arg11[%swap3A_441, %swap3A_442] {strides = array<i32>} : memref<250x80xf32, #tpu.memory_space<vmem>>, vector<16xf32>,
      tpu.vector_store %arg11[%swap3A_441, %swap3A_442], %gather3A_440 {strides = array<i32>} : memref<250x80xf32, #tpu.memory_space<vmem>>, vector<16xf32>,
      %get3A_444 = arith.index_cast %add3A_436 : i32 to index
      %get3A_445 = arith.constant 16 : index
      %get3A_446 = tpu.vector_load %arg8[%get3A_444, %get3A_445] {strides = array<i32>} : memref<250x80xi32, #tpu.memory_space<vmem>>, vector<16xi32>,
      %gather3A_447 = tpu.vector_load_idx %arg10[%get3A_446] : memref<10240xf32, #tpu.memory_space<vmem>>[vector<16xi32>], vector<16xf32>,
      %swap3A_448 = arith.index_cast %add3A_436 : i32 to index
      %swap3A_449 = arith.constant 16 : index
      %swap3A_450 = tpu.vector_load %arg11[%swap3A_448, %swap3A_449] {strides = array<i32>} : memref<250x80xf32, #tpu.memory_space<vmem>>, vector<16xf32>,
      tpu.vector_store %arg11[%swap3A_448, %swap3A_449], %gather3A_447 {strides = array<i32>} : memref<250x80xf32, #tpu.memory_space<vmem>>, vector<16xf32>,
      %get3A_451 = arith.index_cast %add3A_436 : i32 to index
      %get3A_452 = arith.constant 32 : index
      %get3A_453 = tpu.vector_load %arg8[%get3A_451, %get3A_452] {strides = array<i32>} : memref<250x80xi32, #tpu.memory_space<vmem>>, vector<16xi32>,
      %gather3A_454 = tpu.vector_load_idx %arg10[%get3A_453] : memref<10240xf32, #tpu.memory_space<vmem>>[vector<16xi32>], vector<16xf32>,
      %swap3A_455 = arith.index_cast %add3A_436 : i32 to index
      %swap3A_456 = arith.constant 32 : index
      %swap3A_457 = tpu.vector_load %arg11[%swap3A_455, %swap3A_456] {strides = array<i32>} : memref<250x80xf32, #tpu.memory_space<vmem>>, vector<16xf32>,
      tpu.vector_store %arg11[%swap3A_455, %swap3A_456], %gather3A_454 {strides = array<i32>} : memref<250x80xf32, #tpu.memory_space<vmem>>, vector<16xf32>,
      %get3A_458 = arith.index_cast %add3A_436 : i32 to index
      %get3A_459 = arith.constant 48 : index
      %get3A_460 = tpu.vector_load %arg8[%get3A_458, %get3A_459] {strides = array<i32>} : memref<250x80xi32, #tpu.memory_space<vmem>>, vector<16xi32>,
      %gather3A_461 = tpu.vector_load_idx %arg10[%get3A_460] : memref<10240xf32, #tpu.memory_space<vmem>>[vector<16xi32>], vector<16xf32>,
      %swap3A_462 = arith.index_cast %add3A_436 : i32 to index
      %swap3A_463 = arith.constant 48 : index
      %swap3A_464 = tpu.vector_load %arg11[%swap3A_462, %swap3A_463] {strides = array<i32>} : memref<250x80xf32, #tpu.memory_space<vmem>>, vector<16xf32>,
      tpu.vector_store %arg11[%swap3A_462, %swap3A_463], %gather3A_461 {strides = array<i32>} : memref<250x80xf32, #tpu.memory_space<vmem>>, vector<16xf32>,
      %get3A_465 = arith.index_cast %add3A_436 : i32 to index
      %get3A_466 = arith.constant 64 : index
      %get3A_467 = tpu.vector_load %arg8[%get3A_465, %get3A_466] {strides = array<i32>} : memref<250x80xi32, #tpu.memory_space<vmem>>, vector<16xi32>,
      %gather3A_468 = tpu.vector_load_idx %arg10[%get3A_467] : memref<10240xf32, #tpu.memory_space<vmem>>[vector<16xi32>], vector<16xf32>,
      %swap3A_469 = arith.index_cast %add3A_436 : i32 to index
      %swap3A_470 = arith.constant 64 : index
      %swap3A_471 = tpu.vector_load %arg11[%swap3A_469, %swap3A_470] {strides = array<i32>} : memref<250x80xf32, #tpu.memory_space<vmem>>, vector<16xf32>,
      tpu.vector_store %arg11[%swap3A_469, %swap3A_470], %gather3A_468 {strides = array<i32>} : memref<250x80xf32, #tpu.memory_space<vmem>>, vector<16xf32>,
      %ge3A_472 = arith.constant 5 : i32
      %ge3A_473 = arith.cmpi sge, %add3A_436, %ge3A_472 : i32
      %convert_element_type3A_474 = arith.extui %ge3A_473 : i1 to i32
      %cond3A_475 = arith.constant 0 : i32
      %cond3A_476 = arith.cmpi ne, %convert_element_type3A_474, %cond3A_475 : i32
      scf.if %cond3A_476 {
        %sub3A = arith.constant 5 : i32
        %sub3A_486 = arith.subi %add3A_436, %sub3A : i32
        %dma_wait3A_487 = arith.constant 0 : i32
        %dma_wait3A_488 = tpu.memref_slice %arg11[%sub3A_486, %dma_wait3A_487] : memref<250x80xf32, #tpu.memory_space<vmem>> -> memref<1x80xf32, #tpu.memory_space<vmem>>
        %dma_wait3A_489 = tpu.memref_squeeze %dma_wait3A_488 : memref<1x80xf32, #tpu.memory_space<vmem>> -> memref<80xf32, #tpu.memory_space<vmem>>
        %dma_wait3A_490 = arith.constant 0 : i32
        %dma_wait3A_491 = tpu.memref_slice %arg9[%sub3A_486, %dma_wait3A_490] : memref<250x80xi32, #tpu.memory_space<vmem>> -> memref<1x80xi32, #tpu.memory_space<vmem>>
        %dma_wait3A_492 = tpu.memref_squeeze %dma_wait3A_491 : memref<1x80xi32, #tpu.memory_space<vmem>> -> memref<80xi32, #tpu.memory_space<vmem>>
        %dma_wait3A_493 = arith.constant 0 : i32
        %dma_wait3A_494 = tpu.memref_slice %arg17[%dma_wait3A_493] : memref<10240xf32, #tpu.memory_space<vmem_shared>> -> memref<10240xf32, #tpu.memory_space<vmem_shared>>
        tpu.wait_indirect_dma semaphore(%arg22 : memref<!tpu.dma_semaphore, #tpu.memory_space<semaphore_mem>>) src(%dma_wait3A_489 : memref<80xf32, #tpu.memory_space<vmem>>) dst(%dma_wait3A_494 : memref<10240xf32, #tpu.memory_space<vmem_shared>>)
      } else {
      }
      %dma_start3A_477 = arith.constant 0 : i32
      %dma_start3A_478 = tpu.memref_slice %arg11[%add3A_436, %dma_start3A_477] : memref<250x80xf32, #tpu.memory_space<vmem>> -> memref<1x80xf32, #tpu.memory_space<vmem>>
      %dma_start3A_479 = tpu.memref_squeeze %dma_start3A_478 : memref<1x80xf32, #tpu.memory_space<vmem>> -> memref<80xf32, #tpu.memory_space<vmem>>
      %dma_start3A_480 = arith.constant 0 : i32
      %dma_start3A_481 = tpu.memref_slice %arg9[%add3A_436, %dma_start3A_480] : memref<250x80xi32, #tpu.memory_space<vmem>> -> memref<1x80xi32, #tpu.memory_space<vmem>>
      %dma_start3A_482 = tpu.memref_squeeze %dma_start3A_481 : memref<1x80xi32, #tpu.memory_space<vmem>> -> memref<80xi32, #tpu.memory_space<vmem>>
      %dma_start3A_483 = arith.constant 0 : i32
      %dma_start3A_484 = tpu.memref_slice %arg17[%dma_start3A_483] : memref<10240xf32, #tpu.memory_space<vmem_shared>> -> memref<10240xf32, #tpu.memory_space<vmem_shared>>
      tpu.enqueue_indirect_dma source(%dma_start3A_479 : memref<80xf32, #tpu.memory_space<vmem>>) target(%dma_start3A_484 : memref<10240xf32, #tpu.memory_space<vmem_shared>>) offsets(%dma_start3A_482 : memref<80xi32, #tpu.memory_space<vmem>>) semaphore(%arg22 : memref<!tpu.dma_semaphore, #tpu.memory_space<semaphore_mem>>) {add = true}
      %scan3A_485 = arith.constant 0 : i32
      scf.yield %scan3A_485 : i32
    }
    %scan3A_164 = arith.constant 50 : i32
    %dma_wait3A = arith.constant 245 : i32
    %dma_wait3A_165 = arith.constant 245 : i32
    %dma_wait3A_166 = arith.constant 0 : i32
    %dma_wait3A_167 = tpu.memref_slice %arg11[%dma_wait3A, %dma_wait3A_166] : memref<250x80xf32, #tpu.memory_space<vmem>> -> memref<1x80xf32, #tpu.memory_space<vmem>>
    %dma_wait3A_168 = tpu.memref_squeeze %dma_wait3A_167 : memref<1x80xf32, #tpu.memory_space<vmem>> -> memref<80xf32, #tpu.memory_space<vmem>>
    %dma_wait3A_169 = arith.constant 0 : i32
    %dma_wait3A_170 = tpu.memref_slice %arg9[%dma_wait3A_165, %dma_wait3A_169] : memref<250x80xi32, #tpu.memory_space<vmem>> -> memref<1x80xi32, #tpu.memory_space<vmem>>
    %dma_wait3A_171 = tpu.memref_squeeze %dma_wait3A_170 : memref<1x80xi32, #tpu.memory_space<vmem>> -> memref<80xi32, #tpu.memory_space<vmem>>
    %dma_wait3A_172 = arith.constant 0 : i32
    %dma_wait3A_173 = tpu.memref_slice %arg17[%dma_wait3A_172] : memref<10240xf32, #tpu.memory_space<vmem_shared>> -> memref<10240xf32, #tpu.memory_space<vmem_shared>>
    tpu.wait_indirect_dma semaphore(%arg18 : memref<!tpu.dma_semaphore, #tpu.memory_space<semaphore_mem>>) src(%dma_wait3A_168 : memref<80xf32, #tpu.memory_space<vmem>>) dst(%dma_wait3A_173 : memref<10240xf32, #tpu.memory_space<vmem_shared>>)
    %dma_wait3A_174 = arith.constant 246 : i32
    %dma_wait3A_175 = arith.constant 246 : i32
    %dma_wait3A_176 = arith.constant 0 : i32
    %dma_wait3A_177 = tpu.memref_slice %arg11[%dma_wait3A_174, %dma_wait3A_176] : memref<250x80xf32, #tpu.memory_space<vmem>> -> memref<1x80xf32, #tpu.memory_space<vmem>>
    %dma_wait3A_178 = tpu.memref_squeeze %dma_wait3A_177 : memref<1x80xf32, #tpu.memory_space<vmem>> -> memref<80xf32, #tpu.memory_space<vmem>>
    %dma_wait3A_179 = arith.constant 0 : i32
    %dma_wait3A_180 = tpu.memref_slice %arg9[%dma_wait3A_175, %dma_wait3A_179] : memref<250x80xi32, #tpu.memory_space<vmem>> -> memref<1x80xi32, #tpu.memory_space<vmem>>
    %dma_wait3A_181 = tpu.memref_squeeze %dma_wait3A_180 : memref<1x80xi32, #tpu.memory_space<vmem>> -> memref<80xi32, #tpu.memory_space<vmem>>
    %dma_wait3A_182 = arith.constant 0 : i32
    %dma_wait3A_183 = tpu.memref_slice %arg17[%dma_wait3A_182] : memref<10240xf32, #tpu.memory_space<vmem_shared>> -> memref<10240xf32, #tpu.memory_space<vmem_shared>>
    tpu.wait_indirect_dma semaphore(%arg19 : memref<!tpu.dma_semaphore, #tpu.memory_space<semaphore_mem>>) src(%dma_wait3A_178 : memref<80xf32, #tpu.memory_space<vmem>>) dst(%dma_wait3A_183 : memref<10240xf32, #tpu.memory_space<vmem_shared>>)
    %dma_wait3A_184 = arith.constant 247 : i32
    %dma_wait3A_185 = arith.constant 247 : i32
    %dma_wait3A_186 = arith.constant 0 : i32
    %dma_wait3A_187 = tpu.memref_slice %arg11[%dma_wait3A_184, %dma_wait3A_186] : memref<250x80xf32, #tpu.memory_space<vmem>> -> memref<1x80xf32, #tpu.memory_space<vmem>>
    %dma_wait3A_188 = tpu.memref_squeeze %dma_wait3A_187 : memref<1x80xf32, #tpu.memory_space<vmem>> -> memref<80xf32, #tpu.memory_space<vmem>>
    %dma_wait3A_189 = arith.constant 0 : i32
    %dma_wait3A_190 = tpu.memref_slice %arg9[%dma_wait3A_185, %dma_wait3A_189] : memref<250x80xi32, #tpu.memory_space<vmem>> -> memref<1x80xi32, #tpu.memory_space<vmem>>
    %dma_wait3A_191 = tpu.memref_squeeze %dma_wait3A_190 : memref<1x80xi32, #tpu.memory_space<vmem>> -> memref<80xi32, #tpu.memory_space<vmem>>
    %dma_wait3A_192 = arith.constant 0 : i32
    %dma_wait3A_193 = tpu.memref_slice %arg17[%dma_wait3A_192] : memref<10240xf32, #tpu.memory_space<vmem_shared>> -> memref<10240xf32, #tpu.memory_space<vmem_shared>>
    tpu.wait_indirect_dma semaphore(%arg20 : memref<!tpu.dma_semaphore, #tpu.memory_space<semaphore_mem>>) src(%dma_wait3A_188 : memref<80xf32, #tpu.memory_space<vmem>>) dst(%dma_wait3A_193 : memref<10240xf32, #tpu.memory_space<vmem_shared>>)
    %dma_wait3A_194 = arith.constant 248 : i32
    %dma_wait3A_195 = arith.constant 248 : i32
    %dma_wait3A_196 = arith.constant 0 : i32
    %dma_wait3A_197 = tpu.memref_slice %arg11[%dma_wait3A_194, %dma_wait3A_196] : memref<250x80xf32, #tpu.memory_space<vmem>> -> memref<1x80xf32, #tpu.memory_space<vmem>>
    %dma_wait3A_198 = tpu.memref_squeeze %dma_wait3A_197 : memref<1x80xf32, #tpu.memory_space<vmem>> -> memref<80xf32, #tpu.memory_space<vmem>>
    %dma_wait3A_199 = arith.constant 0 : i32
    %dma_wait3A_200 = tpu.memref_slice %arg9[%dma_wait3A_195, %dma_wait3A_199] : memref<250x80xi32, #tpu.memory_space<vmem>> -> memref<1x80xi32, #tpu.memory_space<vmem>>
    %dma_wait3A_201 = tpu.memref_squeeze %dma_wait3A_200 : memref<1x80xi32, #tpu.memory_space<vmem>> -> memref<80xi32, #tpu.memory_space<vmem>>
    %dma_wait3A_202 = arith.constant 0 : i32
    %dma_wait3A_203 = tpu.memref_slice %arg17[%dma_wait3A_202] : memref<10240xf32, #tpu.memory_space<vmem_shared>> -> memref<10240xf32, #tpu.memory_space<vmem_shared>>
    tpu.wait_indirect_dma semaphore(%arg21 : memref<!tpu.dma_semaphore, #tpu.memory_space<semaphore_mem>>) src(%dma_wait3A_198 : memref<80xf32, #tpu.memory_space<vmem>>) dst(%dma_wait3A_203 : memref<10240xf32, #tpu.memory_space<vmem_shared>>)
    %dma_wait3A_204 = arith.constant 249 : i32
    %dma_wait3A_205 = arith.constant 249 : i32
    %dma_wait3A_206 = arith.constant 0 : i32
    %dma_wait3A_207 = tpu.memref_slice %arg11[%dma_wait3A_204, %dma_wait3A_206] : memref<250x80xf32, #tpu.memory_space<vmem>> -> memref<1x80xf32, #tpu.memory_space<vmem>>
    %dma_wait3A_208 = tpu.memref_squeeze %dma_wait3A_207 : memref<1x80xf32, #tpu.memory_space<vmem>> -> memref<80xf32, #tpu.memory_space<vmem>>
    %dma_wait3A_209 = arith.constant 0 : i32
    %dma_wait3A_210 = tpu.memref_slice %arg9[%dma_wait3A_205, %dma_wait3A_209] : memref<250x80xi32, #tpu.memory_space<vmem>> -> memref<1x80xi32, #tpu.memory_space<vmem>>
    %dma_wait3A_211 = tpu.memref_squeeze %dma_wait3A_210 : memref<1x80xi32, #tpu.memory_space<vmem>> -> memref<80xi32, #tpu.memory_space<vmem>>
    %dma_wait3A_212 = arith.constant 0 : i32
    %dma_wait3A_213 = tpu.memref_slice %arg17[%dma_wait3A_212] : memref<10240xf32, #tpu.memory_space<vmem_shared>> -> memref<10240xf32, #tpu.memory_space<vmem_shared>>
    tpu.wait_indirect_dma semaphore(%arg22 : memref<!tpu.dma_semaphore, #tpu.memory_space<semaphore_mem>>) src(%dma_wait3A_208 : memref<80xf32, #tpu.memory_space<vmem>>) dst(%dma_wait3A_213 : memref<10240xf32, #tpu.memory_space<vmem_shared>>)
    %barrier3A_214 = arith.constant 0 : index
    tpu.barrier barrier_id(%barrier3A_214)
    %mul3A_215 = arith.constant 640 : i32
    %mul3A_216 = arith.muli %arg1, %mul3A_215 : i32
    "tpu.region"() ({
      %run_scoped3A = tpu.sem_alloc : memref<!tpu.dma_semaphore, #tpu.memory_space<semaphore_mem>>
      %dma_start3A = tpu.memref_slice %arg17[%mul3A_216] : memref<10240xf32, #tpu.memory_space<vmem_shared>> -> memref<640xf32, #tpu.memory_space<vmem_shared>>
      %dma_start3A_230 = tpu.memref_slice %arg17[%mul3A_216] : memref<10240xf32, #tpu.memory_space<vmem_shared>> -> memref<640xf32, #tpu.memory_space<vmem_shared>>
      tpu.enqueue_dma source(%dma_start3A_230 : memref<640xf32, #tpu.memory_space<vmem_shared>>) target(%arg13 : memref<640xf32, #tpu.memory_space<vmem>>) target_semaphore(%run_scoped3A : memref<!tpu.dma_semaphore, #tpu.memory_space<semaphore_mem>>)
      %dma_wait3A_231 = tpu.memref_slice %arg17[%mul3A_216] : memref<10240xf32, #tpu.memory_space<vmem_shared>> -> memref<640xf32, #tpu.memory_space<vmem_shared>>
      %dma_wait3A_232 = tpu.memref_slice %arg17[%mul3A_216] : memref<10240xf32, #tpu.memory_space<vmem_shared>> -> memref<640xf32, #tpu.memory_space<vmem_shared>>
      tpu.wait_dma2 semaphore(%run_scoped3A : memref<!tpu.dma_semaphore, #tpu.memory_space<semaphore_mem>>) src(%dma_wait3A_232 : memref<640xf32, #tpu.memory_space<vmem_shared>>) dst(%arg13 : memref<640xf32, #tpu.memory_space<vmem>>)
      tpu.yield
    }) : () -> ()
    %mul3A_217 = arith.constant 640 : i32
    %mul3A_218 = arith.muli %arg1, %mul3A_217 : i32
    "tpu.region"() ({
      %run_scoped3A = tpu.sem_alloc : memref<!tpu.dma_semaphore, #tpu.memory_space<semaphore_mem>>
      %dma_start3A = tpu.memref_slice %arg3[%mul3A_218] : memref<10240xf32, #tpu.memory_space<hbm>> -> memref<640xf32, #tpu.memory_space<hbm>>
      %dma_start3A_230 = tpu.memref_slice %arg3[%mul3A_218] : memref<10240xf32, #tpu.memory_space<hbm>> -> memref<640xf32, #tpu.memory_space<hbm>>
      tpu.enqueue_dma source(%dma_start3A_230 : memref<640xf32, #tpu.memory_space<hbm>>) target(%arg14 : memref<640xf32, #tpu.memory_space<vmem>>) target_semaphore(%run_scoped3A : memref<!tpu.dma_semaphore, #tpu.memory_space<semaphore_mem>>)
      %dma_wait3A_231 = tpu.memref_slice %arg3[%mul3A_218] : memref<10240xf32, #tpu.memory_space<hbm>> -> memref<640xf32, #tpu.memory_space<hbm>>
      %dma_wait3A_232 = tpu.memref_slice %arg3[%mul3A_218] : memref<10240xf32, #tpu.memory_space<hbm>> -> memref<640xf32, #tpu.memory_space<hbm>>
      tpu.wait_dma2 semaphore(%run_scoped3A : memref<!tpu.dma_semaphore, #tpu.memory_space<semaphore_mem>>) src(%dma_wait3A_232 : memref<640xf32, #tpu.memory_space<hbm>>) dst(%arg14 : memref<640xf32, #tpu.memory_space<vmem>>)
      tpu.yield
    }) : () -> ()
    %mul3A_219 = arith.constant 640 : i32
    %mul3A_220 = arith.muli %arg1, %mul3A_219 : i32
    "tpu.region"() ({
      %run_scoped3A = tpu.sem_alloc : memref<!tpu.dma_semaphore, #tpu.memory_space<semaphore_mem>>
      %dma_start3A = tpu.memref_slice %arg4[%mul3A_220] : memref<10240xf32, #tpu.memory_space<hbm>> -> memref<640xf32, #tpu.memory_space<hbm>>
      %dma_start3A_230 = tpu.memref_slice %arg4[%mul3A_220] : memref<10240xf32, #tpu.memory_space<hbm>> -> memref<640xf32, #tpu.memory_space<hbm>>
      tpu.enqueue_dma source(%dma_start3A_230 : memref<640xf32, #tpu.memory_space<hbm>>) target(%arg15 : memref<640xf32, #tpu.memory_space<vmem>>) target_semaphore(%run_scoped3A : memref<!tpu.dma_semaphore, #tpu.memory_space<semaphore_mem>>)
      %dma_wait3A_231 = tpu.memref_slice %arg4[%mul3A_220] : memref<10240xf32, #tpu.memory_space<hbm>> -> memref<640xf32, #tpu.memory_space<hbm>>
      %dma_wait3A_232 = tpu.memref_slice %arg4[%mul3A_220] : memref<10240xf32, #tpu.memory_space<hbm>> -> memref<640xf32, #tpu.memory_space<hbm>>
      tpu.wait_dma2 semaphore(%run_scoped3A : memref<!tpu.dma_semaphore, #tpu.memory_space<semaphore_mem>>) src(%dma_wait3A_232 : memref<640xf32, #tpu.memory_space<hbm>>) dst(%arg15 : memref<640xf32, #tpu.memory_space<vmem>>)
      tpu.yield
    }) : () -> ()
    %scan3A_221 = arith.constant 0 : i32
    %scan3A_222 = arith.constant 0 : i32
    %scan3A_223 = arith.constant 40 : i32
    %scan3A_224 = arith.addi %scan3A_222, %scan3A_223 : i32
    %scan3A_225 = arith.constant 1 : i32
    %scan3A_226 = scf.for %scan3A_230 = %scan3A_222 to %scan3A_224 step %scan3A_225 iter_args(%scan3A_231 = %scan3A_221) -> (i32)  : i32 {
      %mul3A_232 = arith.constant 16 : i32
      %mul3A_233 = arith.muli %scan3A_230, %mul3A_232 : i32
      %get3A = arith.index_cast %mul3A_233 : i32 to index
      %get3A_234 = tpu.vector_load %arg13[%get3A] {strides = array<i32>} : memref<640xf32, #tpu.memory_space<vmem>>, vector<16xf32>,
      %mul3A_235 = arith.constant 16 : i32
      %mul3A_236 = arith.muli %scan3A_230, %mul3A_235 : i32
      %get3A_237 = arith.index_cast %mul3A_236 : i32 to index
      %get3A_238 = tpu.vector_load %arg14[%get3A_237] {strides = array<i32>} : memref<640xf32, #tpu.memory_space<vmem>>, vector<16xf32>,
      %div3A = arith.divf %get3A_234, %get3A_238 : vector<16xf32>
      %mul3A_239 = arith.constant 16 : i32
      %mul3A_240 = arith.muli %scan3A_230, %mul3A_239 : i32
      %get3A_241 = arith.index_cast %mul3A_240 : i32 to index
      %get3A_242 = tpu.vector_load %arg15[%get3A_241] {strides = array<i32>} : memref<640xf32, #tpu.memory_space<vmem>>, vector<16xf32>,
      %add3A = arith.addf %div3A, %get3A_242 : vector<16xf32>
      %mul3A_243 = arith.constant 16 : i32
      %mul3A_244 = arith.muli %scan3A_230, %mul3A_243 : i32
      %swap3A_245 = arith.index_cast %mul3A_244 : i32 to index
      %swap3A_246 = tpu.vector_load %arg16[%swap3A_245] {strides = array<i32>} : memref<640xf32, #tpu.memory_space<vmem>>, vector<16xf32>,
      tpu.vector_store %arg16[%swap3A_245], %add3A {strides = array<i32>} : memref<640xf32, #tpu.memory_space<vmem>>, vector<16xf32>,
      %scan3A_247 = arith.constant 0 : i32
      scf.yield %scan3A_247 : i32
    }
    %scan3A_227 = arith.constant 40 : i32
    %mul3A_228 = arith.constant 640 : i32
    %mul3A_229 = arith.muli %arg1, %mul3A_228 : i32
    "tpu.region"() ({
      %run_scoped3A = tpu.sem_alloc : memref<!tpu.dma_semaphore, #tpu.memory_space<semaphore_mem>>
      %dma_start3A = tpu.memref_slice %arg7[%mul3A_229] : memref<10240xf32, #tpu.memory_space<hbm>> -> memref<640xf32, #tpu.memory_space<hbm>>
      %dma_start3A_230 = tpu.memref_slice %arg7[%mul3A_229] : memref<10240xf32, #tpu.memory_space<hbm>> -> memref<640xf32, #tpu.memory_space<hbm>>
      tpu.enqueue_dma source(%arg16 : memref<640xf32, #tpu.memory_space<vmem>>) target(%dma_start3A_230 : memref<640xf32, #tpu.memory_space<hbm>>) target_semaphore(%run_scoped3A : memref<!tpu.dma_semaphore, #tpu.memory_space<semaphore_mem>>)
      %dma_wait3A_231 = tpu.memref_slice %arg7[%mul3A_229] : memref<10240xf32, #tpu.memory_space<hbm>> -> memref<640xf32, #tpu.memory_space<hbm>>
      %dma_wait3A_232 = tpu.memref_slice %arg7[%mul3A_229] : memref<10240xf32, #tpu.memory_space<hbm>> -> memref<640xf32, #tpu.memory_space<hbm>>
      tpu.wait_dma2 semaphore(%run_scoped3A : memref<!tpu.dma_semaphore, #tpu.memory_space<semaphore_mem>>) src(%arg16 : memref<640xf32, #tpu.memory_space<vmem>>) dst(%dma_wait3A_232 : memref<640xf32, #tpu.memory_space<hbm>>)
      tpu.yield
    }) : () -> ()
    return
  }
}

module attributes {stable_mosaic.version = 14 : i64} {
  func.func @_tc_dense_body(%arg0: i32, %arg1: memref<2x1024x64xf32, #tpu.memory_space<vmem>>, %arg2: memref<2x1024xf32, #tpu.memory_space<vmem>>, %arg3: memref<1024x128xf32, #tpu.memory_space<vmem>>, %arg4: memref<128x128xf32, #tpu.memory_space<vmem>>, %arg5: memref<128x128xf32, #tpu.memory_space<vmem>>, %arg6: memref<1x128xf32, #tpu.memory_space<vmem>>, %arg7: memref<128x1xf32, #tpu.memory_space<vmem>>, %arg8: memref<128x1xf32, #tpu.memory_space<vmem>>, %arg9: memref<1x1xf32, #tpu.memory_space<vmem>>, %arg10: memref<1024xf32, #tpu.memory_space<vmem>>, %arg11: memref<1024xf32, #tpu.memory_space<vmem>>, %arg12: memref<1024xf32, #tpu.memory_space<vmem>>) attributes {dimension_semantics = [#tpu.dimension_semantics<arbitrary>], iteration_bounds = array<i64: 10>, scalar_prefetch = 0 : i64, scratch_operands = 0 : i64, tpu.core_type = #tpu.core_type<tc>, window_params = [{transform_indices = @transform_0, window_bounds = array<i64: 2, 1024, 64>}, {transform_indices = @transform_1, window_bounds = array<i64: 2, 1024>}, {transform_indices = @transform_2, window_bounds = array<i64: 1024, 128>}, {pipeline_mode = #tpu.pipeline_mode<synchronous>, transform_indices = @transform_3, window_bounds = array<i64: 128, 128>}, {pipeline_mode = #tpu.pipeline_mode<synchronous>, transform_indices = @transform_4, window_bounds = array<i64: 128, 128>}, {pipeline_mode = #tpu.pipeline_mode<synchronous>, transform_indices = @transform_5, window_bounds = array<i64: 1, 128>}, {pipeline_mode = #tpu.pipeline_mode<synchronous>, transform_indices = @transform_6, window_bounds = array<i64: 128, 1>}, {pipeline_mode = #tpu.pipeline_mode<synchronous>, transform_indices = @transform_7, window_bounds = array<i64: 128, 1>}, {pipeline_mode = #tpu.pipeline_mode<synchronous>, transform_indices = @transform_8, window_bounds = array<i64: 1, 1>}, {transform_indices = @transform_9, window_bounds = array<i64: 1024>}, {transform_indices = @transform_10, window_bounds = array<i64: 1024>}, {transform_indices = @transform_11, window_bounds = array<i64: 1024>}]} {
    %get3A = arith.constant 0 : index
    %get3A_0 = arith.constant 0 : index
    %get3A_1 = vector.load %arg2[%get3A, %get3A_0] : memref<2x1024xf32, #tpu.memory_space<vmem>>, vector<1x1024xf32>
    %get3A_2 = vector.shape_cast %get3A_1 : vector<1x1024xf32> to vector<1024xf32>
    %get3A_3 = arith.constant 1 : index
    %get3A_4 = arith.constant 0 : index
    %get3A_5 = vector.load %arg2[%get3A_3, %get3A_4] : memref<2x1024xf32, #tpu.memory_space<vmem>>, vector<1x1024xf32>
    %get3A_6 = vector.shape_cast %get3A_5 : vector<1x1024xf32> to vector<1024xf32>
    %add3A = arith.addf %get3A_2, %get3A_6 : vector<1024xf32>
    %max3A = arith.constant 1.000000e+00 : f32
    %max3A_7 = vector.broadcast %max3A : f32 to vector<1024xf32>
    %max3A_8 = arith.maximumf %add3A, %max3A_7 : vector<1024xf32>
    %swap3A = arith.constant 0 : index
    %swap3A_9 = vector.load %arg12[%swap3A] : memref<1024xf32, #tpu.memory_space<vmem>>, vector<1024xf32>
    tpu.vector_store %arg12[%swap3A], %max3A_8 {strides = array<i32>} : memref<1024xf32, #tpu.memory_space<vmem>>, vector<1024xf32>,
    %get3A_10 = arith.constant 0 : index
    %get3A_11 = arith.constant 0 : index
    %get3A_12 = arith.constant 0 : index
    %get3A_13 = vector.load %arg1[%get3A_10, %get3A_11, %get3A_12] : memref<2x1024x64xf32, #tpu.memory_space<vmem>>, vector<1x1024x64xf32>
    %get3A_14 = vector.shape_cast %get3A_13 : vector<1x1024x64xf32> to vector<1024x64xf32>
    %broadcast_in_dim3A = vector.shape_cast %max3A_8 : vector<1024xf32> to vector<1024x1xf32>
    %div3A = vector.broadcast %broadcast_in_dim3A : vector<1024x1xf32> to vector<1024x64xf32>
    %div3A_15 = arith.divf %get3A_14, %div3A : vector<1024x64xf32>
    %get3A_16 = arith.constant 1 : index
    %get3A_17 = arith.constant 0 : index
    %get3A_18 = arith.constant 0 : index
    %get3A_19 = vector.load %arg1[%get3A_16, %get3A_17, %get3A_18] : memref<2x1024x64xf32, #tpu.memory_space<vmem>>, vector<1x1024x64xf32>
    %get3A_20 = vector.shape_cast %get3A_19 : vector<1x1024x64xf32> to vector<1024x64xf32>
    %broadcast_in_dim3A_21 = vector.shape_cast %max3A_8 : vector<1024xf32> to vector<1024x1xf32>
    %div3A_22 = vector.broadcast %broadcast_in_dim3A_21 : vector<1024x1xf32> to vector<1024x64xf32>
    %div3A_23 = arith.divf %get3A_20, %div3A_22 : vector<1024x64xf32>
    %get3A_24 = arith.constant 0 : index
    %get3A_25 = arith.constant 0 : index
    %get3A_26 = vector.load %arg4[%get3A_24, %get3A_25] : memref<128x128xf32, #tpu.memory_space<vmem>>, vector<128x128xf32>
    %slice3A = vector.extract_strided_slice %get3A_26 {offsets = [0, 0], sizes = [64, 128], strides = [1, 1]} : vector<128x128xf32> to vector<64x128xf32>
    %dot_general3A = arith.constant dense<0.000000e+00> : vector<1024x128xf32>
    %dot_general3A_27 = tpu.matmul %div3A_15, %slice3A, %dot_general3A {dimension_numbers = #tpu.dot_dimension_numbers<[1], [0], [0], [1], [0, 0, 1, 1], [], []>, transpose_lhs_hint = false} : vector<1024x64xf32>, vector<64x128xf32>, vector<1024x128xf32> -> vector<1024x128xf32>
    %slice3A_28 = vector.extract_strided_slice %get3A_26 {offsets = [64, 0], sizes = [64, 128], strides = [1, 1]} : vector<128x128xf32> to vector<64x128xf32>
    %dot_general3A_29 = arith.constant dense<0.000000e+00> : vector<1024x128xf32>
    %dot_general3A_30 = tpu.matmul %div3A_23, %slice3A_28, %dot_general3A_29 {dimension_numbers = #tpu.dot_dimension_numbers<[1], [0], [0], [1], [0, 0, 1, 1], [], []>, transpose_lhs_hint = false} : vector<1024x64xf32>, vector<64x128xf32>, vector<1024x128xf32> -> vector<1024x128xf32>
    %add3A_31 = arith.addf %dot_general3A_27, %dot_general3A_30 : vector<1024x128xf32>
    %get3A_32 = arith.constant 0 : index
    %get3A_33 = arith.constant 0 : index
    %get3A_34 = vector.load %arg3[%get3A_32, %get3A_33] : memref<1024x128xf32, #tpu.memory_space<vmem>>, vector<1024x128xf32>
    %get3A_35 = arith.constant 0 : index
    %get3A_36 = arith.constant 0 : index
    %get3A_37 = vector.load %arg5[%get3A_35, %get3A_36] : memref<128x128xf32, #tpu.memory_space<vmem>>, vector<128x128xf32>
    %dot_general3A_38 = arith.constant dense<0.000000e+00> : vector<1024x128xf32>
    %dot_general3A_39 = tpu.matmul %get3A_34, %get3A_37, %dot_general3A_38 {dimension_numbers = #tpu.dot_dimension_numbers<[1], [0], [0], [1], [0, 0, 1, 1], [], []>, transpose_lhs_hint = false} : vector<1024x128xf32>, vector<128x128xf32>, vector<1024x128xf32> -> vector<1024x128xf32>
    %add3A_40 = arith.addf %add3A_31, %dot_general3A_39 : vector<1024x128xf32>
    %get3A_41 = arith.constant 0 : index
    %get3A_42 = arith.constant 0 : index
    %get3A_43 = vector.load %arg6[%get3A_41, %get3A_42] : memref<1x128xf32, #tpu.memory_space<vmem>>, vector<1x128xf32>
    %add3A_44 = vector.broadcast %get3A_43 : vector<1x128xf32> to vector<1024x128xf32>
    %add3A_45 = arith.addf %add3A_40, %add3A_44 : vector<1024x128xf32>
    %max3A_46 = arith.constant 0.000000e+00 : f32
    %max3A_47 = vector.broadcast %max3A_46 : f32 to vector<1024x128xf32>
    %max3A_48 = arith.maximumf %add3A_45, %max3A_47 : vector<1024x128xf32>
    %get3A_49 = arith.constant 0 : index
    %get3A_50 = arith.constant 0 : index
    %get3A_51 = vector.load %arg7[%get3A_49, %get3A_50] : memref<128x1xf32, #tpu.memory_space<vmem>>, vector<128x1xf32>
    %dot_general3A_52 = arith.constant dense<0.000000e+00> : vector<1024x1xf32>
    %dot_general3A_53 = tpu.matmul %max3A_48, %get3A_51, %dot_general3A_52 {dimension_numbers = #tpu.dot_dimension_numbers<[1], [0], [0], [1], [0, 0, 1, 1], [], []>, transpose_lhs_hint = false} : vector<1024x128xf32>, vector<128x1xf32>, vector<1024x1xf32> -> vector<1024x1xf32>
    %squeeze3A = vector.shape_cast %dot_general3A_53 : vector<1024x1xf32> to vector<1024xf32>
    %swap3A_54 = arith.constant 0 : index
    %swap3A_55 = vector.load %arg10[%swap3A_54] : memref<1024xf32, #tpu.memory_space<vmem>>, vector<1024xf32>
    tpu.vector_store %arg10[%swap3A_54], %squeeze3A {strides = array<i32>} : memref<1024xf32, #tpu.memory_space<vmem>>, vector<1024xf32>,
    %get3A_56 = arith.constant 0 : index
    %get3A_57 = arith.constant 0 : index
    %get3A_58 = vector.load %arg8[%get3A_56, %get3A_57] : memref<128x1xf32, #tpu.memory_space<vmem>>, vector<128x1xf32>
    %dot_general3A_59 = arith.constant dense<0.000000e+00> : vector<1024x1xf32>
    %dot_general3A_60 = tpu.matmul %max3A_48, %get3A_58, %dot_general3A_59 {dimension_numbers = #tpu.dot_dimension_numbers<[1], [0], [0], [1], [0, 0, 1, 1], [], []>, transpose_lhs_hint = false} : vector<1024x128xf32>, vector<128x1xf32>, vector<1024x1xf32> -> vector<1024x1xf32>
    %squeeze3A_61 = vector.shape_cast %dot_general3A_60 : vector<1024x1xf32> to vector<1024xf32>
    %get3A_62 = arith.constant 0 : index
    %get3A_63 = arith.constant 0 : index
    %get3A_64 = vector.load %arg9[%get3A_62, %get3A_63] : memref<1x1xf32, #tpu.memory_space<vmem>>, vector<1x1xf32>
    %get3A_65 = vector.extract %get3A_64[0, 0] : f32 from vector<1x1xf32>
    %add3A_66 = vector.broadcast %get3A_65 : f32 to vector<1024xf32>
    %add3A_67 = arith.addf %squeeze3A_61, %add3A_66 : vector<1024xf32>
    %swap3A_68 = arith.constant 0 : index
    %swap3A_69 = vector.load %arg11[%swap3A_68] : memref<1024xf32, #tpu.memory_space<vmem>>, vector<1024xf32>
    tpu.vector_store %arg11[%swap3A_68], %add3A_67 {strides = array<i32>} : memref<1024xf32, #tpu.memory_space<vmem>>, vector<1024xf32>,
    return
  }
  func.func @transform_0(%arg0: i32) -> (i32, i32, i32) {
    %c0_i32 = arith.constant 0 : i32
    %c0_i32_0 = arith.constant 0 : i32
    %c0_i32_1 = arith.constant 0 : i32
    return %c0_i32, %arg0, %c0_i32_0 : i32, i32, i32
  }
  func.func @transform_1(%arg0: i32) -> (i32, i32) {
    %c0_i32 = arith.constant 0 : i32
    %c0_i32_0 = arith.constant 0 : i32
    return %c0_i32, %arg0 : i32, i32
  }
  func.func @transform_2(%arg0: i32) -> (i32, i32) {
    %c0_i32 = arith.constant 0 : i32
    %c0_i32_0 = arith.constant 0 : i32
    return %arg0, %c0_i32 : i32, i32
  }
  func.func @transform_3(%arg0: i32) -> (i32, i32) {
    %c0_i32 = arith.constant 0 : i32
    %c0_i32_0 = arith.constant 0 : i32
    %c0_i32_1 = arith.constant 0 : i32
    return %c0_i32, %c0_i32_0 : i32, i32
  }
  func.func @transform_4(%arg0: i32) -> (i32, i32) {
    %c0_i32 = arith.constant 0 : i32
    %c0_i32_0 = arith.constant 0 : i32
    %c0_i32_1 = arith.constant 0 : i32
    return %c0_i32, %c0_i32_0 : i32, i32
  }
  func.func @transform_5(%arg0: i32) -> (i32, i32) {
    %c0_i32 = arith.constant 0 : i32
    %c0_i32_0 = arith.constant 0 : i32
    %c0_i32_1 = arith.constant 0 : i32
    return %c0_i32, %c0_i32_0 : i32, i32
  }
  func.func @transform_6(%arg0: i32) -> (i32, i32) {
    %c0_i32 = arith.constant 0 : i32
    %c0_i32_0 = arith.constant 0 : i32
    %c0_i32_1 = arith.constant 0 : i32
    return %c0_i32, %c0_i32_0 : i32, i32
  }
  func.func @transform_7(%arg0: i32) -> (i32, i32) {
    %c0_i32 = arith.constant 0 : i32
    %c0_i32_0 = arith.constant 0 : i32
    %c0_i32_1 = arith.constant 0 : i32
    return %c0_i32, %c0_i32_0 : i32, i32
  }
  func.func @transform_8(%arg0: i32) -> (i32, i32) {
    %c0_i32 = arith.constant 0 : i32
    %c0_i32_0 = arith.constant 0 : i32
    %c0_i32_1 = arith.constant 0 : i32
    return %c0_i32, %c0_i32_0 : i32, i32
  }
  func.func @transform_9(%arg0: i32) -> i32 {
    %c0_i32 = arith.constant 0 : i32
    return %arg0 : i32
  }
  func.func @transform_10(%arg0: i32) -> i32 {
    %c0_i32 = arith.constant 0 : i32
    return %arg0 : i32
  }
  func.func @transform_11(%arg0: i32) -> i32 {
    %c0_i32 = arith.constant 0 : i32
    return %arg0 : i32
  }
}

</mosaic_0001>

<sc_bundles>
// kernel: kernel.5.cloned.1.call-start
scs
__scs_entry_jumppad:
0x0: {  	(pc) =	sbr.rel $0x88, $3  }
0x1: {  	(tag) =	ssettag $0x0;
	lr =	simm.s32 $0x1  }
0x2: {  	[smem:$0x3F99] =	sst lr;
	_ =	strace $0xD0000000  }
0x3: {  	_ = 	snop  }
0x4: {  	_ = 	snop  }
0x5: {  	_ = 	snop  }
0x6: {  	_ = 	snop  }
0x7: {  	_ = 	snop  }
__scs_overlays_trampoline_lowered:
0x8: {  	[smem:$0x3FA8] =	sst s0  }
0x9: {  	[smem:$0x3FA9] =	sst s1  }
0xa: {  	[smem:$0x3FAA] =	sst s2  }
0xb: {  	[smem:$0x3FAB] =	sst s3  }
0xc: {  	[smem:$0x3FAC] =	sst s4  }
0xd: {  	[smem:$0x3FAD] =	sst s5  }
0xe: {  	[smem:$0x3FAE] =	sst s6  }
0xf: {  	[smem:$0x3FAF] =	sst s7  }
0x10: {  	[smem:$0x3FB0] =	sst s8  }
0x11: {  	[smem:$0x3FB1] =	sst s9;
	s0 =	simm.s32 @!p0 $0x0  }
0x12: {  	s1 =	sld [smem:$0x3F97];
	s0 =	simm.s32 @p0 $0x1  }
0x13: {  	[smem:$0x3FB2] =	sst s0;
	s0 =	simm.s32 @!p1 $0x0  }
0x14: {  	s2 =	sld [smem:$0x3F96];
	s0 =	simm.s32 @p1 $0x1  }
0x15: {  	[smem:$0x3FB3] =	sst s0;
	s0 =	simm.s32 @!p2 $0x0  }
0x16: {  	s3 =	sld [smem:$0x3FDB];
	s0 =	simm.s32 @p2 $0x1  }
0x17: {  	s4 =	simm.s32 $0x1BF5;
	[smem:$0x3FB5] =	sst s0  }
0x18: {  	s0 =	sld [smem:$0x3F98];
	_ =	swait.ge [sflag:s4], $0x0  }
0x19: {  	s7 =	sld [smem:$0x3F99]  }
0x1a: {  	s8 =	sadd.s32 $0xFFFFE003, lr  }
0x1b: {  	s9 =	sadd.s32 $0xFFFFFEF7, lr;
	s5 =	simm.s32 $0xFFFFFFFF;
	p2 =	slt.u32 s8, $0xFFFFF086  }
0x1c: {  	p1 =	slt.u32 s9, $0xF7A;
	s5 =	simm.s32 @!p2 $0x0  }
0x1d: {  	s5 =	simm.s32 @p1 $0x1;
	p0 =	seq.s32 s7, s2  }
0x1e: {  	s7 =	smul.u32 @!p0 $0xF7A, s2;
	p2 =	seq.s32 @!p0 s5, $0x0  }
0x1f: {  	s9 =	smul.u32 $0xF7A, s1;
	s8 =	simm.s32 @!p0 $0x1BF5;
	p2 =	por !p2, p0  }
0x20: {  	[sflag:s8] =	ssyncset.s32 @!p0 $0xFFFFF086;
	s6 =	sadd.s32 @!p0 s3, s7;
	s7 =	simm.s32 @!p0 $0x108  }
0x21: {  	s3 =	sadd.s32 s3, s9;
	s6 =	sadd.s32 @!p0 $0x88, s6;
	s7 =	simm.s32 @p2 $0x1082  }
0x22: {  	[simem:s7], [sflag:s8] =	dma.local @!p0 [hbm:s6], $0xF7A  }
0x23: {  	s9 =	sor.u32 $0xD0000000, s2;
	s6 =	simm.s32 $0x108;
	_ =	swait.ge @!p0 [sflag:s8], $0x0  }
0x24: {  	s3 =	sadd.s32 $0x88, s3;
	s6 =	simm.s32 @!p1 $0x1082;
	[sflag:s4] =	ssyncset.s32 $0xFFFFF086  }
0x25: {  	[simem:s6], [sflag:s4] =	dma.local [hbm:s3], $0xF7A  }
0x26: {  	[smem:$0x3F99] =	sst s1;
	(tag) =	ssettag s2;
	_ =	strace s9  }
0x27: {  	s1 =	sld [smem:$0x3FA9]  }
0x28: {  	s2 =	sld [smem:$0x3FAA]  }
0x29: {  	s4 =	sld [smem:$0x3FAC]  }
0x2a: {  	p0 =	seq.s32 s5, $0x0;
	s5 =	sld [smem:$0x3FAD]  }
0x2b: {  	s6 =	sld [smem:$0x3FAE]  }
0x2c: {  	s7 =	sld [smem:$0x3FAF]  }
0x2d: {  	s3 =	simm.s32 $0x108;
	s8 =	sld [smem:$0x3FB0]  }
0x2e: {  	s3 =	simm.s32 @!p0 $0x1082;
	s9 =	sld [smem:$0x3FB1]  }
0x2f: {  	lr =	sadd.s32 s0, s3;
	s0 =	sld [smem:$0x3FA8]  }
0x30: {  	s3 =	sld [smem:$0x3FAB]  }
0x31: {  	[smem:$0x3FB4] =	sst s10  }
0x32: {  	s10 =	sld [smem:$0x3FB2];
	_ =	sdelay $0x3  }
0x33: {  	p0 =	seq.s32 s10, $0x1;
	s10 =	sld [smem:$0x3FB4];
	_ =	sdelay $0x3  }
0x34: {  	[smem:$0x3FB4] =	sst s10  }
0x35: {  	s10 =	sld [smem:$0x3FB3];
	_ =	sdelay $0x3  }
0x36: {  	p1 =	seq.s32 s10, $0x1;
	s10 =	sld [smem:$0x3FB4];
	_ =	sdelay $0x3  }
0x37: {  	[smem:$0x3FB4] =	sst s10  }
0x38: {  	s10 =	sld [smem:$0x3FB5]  }
0x39: {  	_ = 	snop;
	(pc) =	sbr.ind lr, $3  }
0x3a: {  	_ = 	snop  }
0x3b: {  	_ = 	snop  }
0x3c: {  	p2 =	seq.s32 s10, $0x1;
	s10 =	sld [smem:$0x3FB4]  }
0x3d: {  	_ =	shalt  }
0x3e: {  	_ =	shalt  }
0x3f: {  	_ =	shalt  }
0x40: {  	_ =	shalt  }
0x41: {  	_ =	shalt  }
0x42: {  	_ =	shalt  }
0x43: {  	_ =	shalt  }
0x44: {  	_ =	shalt  }
0x45: {  	_ =	shalt  }
0x46: {  	_ =	shalt  }
0x47: {  	_ =	shalt  }
0x48: {  	_ =	shalt  }
0x49: {  	_ =	shalt  }
0x4a: {  	_ =	shalt  }
0x4b: {  	_ =	shalt  }
0x4c: {  	_ =	shalt  }
0x4d: {  	_ =	shalt  }
0x4e: {  	_ =	shalt  }
0x4f: {  	_ =	shalt  }
0x50: {  	_ =	shalt  }
0x51: {  	_ =	shalt  }
0x52: {  	_ =	shalt  }
0x53: {  	_ =	shalt  }
0x54: {  	_ =	shalt  }
0x55: {  	_ =	shalt  }
0x56: {  	_ =	shalt  }
0x57: {  	_ =	shalt  }
0x58: {  	_ =	shalt  }
0x59: {  	_ =	shalt  }
0x5a: {  	_ =	shalt  }
0x5b: {  	_ =	shalt  }
0x5c: {  	_ =	shalt  }
0x5d: {  	_ =	shalt  }
0x5e: {  	_ =	shalt  }
0x5f: {  	_ =	shalt  }
0x60: {  	_ =	shalt  }
0x61: {  	_ =	shalt  }
0x62: {  	_ =	shalt  }
0x63: {  	_ =	shalt  }
0x64: {  	_ =	shalt  }
0x65: {  	_ =	shalt  }
0x66: {  	_ =	shalt  }
0x67: {  	_ =	shalt  }
0x68: {  	_ =	shalt  }
0x69: {  	_ =	shalt  }
0x6a: {  	_ =	shalt  }
0x6b: {  	_ =	shalt  }
0x6c: {  	_ =	shalt  }
0x6d: {  	_ =	shalt  }
0x6e: {  	_ =	shalt  }
0x6f: {  	_ =	shalt  }
0x70: {  	_ =	shalt  }
0x71: {  	_ =	shalt  }
0x72: {  	_ =	shalt  }
0x73: {  	_ =	shalt  }
0x74: {  	_ =	shalt  }
0x75: {  	_ =	shalt  }
0x76: {  	_ =	shalt  }
0x77: {  	_ =	shalt  }
0x78: {  	_ =	shalt  }
0x79: {  	_ =	shalt  }
0x7a: {  	_ =	shalt  }
0x7b: {  	_ =	shalt  }
0x7c: {  	_ =	shalt  }
0x7d: {  	_ =	shalt  }
0x7e: {  	_ =	shalt  }
0x7f: {  	_ =	shalt  }
0x80: {  	_ =	shalt  }
0x81: {  	_ =	shalt  }
0x82: {  	_ =	shalt  }
0x83: {  	_ =	shalt  }
0x84: {  	_ =	shalt  }
0x85: {  	_ =	shalt  }
0x86: {  	_ =	shalt  }
0x87: {  	_ =	shalt  }
.Lfunc_end0:
.L_simem_size_0:
called_computation_lowered:
.L_overlay_start_0:
0x88: {  	s2 =	sld [smem:$0x3FD9]  }
0x89: {  	s3 =	sld [smem:$0x3FFE];
	_ =	sdelay $0x1  }
0x8a: {  	s1 =	srdreg.scid  }
0x8b: {  	s0 =	sand.u32 $0x1, s1  }
0x8c: {  	s17 =	sshll.u32 s0, $0xA;
	s2 =	sadd.s32 s3, s2  }
0x8d: {  	s2 =	sadd.s32 s2, s17  }
0x8e: {  	[smem:$0x3FC0] =	sst s2  }
0x8f: {  	_ = 	snop  }
0x90: {  	s2 =	sld [smem:$0x3FC9];
	(tm) =	ssettm $0x1  }
0x91: {  	s18 =	sld [smem:$0x3FFB];
	_ =	sdelay $0x3  }
0x92: {  	_ =	strace s18  }
0x93: {  	s3 =	sld [smem:$0x3FFC];
	_ =	sdelay $0x3  }
0x94: {  	_ =	strace s3  }
0x95: {  	s3 =	sld [smem:$0x3FFD];
	_ =	sdelay $0x3  }
0x96: {  	_ =	strace s3  }
0x97: {  	_ =	strace $0x8FFFFFFF  }
0x98: {  	s19 =	sld [smem:$0x3FDB];
	_ =	sdelay $0x1  }
0x99: {  	s4 =	simm.s32 $_scs_section_size  }
0x9a: {  	s5 =	simm.s32 $_size__tile_overlayer_lowered;
	s6 =	simm.s32 $_tile_overlayer_lowered  }
0x9b: {  	s22 =	simm.s32 $0x1BFF;
	s21 =	sshll.u32 s6, $0x1;
	s3 =	sadd.s32 s4, s19  }
0x9c: {  	s7 =	simm.s32 $0x0;
	s20 =	sshll.u32 s5, $0x1;
	s5 =	sadd.s32 s21, s3  }
0x9d: {  	[timem:s7], [sflag:s22] =	dma.local [hbm:s5], s20  }
0x9e: {  	_ =	swait.ge [sflag:s22], s20  }
0x9f: {  	s4 =	ssub.s32 $0x0, s20;
	[sflag:s22] =	ssyncset.done $0x0  }
0xa0: {  	[sflag:s22] =	ssyncadd.s32 s4;
	_ =	sdelay $0x1  }
0xa1: {  	s23 =	simm.s32 $0x1B8B  }
0xa2: {  	_ =	swait.ge [sflag:s23], $0x1  }
0xa3: {  	[sflag:s23] =	ssyncset.done $0x0  }
0xa4: {  	s25 =	simm.s32 $0x1B8E;
	s24 =	sld [smem:$0x3FFE];
	[sflag:s23] =	ssyncadd.s32 $0xFFFFFFFF  }
0xa5: {  	s26 =	simm.s32 $execute0_lowered;
	[smem:$0x3FD2] =	sst s25  }
0xa6: {  	s5 =	sshll.u32 s26, $0x1;
	_ =	strace $0x80000046;
	[dreg:$0x1] =	wrdreg $0xFFFFFFFF  }
0xa7: {  	s28 =	simm.s32 $_size_execute0_lowered;
	s3 =	sadd.s32 s3, s5;
	[dreg:$0x0] =	wrdreg $0x0  }
0xa8: {  	s5 =	sshll.u32 s28, $0x1;
	[dreg:$0x2] =	wrdreg s3  }
0xa9: {  	[dreg:$0x3] =	wrdreg s5  }
0xaa: {  	[dreg:$0x4] =	wrdreg $0xC0  }
0xab: {  	_ =	task [dreg:s7], $0x5FFFF  }
0xac: {  	[dreg:$0x1] =	wrdreg $0xFFFFFFFF  }
0xad: {  	[dreg:$0x0] =	wrdreg $0x60  }
0xae: {  	[dreg:$0x2] =	wrdreg s2  }
0xaf: {  	[dreg:$0x3] =	wrdreg s24  }
0xb0: {  	[dreg:$0x4] =	wrdreg $0x140000  }
0xb1: {  	[dreg:$0x5] =	wrdreg $0x1E0000  }
0xb2: {  	[dreg:$0x6] =	wrdreg $0x9  }
0xb3: {  	_ =	task.clear_ibuf [dreg:s7], $0x7FFFF;
	_ =	strace $0x90000046  }
0xb4: {  	s29 =	simm.s32 $0x9;
	_ =	strace $0x80000048  }
0xb5: {  	_ =	swait.ge [sflag:s29], $0x1  }
0xb6: {  	[sflag:s29] =	ssyncadd.s32 $0xFFFFFFFF  }
0xb7: {  	_ =	strace $0x90000048  }
0xb8: {  	_ =	sfence  }
0xb9: {  	s30 =	sld [smem:$0x0];
	_ =	sdelay $0x2  }
0xba: {  	s31 =	sshll.u32 s1, $0xD;
	s1 =	sshrl.u32 s1, $0x2  }
0xbb: {  	s3 =	sand.u32 $0x4000, s31;
	s1 =	sadd.s32 s1, s30  }
0xbc: {  	s0 =	sor.u32 s3, s0;
	s1 =	sshll.u32 s1, $0x11  }
0xbd: {  	s0 =	sor.u32 s1, s0  }
0xbe: {  	s0 =	sadd.s32 $0x8F2B, s0  }
0xbf: {  	[sflag:s0] =	ssyncadd.remote.s32 $0x1  }
0xc0: {  	_ =	sfence.sel $0xFFFF  }
0xc1: {  	[dreg:$0x0] =	wrdreg $0xFFFFFFFF;
	(pc) =	sbr.abs _section_cstart, $3  }
0xc2: {  	[dreg:$0x1] =	wrdreg $0xFFFFFFFF  }
0xc3: {  	_ =	task.clear_ibuf [dreg:s7], $0x2FFFF;
	_ =	strace $0x9FFFFFFF  }
0xc4: {  	(tm) =	ssettm $0x7FFFFFFF  }
0xc5: {  	_ =	shalt  }
tec
execute0_lowered:
.L_overlay_start_1:
0x0: {  	(tag) =	ssettag $0x1  }
0x1: {  	s1 =	rddreg [dreg:$0x0]  }
0x2: {  	s0 =	rddreg [dreg:$0x1]  }
0x3: {  	s2 =	rddreg [dreg:$0x2]  }
0x4: {  	s11 =	stileid.u32;
	s5 =	srdreg.scid  }
0x5: {  	s4 =	rddreg [dreg:$0x3];
	s17 =	simm.s32 $0x11D80;
	s3 =	smul.u32 $0xA00, s11  }
0x6: {  	s18 =	simm.s32 $0x5;
	s21 =	simm.s32 $0x7D;
	s6 =	smul.u32 $0xA000, s11  }
0x7: {  	s28 =	simm.s32 $0xFDC0;
	s29 =	simm.s32 $0x1;
	s9 =	smul.u32 $0x280, s11  }
0x8: {  	s30 =	simm.s32 $0x6;
	s7 =	sand.u32 $0x1, s5;
	s11 =	smul.u32 $0x28000, s11  }
0x9: {  	s31 =	simm.s32 $0x2;
	s5 =	simm.s32 $0x0;
	s8 =	smul.u32 $0xA0000, s7  }
0xa: {  	s19 =	simm.s32 $0x4;
	[smem:$0x7FF] =	sst s5;
	s10 =	smul.u32 $0x2800, s7  }
0xb: {  	s12 =	ssub.s32 $0x2, s7;
	p0 =	seq.s32 s7, $0x0;
	p1 =	sne.s32 s7, $0x0  }
0xc: {  	_ =	strace $0x80000047;
	s3 =	sadd.s32 s3, s0;
	s13 =	sshrl.u32 s12, $0x1  }
0xd: {  	s11 =	sshrl.u32 s11, $0x2;
	s8 =	sadd.s32 s6, s8;
	s10 =	sadd.s32 s9, s10  }
0xe: {  	s22 =	ssub.s32 s12, s13;
	s11 =	sadd.s32 s11, s2;
	s6 =	sadd.s32 s6, s2  }
0xf: {  	s26 =	sadd.s32 $0x29800, s3;
	s8 =	sshrl.u32 s8, $0x3;
	s10 =	sshrl.u32 s10, $0x3  }
0x10: {  	s23 =	sadd.s32 $0x2000, s11;
	s24 =	sadd.s32 $0x4000, s11;
	[dreg:$0x9] =	wrdreg s26  }
0x11: {  	s25 =	sadd.s32 $0x6000, s11;
	s11 =	sadd.s32 $0x8000, s11;
	[dreg:$0x5] =	wrdreg s23  }
0x12: {  	s15 =	smax.u32 s22, $0x1;
	s22 =	simm.s32 $0xA000;
	[dreg:$0x6] =	wrdreg s24  }
0x13: {  	s26 =	simm.s32 $0xDE80;
	s8 =	sadd.s32 s8, s0;
	[dreg:$0x7] =	wrdreg s25  }
0x14: {  	s0 =	sadd.s32 s10, s0;
	[dreg:$0x8] =	wrdreg s11;
	s11 =	sadd.s32 s9, s4  }
0x15: {  	s9 =	simm.s32 $0x15800;
	s24 =	simm.s32 $0xBF40;
	s8 =	sadd.s32 $0x33800, s8  }
0x16: {  	s0 =	sadd.s32 $0x5B800, s0;
	s9 =	simm.s32 @!p0 $0x1F800;
	[dreg:$0xa] =	wrdreg s8  }
0x17: {  	v0 =	vimm.f32 $0.0e+00;
	v1 =	vimm.f32 $1.000000000e+00;
	[dreg:$0xb] =	wrdreg s0;
	s16 =	sadd.s32 s9, s3;
	s3 =	simm.s32 $0x3  }
.LBB2_1:
0x18: {  	s7 =	simm.s32 $0x100;
	s0 =	simm.s32 $0x0  }
.LBB2_2:
0x19: {  	p2 =	sne.s32 s7, $0x7F00;
	[tilespmem:s0+$0x11DB0] =	vst v0;
	s8 =	smov.u32 s7;
	s7 =	sadd.s32 $0x100, s7  }
.Ltmp0:
0x1a: {  	[tilespmem:s0+$0x11DA0] =	vst v0;
	(pc) =	sbr.rel @p2 .LBB2_2-.Ltmp0, $3  }
0x1b: {  	[tilespmem:s0+$0x11D80] =	vst v0  }
0x1c: {  	[tilespmem:s0+$0x11D90] =	vst v0;
	_ =	sdelay $0x1  }
0x1d: {  	s0 =	sshra.s32 s8, $0x2  }
0x1e: {  	[tilespmem:s0+$0x11DB0] =	vst v0  }
0x1f: {  	[tilespmem:s0+$0x11DA0] =	vst v0  }
0x20: {  	[tilespmem:s0+$0x11D80] =	vst v0  }
0x21: {  	[tilespmem:s0+$0x11D90] =	vst v0  }
0x22: {  	[tilespmem:$0x13D80] =	vst v0  }
0x23: {  	[tilespmem:$0x13D90] =	vst v0  }
0x24: {  	[tilespmem:$0x13DA0] =	vst v0  }
0x25: {  	[tilespmem:$0x13DB0] =	vst v0  }
0x26: {  	[tilespmem:$0x13DC0] =	vst v0  }
0x27: {  	[tilespmem:$0x13DD0] =	vst v0  }
0x28: {  	[tilespmem:$0x13DE0] =	vst v0  }
0x29: {  	[tilespmem:$0x13DF0] =	vst v0  }
0x2a: {  	[tilespmem:$0x13E00] =	vst v0  }
0x2b: {  	[tilespmem:$0x13E10] =	vst v0  }
0x2c: {  	[tilespmem:$0x13E20] =	vst v0  }
0x2d: {  	[tilespmem:$0x13E30] =	vst v0  }
0x2e: {  	[tilespmem:$0x13E40] =	vst v0  }
0x2f: {  	[tilespmem:$0x13E50] =	vst v0  }
0x30: {  	[tilespmem:$0x13E60] =	vst v0  }
0x31: {  	[tilespmem:$0x13E70] =	vst v0  }
0x32: {  	[tilespmem:$0x13E80] =	vst v0  }
0x33: {  	[tilespmem:$0x13E90] =	vst v0  }
0x34: {  	[tilespmem:$0x13EA0] =	vst v0  }
0x35: {  	[tilespmem:$0x13EB0] =	vst v0  }
0x36: {  	[tilespmem:$0x13EC0] =	vst v0  }
0x37: {  	[tilespmem:$0x13ED0] =	vst v0  }
0x38: {  	[tilespmem:$0x13EE0] =	vst v0  }
0x39: {  	[tilespmem:$0x13EF0] =	vst v0  }
0x3a: {  	[tilespmem:$0x13F00] =	vst v0  }
0x3b: {  	[tilespmem:$0x13F10] =	vst v0  }
0x3c: {  	[tilespmem:$0x13F20] =	vst v0  }
0x3d: {  	[tilespmem:$0x13F30] =	vst v0  }
0x3e: {  	[tilespmem:$0x13F40] =	vst v0  }
0x3f: {  	[tilespmem:$0x13F50] =	vst v0  }
0x40: {  	[tilespmem:$0x13F60] =	vst v0  }
0x41: {  	[tilespmem:$0x13F70] =	vst v0  }
0x42: {  	[tilespmem:$0x13F80] =	vst v0  }
0x43: {  	[tilespmem:$0x13F90] =	vst v0  }
0x44: {  	[tilespmem:$0x13FA0] =	vst v0  }
0x45: {  	[tilespmem:$0x13FB0] =	vst v0  }
0x46: {  	[tilespmem:$0x13FC0] =	vst v0  }
0x47: {  	[tilespmem:$0x13FD0] =	vst v0  }
0x48: {  	[tilespmem:$0x13FE0] =	vst v0  }
0x49: {  	[tilespmem:$0x13FF0] =	vst v0  }
0x4a: {  	[tilespmem:$0x11D00] =	vst v1  }
0x4b: {  	[tilespmem:$0x11D10] =	vst v1  }
0x4c: {  	[tilespmem:$0x11D20] =	vst v1  }
0x4d: {  	[tilespmem:$0x11D30] =	vst v1  }
0x4e: {  	[tilespmem:$0x11D40] =	vst v1  }
0x4f: {  	[tilespmem:$0x11D50] =	vst v1  }
0x50: {  	[tilespmem:$0x11D60] =	vst v1  }
0x51: {  	[tilespmem:$0x11D70] =	vst v1  }
0x52: {  	[spmem:s6] =	stream.linear.scatter [tilespmem:s17], [sflag:$0x5], $0x2000, $0x38;
	[tilespmem:$0x1E280] =	vst v63  }
0x53: {  	_ =	swait.ge [sflag:s18], $0x2000  }
0x54: {  	[sflag:s18] =	ssyncset.done $0x0  }
0x55: {  	s12 =	rddreg [dreg:$0x5];
	[sflag:s18] =	ssyncadd.s32 $0xFFFFE000  }
0x56: {  	[spmem:s12] =	stream.linear.scatter [tilespmem:s17], [sflag:$0x5], $0x2000, $0x38;
	[tilespmem:$0x1E280] =	vst v63  }
0x57: {  	_ =	swait.ge [sflag:s18], $0x2000  }
0x58: {  	[sflag:s18] =	ssyncset.done $0x0  }
0x59: {  	s13 =	rddreg [dreg:$0x6];
	[sflag:s18] =	ssyncadd.s32 $0xFFFFE000  }
0x5a: {  	[spmem:s13] =	stream.linear.scatter [tilespmem:s17], [sflag:$0x5], $0x2000, $0x38;
	[tilespmem:$0x1E280] =	vst v63  }
0x5b: {  	_ =	swait.ge [sflag:s18], $0x2000  }
0x5c: {  	[sflag:s18] =	ssyncset.done $0x0  }
0x5d: {  	s14 =	rddreg [dreg:$0x7];
	[sflag:s18] =	ssyncadd.s32 $0xFFFFE000  }
0x5e: {  	[spmem:s14] =	stream.linear.scatter [tilespmem:s17], [sflag:$0x5], $0x2000, $0x38;
	[tilespmem:$0x1E280] =	vst v63  }
0x5f: {  	_ =	swait.ge [sflag:s18], $0x2000  }
0x60: {  	[sflag:s18] =	ssyncset.done $0x0  }
0x61: {  	s20 =	rddreg [dreg:$0x8];
	[sflag:s18] =	ssyncadd.s32 $0xFFFFE000  }
0x62: {  	[spmem:s20] =	stream.linear.scatter [tilespmem:s17], [sflag:$0x5], $0x2000, $0x38;
	[tilespmem:$0x1E280] =	vst v63  }
0x63: {  	_ =	swait.ge [sflag:s18], $0x2000  }
0x64: {  	[sflag:s18] =	ssyncset.done $0x0  }
0x65: {  	s23 =	simm.s32 $0x13D80;
	[sflag:s18] =	ssyncadd.s32 $0xFFFFE000  }
0x66: {  	[spmem:s11] =	stream.linear.scatter [tilespmem:s23], [sflag:$0x5], $0x280, $0x38;
	[tilespmem:$0x1E280] =	vst v63  }
0x67: {  	_ =	swait.ge [sflag:s18], $0x280  }
0x68: {  	[sflag:s18] =	ssyncset.done $0x0  }
0x69: {  	[sflag:s18] =	ssyncadd.s32 $0xFFFFFD80  }
0x6a: {  	s25 =	simm.s32 $0x0;
	[bflag:$0x0] =	sbarrier.arrive $0xFFFF  }
0x6b: {  	[tilespmem:s25], [sflag:$0x5] =	stream.linear.gather [hbm4b:s16+s25], $0x5000, $0x38;
	[tilespmem:$0x1E280] =	vst v63  }
0x6c: {  	_ =	swait.ge [sflag:s18], $0x5000  }
0x6d: {  	[sflag:s18] =	ssyncset.done $0x0  }
0x6e: {  	s8 =	simm.s32 $0x5000;
	s7 =	rddreg [dreg:$0x9];
	[sflag:s18] =	ssyncadd.s32 $0xFFFFB000  }
0x6f: {  	[tilespmem:s8], [sflag:$0x5] =	stream.linear.gather [hbm4b:s7+s25], $0x5000, $0x38;
	[tilespmem:$0x1E280] =	vst v63  }
0x70: {  	_ =	swait.ge [sflag:s18], $0x5000  }
0x71: {  	[sflag:s18] =	ssyncset.done $0x0  }
0x72: {  	[sflag:s18] =	ssyncadd.s32 $0xFFFFB000  }
0x73: {  	[tilespmem:s22], [sflag:$0x1] =	stream.indirect.gather [hbm4b:s1+s21], $0x40, s25, s21, $0xb8;
	[tilespmem:$0x1E280] =	vst v63  }
0x74: {  	s8 =	simm.s32 $0x80  }
0x75: {  	[tilespmem:s24], [sflag:$0x2] =	stream.indirect.gather [hbm4b:s1+s21], $0x40, s8, s21, $0xb8;
	[tilespmem:$0x1E280] =	vst v63  }
0x76: {  	s9 =	simm.s32 $0x100  }
0x77: {  	[tilespmem:s26], [sflag:$0x3] =	stream.indirect.gather [hbm4b:s1+s21], $0x40, s9, s21, $0xb8;
	[tilespmem:$0x1E280] =	vst v63  }
0x78: {  	s10 =	simm.s32 $0x180  }
0x79: {  	[tilespmem:s28], [sflag:$0x4] =	stream.indirect.gather [hbm4b:s1+s21], $0x40, s10, s21, $0xb8;
	[tilespmem:$0x1E280] =	vst v63  }
0x7a: {  	_ =	swait.ge [sflag:s29], $0x1F40  }
0x7b: {  	[sflag:s29] =	ssyncset.done $0x0  }
0x7c: {  	s0 =	simm.s32 $0x5000;
	[sflag:s29] =	ssyncadd.s32 $0xFFFFE0C0  }
0x7d: {  	[spmem:s2] =	stream.indirect.scatter.add.f32 [tilespmem:s22], [sflag:$0x6], $0x40, s0, s21, $0xb8;
	[tilespmem:$0x1E280] =	vst v63  }
0x7e: {  	_ =	swait.ge [sflag:s30], $0x1F40  }
0x7f: {  	s20 =	simm.s32 @!p1 $0x7D;
	[sflag:s30] =	ssyncset.done $0x0  }
0x80: {  	s23 =	simm.s32 @!p1 $0x11D00;
	s25 =	simm.s32 @!p1 $0x6;
	[sflag:s30] =	ssyncadd.s32 $0xFFFFE0C0  }
0x81: {  	[spmem:s4] =	stream.indirect.scatter.add.f32 @!p1 [tilespmem:s23], [sflag:$0x6], $0x1, s0, s20, $0xb8;
	[tilespmem:$0x1E280] =	vst v63  }
0x82: {  	_ =	swait.ge @!p1 [sflag:s25], $0x7D  }
0x83: {  	[sflag:s25] =	ssyncset.done @!p1 $0x0  }
0x84: {  	s12 =	simm.s32 $0x200;
	[sflag:s25] =	ssyncadd.s32 @!p1 $0xFFFFFF83  }
0x85: {  	[tilespmem:s22], [sflag:$0x1] =	stream.indirect.gather [hbm4b:s1+s21], $0x40, s12, s21, $0xb8;
	[tilespmem:$0x1E280] =	vst v63  }
0x86: {  	_ =	swait.ge [sflag:s31], $0x1F40  }
0x87: {  	[sflag:s31] =	ssyncset.done $0x0  }
0x88: {  	s0 =	simm.s32 $0x5080;
	[sflag:s31] =	ssyncadd.s32 $0xFFFFE0C0  }
0x89: {  	[spmem:s2] =	stream.indirect.scatter.add.f32 [tilespmem:s24], [sflag:$0x6], $0x40, s0, s21, $0xb8;
	[tilespmem:$0x1E280] =	vst v63  }
0x8a: {  	_ =	swait.ge [sflag:s30], $0x1F40  }
0x8b: {  	s7 =	simm.s32 @!p0 $0x6;
	[sflag:s30] =	ssyncset.done $0x0  }
0x8c: {  	s8 =	simm.s32 @!p0 $0x7D;
	s9 =	simm.s32 @!p0 $0x11D00;
	[sflag:s30] =	ssyncadd.s32 $0xFFFFE0C0  }
0x8d: {  	[spmem:s4] =	stream.indirect.scatter.add.f32 @!p0 [tilespmem:s9], [sflag:$0x6], $0x1, s0, s8, $0xb8;
	[tilespmem:$0x1E280] =	vst v63  }
0x8e: {  	_ =	swait.ge @!p0 [sflag:s7], $0x7D  }
0x8f: {  	[sflag:s7] =	ssyncset.done @!p0 $0x0  }
0x90: {  	s13 =	simm.s32 $0x280;
	[sflag:s7] =	ssyncadd.s32 @!p0 $0xFFFFFF83  }
0x91: {  	[tilespmem:s24], [sflag:$0x2] =	stream.indirect.gather [hbm4b:s1+s21], $0x40, s13, s21, $0xb8;
	[tilespmem:$0x1E280] =	vst v63  }
0x92: {  	_ =	swait.ge [sflag:s3], $0x1F40  }
0x93: {  	[sflag:s3] =	ssyncset.done $0x0  }
0x94: {  	s0 =	simm.s32 $0x5100;
	[sflag:s3] =	ssyncadd.s32 $0xFFFFE0C0  }
0x95: {  	[spmem:s2] =	stream.indirect.scatter.add.f32 [tilespmem:s26], [sflag:$0x6], $0x40, s0, s21, $0xb8;
	[tilespmem:$0x1E280] =	vst v63  }
0x96: {  	_ =	swait.ge [sflag:s30], $0x1F40  }
0x97: {  	[sflag:s30] =	ssyncset.done $0x0  }
0x98: {  	[sflag:s30] =	ssyncadd.s32 $0xFFFFE0C0  }
0x99: {  	[spmem:s4] =	stream.indirect.scatter.add.f32 @!p1 [tilespmem:s23], [sflag:$0x6], $0x1, s0, s20, $0xb8;
	[tilespmem:$0x1E280] =	vst v63  }
0x9a: {  	_ =	swait.ge @!p1 [sflag:s25], $0x7D  }
0x9b: {  	[sflag:s25] =	ssyncset.done @!p1 $0x0  }
0x9c: {  	s14 =	simm.s32 $0x300;
	[sflag:s25] =	ssyncadd.s32 @!p1 $0xFFFFFF83  }
0x9d: {  	[tilespmem:s26], [sflag:$0x3] =	stream.indirect.gather [hbm4b:s1+s21], $0x40, s14, s21, $0xb8;
	[tilespmem:$0x1E280] =	vst v63  }
0x9e: {  	_ =	swait.ge [sflag:s19], $0x1F40  }
0x9f: {  	[sflag:s19] =	ssyncset.done $0x0  }
0xa0: {  	s0 =	simm.s32 $0x5180;
	[sflag:s19] =	ssyncadd.s32 $0xFFFFE0C0  }
0xa1: {  	[spmem:s2] =	stream.indirect.scatter.add.f32 [tilespmem:s28], [sflag:$0x6], $0x40, s0, s21, $0xb8;
	[tilespmem:$0x1E280] =	vst v63  }
0xa2: {  	_ =	swait.ge [sflag:s30], $0x1F40  }
0xa3: {  	[sflag:s30] =	ssyncset.done $0x0  }
0xa4: {  	s10 =	simm.s32 @!p0 $0x5;
	[sflag:s30] =	ssyncadd.s32 $0xFFFFE0C0  }
0xa5: {  	[spmem:s4] =	stream.indirect.scatter.add.f32 @!p0 [tilespmem:s9], [sflag:$0x5], $0x1, s0, s8, $0xb8;
	[tilespmem:$0x1E280] =	vst v63  }
0xa6: {  	_ =	swait.ge @!p0 [sflag:s10], $0x7D  }
0xa7: {  	s12 =	simm.s32 $0x1000;
	s0 =	simm.s32 $0x200;
	[sflag:s10] =	ssyncset.done @!p0 $0x0  }
.LBB2_4:
0xa8: {  	s14 =	sadd.s32 $0x180, s0  }
0xa9: {  	[sflag:s10] =	ssyncadd.s32 @!p0 $0xFFFFFF83;
	s13 =	smov.u32 s12;
	s12 =	sadd.s32 $0x800, s12  }
0xaa: {  	[tilespmem:s28], [sflag:$0x4] =	stream.indirect.gather [hbm4b:s1+s21], $0x40, s14, s21, $0xb8;
	[tilespmem:$0x1E280] =	vst v63  }
0xab: {  	p2 =	sne.s32 s12, $0x13800;
	_ =	swait.ge [sflag:s29], $0x1F40  }
0xac: {  	[sflag:s29] =	ssyncset.done $0x0  }
0xad: {  	s14 =	sadd.s32 $0x5000, s0;
	[sflag:s29] =	ssyncadd.s32 $0xFFFFE0C0  }
0xae: {  	[spmem:s2] =	stream.indirect.scatter.add.f32 [tilespmem:s22], [sflag:$0x6], $0x40, s14, s21, $0xb8;
	[tilespmem:$0x1E280] =	vst v63  }
0xaf: {  	_ =	swait.ge [sflag:s30], $0x1F40  }
0xb0: {  	[sflag:s30] =	ssyncset.done $0x0  }
0xb1: {  	[sflag:s30] =	ssyncadd.s32 $0xFFFFE0C0  }
0xb2: {  	[spmem:s4] =	stream.indirect.scatter.add.f32 @!p1 [tilespmem:s23], [sflag:$0x6], $0x1, s14, s20, $0xb8;
	[tilespmem:$0x1E280] =	vst v63  }
0xb3: {  	_ =	swait.ge @!p1 [sflag:s25], $0x7D  }
0xb4: {  	[sflag:s25] =	ssyncset.done @!p1 $0x0  }
0xb5: {  	s14 =	sadd.s32 $0x200, s0;
	[sflag:s25] =	ssyncadd.s32 @!p1 $0xFFFFFF83  }
0xb6: {  	[tilespmem:s22], [sflag:$0x1] =	stream.indirect.gather [hbm4b:s1+s21], $0x40, s14, s21, $0xb8;
	[tilespmem:$0x1E280] =	vst v63  }
0xb7: {  	_ =	swait.ge [sflag:s31], $0x1F40  }
0xb8: {  	[sflag:s31] =	ssyncset.done $0x0  }
0xb9: {  	s14 =	sadd.s32 $0x5080, s0;
	[sflag:s31] =	ssyncadd.s32 $0xFFFFE0C0  }
0xba: {  	[spmem:s2] =	stream.indirect.scatter.add.f32 [tilespmem:s24], [sflag:$0x6], $0x40, s14, s21, $0xb8;
	[tilespmem:$0x1E280] =	vst v63  }
0xbb: {  	_ =	swait.ge [sflag:s30], $0x1F40  }
0xbc: {  	[sflag:s30] =	ssyncset.done $0x0  }
0xbd: {  	[sflag:s30] =	ssyncadd.s32 $0xFFFFE0C0  }
0xbe: {  	[spmem:s4] =	stream.indirect.scatter.add.f32 @!p0 [tilespmem:s9], [sflag:$0x6], $0x1, s14, s8, $0xb8;
	[tilespmem:$0x1E280] =	vst v63  }
0xbf: {  	_ =	swait.ge @!p0 [sflag:s7], $0x7D  }
0xc0: {  	[sflag:s7] =	ssyncset.done @!p0 $0x0  }
0xc1: {  	s14 =	sadd.s32 $0x280, s0;
	[sflag:s7] =	ssyncadd.s32 @!p0 $0xFFFFFF83  }
0xc2: {  	[tilespmem:s24], [sflag:$0x2] =	stream.indirect.gather [hbm4b:s1+s21], $0x40, s14, s21, $0xb8;
	[tilespmem:$0x1E280] =	vst v63  }
0xc3: {  	_ =	swait.ge [sflag:s3], $0x1F40  }
0xc4: {  	[sflag:s3] =	ssyncset.done $0x0  }
0xc5: {  	s14 =	sadd.s32 $0x5100, s0;
	[sflag:s3] =	ssyncadd.s32 $0xFFFFE0C0  }
0xc6: {  	[spmem:s2] =	stream.indirect.scatter.add.f32 [tilespmem:s26], [sflag:$0x6], $0x40, s14, s21, $0xb8;
	[tilespmem:$0x1E280] =	vst v63  }
0xc7: {  	_ =	swait.ge [sflag:s30], $0x1F40  }
0xc8: {  	[sflag:s30] =	ssyncset.done $0x0  }
0xc9: {  	[sflag:s30] =	ssyncadd.s32 $0xFFFFE0C0  }
0xca: {  	[spmem:s4] =	stream.indirect.scatter.add.f32 @!p1 [tilespmem:s23], [sflag:$0x6], $0x1, s14, s20, $0xb8;
	[tilespmem:$0x1E280] =	vst v63  }
0xcb: {  	_ =	swait.ge @!p1 [sflag:s25], $0x7D  }
0xcc: {  	[sflag:s25] =	ssyncset.done @!p1 $0x0  }
0xcd: {  	s14 =	sadd.s32 $0x300, s0;
	[sflag:s25] =	ssyncadd.s32 @!p1 $0xFFFFFF83  }
0xce: {  	[tilespmem:s26], [sflag:$0x3] =	stream.indirect.gather [hbm4b:s1+s21], $0x40, s14, s21, $0xb8;
	[tilespmem:$0x1E280] =	vst v63  }
0xcf: {  	_ =	swait.ge [sflag:s19], $0x1F40  }
0xd0: {  	[sflag:s19] =	ssyncset.done $0x0  }
0xd1: {  	s0 =	sadd.s32 $0x5180, s0;
	[sflag:s19] =	ssyncadd.s32 $0xFFFFE0C0  }
0xd2: {  	[spmem:s2] =	stream.indirect.scatter.add.f32 [tilespmem:s28], [sflag:$0x6], $0x40, s0, s21, $0xb8;
	[tilespmem:$0x1E280] =	vst v63  }
0xd3: {  	_ =	swait.ge [sflag:s30], $0x1F40  }
.Ltmp1:
0xd4: {  	[sflag:s30] =	ssyncset.done $0x0;
	(pc) =	sbr.rel @p2 .LBB2_4-.Ltmp1, $4  }
0xd5: {  	[sflag:s30] =	ssyncadd.s32 $0xFFFFE0C0  }
0xd6: {  	[spmem:s4] =	stream.indirect.scatter.add.f32 @!p0 [tilespmem:s9], [sflag:$0x5], $0x1, s0, s8, $0xb8;
	[tilespmem:$0x1E280] =	vst v63  }
0xd7: {  	_ =	swait.ge @!p0 [sflag:s10], $0x7D  }
0xd8: {  	s0 =	sshra.s32 s13, $0x2;
	[sflag:s10] =	ssyncset.done @!p0 $0x0  }
0xd9: {  	s7 =	sadd.s32 $0x180, s0;
	[sflag:s10] =	ssyncadd.s32 @!p0 $0xFFFFFF83  }
0xda: {  	[tilespmem:s28], [sflag:$0x4] =	stream.indirect.gather [hbm4b:s1+s21], $0x40, s7, s21, $0xb8;
	[tilespmem:$0x1E280] =	vst v63  }
0xdb: {  	_ =	swait.ge [sflag:s29], $0x1F40  }
0xdc: {  	[sflag:s29] =	ssyncset.done $0x0  }
0xdd: {  	s10 =	sadd.s32 $0x5000, s0;
	[sflag:s29] =	ssyncadd.s32 $0xFFFFE0C0  }
0xde: {  	[spmem:s2] =	stream.indirect.scatter.add.f32 [tilespmem:s22], [sflag:$0x6], $0x40, s10, s21, $0xb8;
	[tilespmem:$0x1E280] =	vst v63  }
0xdf: {  	_ =	swait.ge [sflag:s30], $0x1F40  }
0xe0: {  	s8 =	simm.s32 @!p1 $0x7D;
	[sflag:s30] =	ssyncset.done $0x0  }
0xe1: {  	s9 =	simm.s32 @!p1 $0x11D00;
	s7 =	simm.s32 @!p1 $0x6;
	[sflag:s30] =	ssyncadd.s32 $0xFFFFE0C0  }
0xe2: {  	[spmem:s4] =	stream.indirect.scatter.add.f32 @!p1 [tilespmem:s9], [sflag:$0x6], $0x1, s10, s8, $0xb8;
	[tilespmem:$0x1E280] =	vst v63  }
0xe3: {  	_ =	swait.ge @!p1 [sflag:s7], $0x7D  }
0xe4: {  	[sflag:s7] =	ssyncset.done @!p1 $0x0  }
0xe5: {  	s20 =	sadd.s32 $0x200, s0;
	[sflag:s7] =	ssyncadd.s32 @!p1 $0xFFFFFF83  }
0xe6: {  	[tilespmem:s22], [sflag:$0x1] =	stream.indirect.gather [hbm4b:s1+s21], $0x40, s20, s21, $0xb8;
	[tilespmem:$0x1E280] =	vst v63  }
0xe7: {  	_ =	swait.ge [sflag:s31], $0x1F40  }
0xe8: {  	[sflag:s31] =	ssyncset.done $0x0  }
0xe9: {  	s10 =	sadd.s32 $0x5080, s0;
	[sflag:s31] =	ssyncadd.s32 $0xFFFFE0C0  }
0xea: {  	[spmem:s2] =	stream.indirect.scatter.add.f32 [tilespmem:s24], [sflag:$0x6], $0x40, s10, s21, $0xb8;
	[tilespmem:$0x1E280] =	vst v63  }
0xeb: {  	_ =	swait.ge [sflag:s30], $0x1F40  }
0xec: {  	s12 =	simm.s32 @!p0 $0x6;
	[sflag:s30] =	ssyncset.done $0x0  }
0xed: {  	s13 =	simm.s32 @!p0 $0x7D;
	s14 =	simm.s32 @!p0 $0x11D00;
	[sflag:s30] =	ssyncadd.s32 $0xFFFFE0C0  }
0xee: {  	[spmem:s4] =	stream.indirect.scatter.add.f32 @!p0 [tilespmem:s14], [sflag:$0x6], $0x1, s10, s13, $0xb8;
	[tilespmem:$0x1E280] =	vst v63  }
0xef: {  	_ =	swait.ge @!p0 [sflag:s12], $0x7D  }
0xf0: {  	[sflag:s12] =	ssyncset.done @!p0 $0x0  }
0xf1: {  	s23 =	sadd.s32 $0x280, s0;
	[sflag:s12] =	ssyncadd.s32 @!p0 $0xFFFFFF83  }
0xf2: {  	[tilespmem:s24], [sflag:$0x2] =	stream.indirect.gather [hbm4b:s1+s21], $0x40, s23, s21, $0xb8;
	[tilespmem:$0x1E280] =	vst v63  }
0xf3: {  	_ =	swait.ge [sflag:s3], $0x1F40  }
0xf4: {  	[sflag:s3] =	ssyncset.done $0x0  }
0xf5: {  	s10 =	sadd.s32 $0x5100, s0;
	[sflag:s3] =	ssyncadd.s32 $0xFFFFE0C0  }
0xf6: {  	[spmem:s2] =	stream.indirect.scatter.add.f32 [tilespmem:s26], [sflag:$0x6], $0x40, s10, s21, $0xb8;
	[tilespmem:$0x1E280] =	vst v63  }
0xf7: {  	_ =	swait.ge [sflag:s30], $0x1F40  }
0xf8: {  	[sflag:s30] =	ssyncset.done $0x0  }
0xf9: {  	[sflag:s30] =	ssyncadd.s32 $0xFFFFE0C0  }
0xfa: {  	[spmem:s4] =	stream.indirect.scatter.add.f32 @!p1 [tilespmem:s9], [sflag:$0x6], $0x1, s10, s8, $0xb8;
	[tilespmem:$0x1E280] =	vst v63  }
0xfb: {  	_ =	swait.ge @!p1 [sflag:s7], $0x7D  }
0xfc: {  	[sflag:s7] =	ssyncset.done @!p1 $0x0  }
0xfd: {  	s25 =	sadd.s32 $0x300, s0;
	[sflag:s7] =	ssyncadd.s32 @!p1 $0xFFFFFF83  }
0xfe: {  	[tilespmem:s26], [sflag:$0x3] =	stream.indirect.gather [hbm4b:s1+s21], $0x40, s25, s21, $0xb8;
	[tilespmem:$0x1E280] =	vst v63  }
0xff: {  	_ =	swait.ge [sflag:s19], $0x1F40  }
0x100: {  	[sflag:s19] =	ssyncset.done $0x0  }
0x101: {  	s0 =	sadd.s32 $0x5180, s0;
	[sflag:s19] =	ssyncadd.s32 $0xFFFFE0C0  }
0x102: {  	[spmem:s2] =	stream.indirect.scatter.add.f32 [tilespmem:s28], [sflag:$0x6], $0x40, s0, s21, $0xb8;
	[tilespmem:$0x1E280] =	vst v63  }
0x103: {  	_ =	swait.ge [sflag:s30], $0x1F40  }
0x104: {  	[sflag:s30] =	ssyncset.done $0x0  }
0x105: {  	s10 =	simm.s32 @!p0 $0x5;
	[sflag:s30] =	ssyncadd.s32 $0xFFFFE0C0  }
0x106: {  	[spmem:s4] =	stream.indirect.scatter.add.f32 @!p0 [tilespmem:s14], [sflag:$0x5], $0x1, s0, s13, $0xb8;
	[tilespmem:$0x1E280] =	vst v63  }
0x107: {  	_ =	swait.ge @!p0 [sflag:s10], $0x7D  }
0x108: {  	[sflag:s10] =	ssyncset.done @!p0 $0x0  }
0x109: {  	[sflag:s10] =	ssyncadd.s32 @!p0 $0xFFFFFF83;
	s10 =	simm.s32 $0x4F80  }
0x10a: {  	[tilespmem:s28], [sflag:$0x4] =	stream.indirect.gather [hbm4b:s1+s21], $0x40, s10, s21, $0xb8;
	[tilespmem:$0x1E280] =	vst v63  }
0x10b: {  	_ =	swait.ge [sflag:s29], $0x1F40  }
0x10c: {  	[sflag:s29] =	ssyncset.done $0x0  }
0x10d: {  	s12 =	simm.s32 $0x9E00;
	[sflag:s29] =	ssyncadd.s32 $0xFFFFE0C0  }
0x10e: {  	[spmem:s2] =	stream.indirect.scatter.add.f32 [tilespmem:s22], [sflag:$0x6], $0x40, s12, s21, $0xb8;
	[tilespmem:$0x1E280] =	vst v63  }
0x10f: {  	_ =	swait.ge [sflag:s30], $0x1F40  }
0x110: {  	[sflag:s30] =	ssyncset.done $0x0  }
0x111: {  	s0 =	simm.s32 @p1 $0x2;
	[sflag:s30] =	ssyncadd.s32 $0xFFFFE0C0  }
0x112: {  	_ =	swait.ge @p1 [sflag:s0], $0x1F40  }
0x113: {  	s10 =	simm.s32 @p1 $0x9E80;
	[sflag:s0] =	ssyncset.done @p1 $0x0  }
0x114: {  	s12 =	simm.s32 @p1 $0xBF40;
	[sflag:s0] =	ssyncadd.s32 @p1 $0xFFFFE0C0;
	s0 =	simm.s32 @p1 $0x7D  }
0x115: {  	[spmem:s2] =	stream.indirect.scatter.add.f32 @p1 [tilespmem:s12], [sflag:$0x6], $0x40, s10, s0, $0xb8;
	[tilespmem:$0x1E280] =	vst v63  }
0x116: {  	s12 =	simm.s32 @p1 $0x6  }
0x117: {  	_ =	swait.ge @p1 [sflag:s12], $0x1F40  }
0x118: {  	[sflag:s12] =	ssyncset.done @p1 $0x0  }
0x119: {  	s13 =	simm.s32 @p1 $0x11D00;
	[sflag:s12] =	ssyncadd.s32 @p1 $0xFFFFE0C0  }
0x11a: {  	[spmem:s4] =	stream.indirect.scatter.add.f32 @p1 [tilespmem:s13], [sflag:$0x6], $0x1, s10, s0, $0xb8;
	[tilespmem:$0x1E280] =	vst v63  }
0x11b: {  	_ =	swait.ge @p1 [sflag:s12], $0x7D  }
0x11c: {  	[sflag:s12] =	ssyncset.done @p1 $0x0  }
0x11d: {  	s10 =	simm.s32 @p1 $0x3;
	[sflag:s12] =	ssyncadd.s32 @p1 $0xFFFFFF83  }
0x11e: {  	_ =	swait.ge @p1 [sflag:s10], $0x1F40  }
0x11f: {  	[sflag:s10] =	ssyncset.done @p1 $0x0  }
0x120: {  	s14 =	simm.s32 @p1 $0xDE80;
	[sflag:s10] =	ssyncadd.s32 @p1 $0xFFFFE0C0;
	s10 =	simm.s32 @p1 $0x9F00  }
0x121: {  	[spmem:s2] =	stream.indirect.scatter.add.f32 @p1 [tilespmem:s14], [sflag:$0x6], $0x40, s10, s0, $0xb8;
	[tilespmem:$0x1E280] =	vst v63  }
0x122: {  	_ =	swait.ge @p1 [sflag:s12], $0x1F40  }
0x123: {  	[sflag:s12] =	ssyncset.done @p1 $0x0  }
0x124: {  	s10 =	simm.s32 @p1 $0x4;
	[sflag:s12] =	ssyncadd.s32 @p1 $0xFFFFE0C0  }
0x125: {  	_ =	swait.ge @p1 [sflag:s10], $0x1F40  }
0x126: {  	[sflag:s10] =	ssyncset.done @p1 $0x0  }
0x127: {  	s14 =	simm.s32 @p1 $0xFDC0;
	[sflag:s10] =	ssyncadd.s32 @p1 $0xFFFFE0C0;
	s10 =	simm.s32 @p1 $0x9F80  }
0x128: {  	[spmem:s2] =	stream.indirect.scatter.add.f32 @p1 [tilespmem:s14], [sflag:$0x6], $0x40, s10, s0, $0xb8;
	[tilespmem:$0x1E280] =	vst v63  }
0x129: {  	_ =	swait.ge @p1 [sflag:s12], $0x1F40  }
0x12a: {  	[sflag:s12] =	ssyncset.done @p1 $0x0  }
0x12b: {  	[sflag:s12] =	ssyncadd.s32 @p1 $0xFFFFE0C0  }
0x12c: {  	[spmem:s4] =	stream.indirect.scatter.add.f32 @p1 [tilespmem:s13], [sflag:$0x5], $0x1, s10, s0, $0xb8;
	[tilespmem:$0x1E280] =	vst v63  }
0x12d: {  	s0 =	simm.s32 @p1 $0x5  }
0x12e: {  	_ =	swait.ge @p1 [sflag:s0], $0x7D  }
0x12f: {  	[sflag:s0] =	ssyncset.done @p1 $0x0  }
0x130: {  	[sflag:s0] =	ssyncadd.s32 @p1 $0xFFFFFF83;
	s0 =	simm.s32 @!p1 $0x9E00  }
0x131: {  	[spmem:s4] =	stream.indirect.scatter.add.f32 @!p1 [tilespmem:s9], [sflag:$0x6], $0x1, s0, s8, $0xb8;
	[tilespmem:$0x1E280] =	vst v63  }
0x132: {  	_ =	swait.ge @!p1 [sflag:s7], $0x7D  }
0x133: {  	[sflag:s7] =	ssyncset.done @!p1 $0x0  }
0x134: {  	s0 =	simm.s32 @!p1 $0x2;
	[sflag:s7] =	ssyncadd.s32 @!p1 $0xFFFFFF83  }
0x135: {  	_ =	swait.ge @!p1 [sflag:s0], $0x1F40  }
0x136: {  	[sflag:s0] =	ssyncset.done @!p1 $0x0  }
0x137: {  	s10 =	simm.s32 @!p1 $0xBF40;
	[sflag:s0] =	ssyncadd.s32 @!p1 $0xFFFFE0C0;
	s0 =	simm.s32 @!p1 $0x9E80  }
0x138: {  	[spmem:s2] =	stream.indirect.scatter.add.f32 @!p1 [tilespmem:s10], [sflag:$0x6], $0x40, s0, s8, $0xb8;
	[tilespmem:$0x1E280] =	vst v63  }
0x139: {  	_ =	swait.ge @!p1 [sflag:s7], $0x1F40  }
0x13a: {  	[sflag:s7] =	ssyncset.done @!p1 $0x0  }
0x13b: {  	s0 =	simm.s32 @!p1 $0x3;
	[sflag:s7] =	ssyncadd.s32 @!p1 $0xFFFFE0C0  }
0x13c: {  	_ =	swait.ge @!p1 [sflag:s0], $0x1F40  }
0x13d: {  	[sflag:s0] =	ssyncset.done @!p1 $0x0  }
0x13e: {  	s10 =	simm.s32 @!p1 $0xDE80;
	[sflag:s0] =	ssyncadd.s32 @!p1 $0xFFFFE0C0;
	s0 =	simm.s32 @!p1 $0x9F00  }
0x13f: {  	[spmem:s2] =	stream.indirect.scatter.add.f32 @!p1 [tilespmem:s10], [sflag:$0x6], $0x40, s0, s8, $0xb8;
	[tilespmem:$0x1E280] =	vst v63  }
0x140: {  	_ =	swait.ge @!p1 [sflag:s7], $0x1F40  }
0x141: {  	[sflag:s7] =	ssyncset.done @!p1 $0x0  }
0x142: {  	[sflag:s7] =	ssyncadd.s32 @!p1 $0xFFFFE0C0  }
0x143: {  	[spmem:s4] =	stream.indirect.scatter.add.f32 @!p1 [tilespmem:s9], [sflag:$0x6], $0x1, s0, s8, $0xb8;
	[tilespmem:$0x1E280] =	vst v63  }
0x144: {  	_ =	swait.ge @!p1 [sflag:s7], $0x7D  }
0x145: {  	[sflag:s7] =	ssyncset.done @!p1 $0x0  }
0x146: {  	s0 =	simm.s32 @!p1 $0x4;
	[sflag:s7] =	ssyncadd.s32 @!p1 $0xFFFFFF83  }
0x147: {  	_ =	swait.ge @!p1 [sflag:s0], $0x1F40  }
0x148: {  	[sflag:s0] =	ssyncset.done @!p1 $0x0  }
0x149: {  	s9 =	simm.s32 @!p1 $0xFDC0;
	[sflag:s0] =	ssyncadd.s32 @!p1 $0xFFFFE0C0;
	s0 =	simm.s32 @!p1 $0x9F80  }
0x14a: {  	[spmem:s2] =	stream.indirect.scatter.add.f32 @!p1 [tilespmem:s9], [sflag:$0x6], $0x40, s0, s8, $0xb8;
	[tilespmem:$0x1E280] =	vst v63  }
0x14b: {  	_ =	swait.ge @!p1 [sflag:s7], $0x1F40  }
0x14c: {  	[sflag:s7] =	ssyncset.done @!p1 $0x0  }
0x14d: {  	s13 =	stileid.u32;
	[sflag:s7] =	ssyncadd.s32 @!p1 $0xFFFFE0C0  }
0x14e: {  	s0 =	sshll.u32 s13, $0x6;
	[bflag:$0x0] =	sbarrier.arrive $0xFFFF  }
0x14f: {  	s14 =	sshrl.u32 s6, $0x3;
	s0 =	sor.u32 $0x1C05, s0;
	s20 =	rddreg [dreg:$0xa]  }
0x150: {  	[hbm:s20], [sflag:s0] =	dma.local [spmem:s14], $0x1400  }
0x151: {  	s5 =	sadd.s32 $0x1, s5;
	_ =	swait.ge [sflag:s18], $0x1400  }
0x152: {  	p2 =	sne.s32 s5, s15;
	s23 =	sshrl.u32 s11, $0x3;
	[sflag:s18] =	ssyncset.done $0x0  }
.Ltmp2:
0x153: {  	s25 =	rddreg [dreg:$0xb];
	[sflag:s18] =	ssyncadd.s32 $0xFFFFEC00;
	(pc) =	sbr.rel @p2 .LBB2_1-.Ltmp2, $4  }
0x154: {  	[hbm:s25], [sflag:s0] =	dma.local [spmem:s23], $0x50  }
0x155: {  	_ =	swait.ge [sflag:s18], $0x50  }
0x156: {  	[sflag:s18] =	ssyncset.done $0x0  }
0x157: {  	[sflag:s18] =	ssyncadd.s32 $0xFFFFFFB0  }
0x158: {  	_ =	sfence.sel $0x180000  }
0x159: {  	[bflag:$0x0] =	sbarrier.arrive $0xFFFF  }
0x15a: {  	_ =	strace $0x90000047  }
0x15b: {  	s0 =	stileid.u32;
	[bflag:$0x2] =	sbarrier.arrive $0xFFFF  }
0x15c: {  	p0 =	sne.s32 s0, $0x0;
	s0 =	rddreg [dreg:$0x4]  }
0x15d: {  	s0 =	sadd.s32 @!p0 $0x100000, s0  }
0x15e: {  	[sflag:s0] =	ssyncadd.tile.s32 @!p0 $0x1;
	_ =	shalt  }
.Lfunc_end2:
_tile_overlayer_lowered:
.L_overlay_start_2:
0x15f: {  	(tag) =	ssettag $0x2  }
0x160: {  	s0 =	rddreg [dreg:$0x0];
	s2 =	stileid.u32  }
0x161: {  	s1 =	rddreg [dreg:$0x1];
	p0 =	sne.s32 s2, $0x0  }
0x162: {  	s3 =	rddreg [dreg:$0x2];
	[bflag:$0x3] =	sbarrier.arrive $0xFFFF;
	s2 =	simm.s32 @!p0 $0x1C05  }
0x163: {  	[timem:s3], [sflag:s2] =	dma.local @!p0 [hbm:s0], s1  }
0x164: {  	s0 =	simm.s32 @!p0 $0x5  }
0x165: {  	_ =	swait.ge @!p0 [sflag:s0], s1  }
0x166: {  	s1 =	ssub.s32 @!p0 $0x0, s1;
	[sflag:s0] =	ssyncset.done @!p0 $0x0  }
0x167: {  	[sflag:s0] =	ssyncadd.s32 @!p0 s1  }
0x168: {  	[bflag:$0x3] =	sbarrier.arrive $0xFFFF  }
0x169: {  	_ =	shalt  }

// kernel: kernel.8.cloned.1.call-start
scs
__scs_entry_jumppad:
0x0: {  	(pc) =	sbr.rel $0x88, $3  }
0x1: {  	(tag) =	ssettag $0x0;
	lr =	simm.s32 $0x1  }
0x2: {  	[smem:$0x3F99] =	sst lr;
	_ =	strace $0xD0000000  }
0x3: {  	_ = 	snop  }
0x4: {  	_ = 	snop  }
0x5: {  	_ = 	snop  }
0x6: {  	_ = 	snop  }
0x7: {  	_ = 	snop  }
__scs_overlays_trampoline_lowered:
0x8: {  	[smem:$0x3FA8] =	sst s0  }
0x9: {  	[smem:$0x3FA9] =	sst s1  }
0xa: {  	[smem:$0x3FAA] =	sst s2  }
0xb: {  	[smem:$0x3FAB] =	sst s3  }
0xc: {  	[smem:$0x3FAC] =	sst s4  }
0xd: {  	[smem:$0x3FAD] =	sst s5  }
0xe: {  	[smem:$0x3FAE] =	sst s6  }
0xf: {  	[smem:$0x3FAF] =	sst s7  }
0x10: {  	[smem:$0x3FB0] =	sst s8  }
0x11: {  	[smem:$0x3FB1] =	sst s9;
	s0 =	simm.s32 @!p0 $0x0  }
0x12: {  	s1 =	sld [smem:$0x3F97];
	s0 =	simm.s32 @p0 $0x1  }
0x13: {  	[smem:$0x3FB2] =	sst s0;
	s0 =	simm.s32 @!p1 $0x0  }
0x14: {  	s2 =	sld [smem:$0x3F96];
	s0 =	simm.s32 @p1 $0x1  }
0x15: {  	[smem:$0x3FB3] =	sst s0;
	s0 =	simm.s32 @!p2 $0x0  }
0x16: {  	s3 =	sld [smem:$0x3FDB];
	s0 =	simm.s32 @p2 $0x1  }
0x17: {  	s4 =	simm.s32 $0x1BF5;
	[smem:$0x3FB5] =	sst s0  }
0x18: {  	s0 =	sld [smem:$0x3F98];
	_ =	swait.ge [sflag:s4], $0x0  }
0x19: {  	s7 =	sld [smem:$0x3F99]  }
0x1a: {  	s8 =	sadd.s32 $0xFFFFE003, lr  }
0x1b: {  	s9 =	sadd.s32 $0xFFFFFEF7, lr;
	s5 =	simm.s32 $0xFFFFFFFF;
	p2 =	slt.u32 s8, $0xFFFFF086  }
0x1c: {  	p1 =	slt.u32 s9, $0xF7A;
	s5 =	simm.s32 @!p2 $0x0  }
0x1d: {  	s5 =	simm.s32 @p1 $0x1;
	p0 =	seq.s32 s7, s2  }
0x1e: {  	s7 =	smul.u32 @!p0 $0xF7A, s2;
	p2 =	seq.s32 @!p0 s5, $0x0  }
0x1f: {  	s9 =	smul.u32 $0xF7A, s1;
	s8 =	simm.s32 @!p0 $0x1BF5;
	p2 =	por !p2, p0  }
0x20: {  	[sflag:s8] =	ssyncset.s32 @!p0 $0xFFFFF086;
	s6 =	sadd.s32 @!p0 s3, s7;
	s7 =	simm.s32 @!p0 $0x108  }
0x21: {  	s3 =	sadd.s32 s3, s9;
	s6 =	sadd.s32 @!p0 $0x88, s6;
	s7 =	simm.s32 @p2 $0x1082  }
0x22: {  	[simem:s7], [sflag:s8] =	dma.local @!p0 [hbm:s6], $0xF7A  }
0x23: {  	s9 =	sor.u32 $0xD0000000, s2;
	s6 =	simm.s32 $0x108;
	_ =	swait.ge @!p0 [sflag:s8], $0x0  }
0x24: {  	s3 =	sadd.s32 $0x88, s3;
	s6 =	simm.s32 @!p1 $0x1082;
	[sflag:s4] =	ssyncset.s32 $0xFFFFF086  }
0x25: {  	[simem:s6], [sflag:s4] =	dma.local [hbm:s3], $0xF7A  }
0x26: {  	[smem:$0x3F99] =	sst s1;
	(tag) =	ssettag s2;
	_ =	strace s9  }
0x27: {  	s1 =	sld [smem:$0x3FA9]  }
0x28: {  	s2 =	sld [smem:$0x3FAA]  }
0x29: {  	s4 =	sld [smem:$0x3FAC]  }
0x2a: {  	p0 =	seq.s32 s5, $0x0;
	s5 =	sld [smem:$0x3FAD]  }
0x2b: {  	s6 =	sld [smem:$0x3FAE]  }
0x2c: {  	s7 =	sld [smem:$0x3FAF]  }
0x2d: {  	s3 =	simm.s32 $0x108;
	s8 =	sld [smem:$0x3FB0]  }
0x2e: {  	s3 =	simm.s32 @!p0 $0x1082;
	s9 =	sld [smem:$0x3FB1]  }
0x2f: {  	lr =	sadd.s32 s0, s3;
	s0 =	sld [smem:$0x3FA8]  }
0x30: {  	s3 =	sld [smem:$0x3FAB]  }
0x31: {  	[smem:$0x3FB4] =	sst s10  }
0x32: {  	s10 =	sld [smem:$0x3FB2];
	_ =	sdelay $0x3  }
0x33: {  	p0 =	seq.s32 s10, $0x1;
	s10 =	sld [smem:$0x3FB4];
	_ =	sdelay $0x3  }
0x34: {  	[smem:$0x3FB4] =	sst s10  }
0x35: {  	s10 =	sld [smem:$0x3FB3];
	_ =	sdelay $0x3  }
0x36: {  	p1 =	seq.s32 s10, $0x1;
	s10 =	sld [smem:$0x3FB4];
	_ =	sdelay $0x3  }
0x37: {  	[smem:$0x3FB4] =	sst s10  }
0x38: {  	s10 =	sld [smem:$0x3FB5]  }
0x39: {  	_ = 	snop;
	(pc) =	sbr.ind lr, $3  }
0x3a: {  	_ = 	snop  }
0x3b: {  	_ = 	snop  }
0x3c: {  	p2 =	seq.s32 s10, $0x1;
	s10 =	sld [smem:$0x3FB4]  }
0x3d: {  	_ =	shalt  }
0x3e: {  	_ =	shalt  }
0x3f: {  	_ =	shalt  }
0x40: {  	_ =	shalt  }
0x41: {  	_ =	shalt  }
0x42: {  	_ =	shalt  }
0x43: {  	_ =	shalt  }
0x44: {  	_ =	shalt  }
0x45: {  	_ =	shalt  }
0x46: {  	_ =	shalt  }
0x47: {  	_ =	shalt  }
0x48: {  	_ =	shalt  }
0x49: {  	_ =	shalt  }
0x4a: {  	_ =	shalt  }
0x4b: {  	_ =	shalt  }
0x4c: {  	_ =	shalt  }
0x4d: {  	_ =	shalt  }
0x4e: {  	_ =	shalt  }
0x4f: {  	_ =	shalt  }
0x50: {  	_ =	shalt  }
0x51: {  	_ =	shalt  }
0x52: {  	_ =	shalt  }
0x53: {  	_ =	shalt  }
0x54: {  	_ =	shalt  }
0x55: {  	_ =	shalt  }
0x56: {  	_ =	shalt  }
0x57: {  	_ =	shalt  }
0x58: {  	_ =	shalt  }
0x59: {  	_ =	shalt  }
0x5a: {  	_ =	shalt  }
0x5b: {  	_ =	shalt  }
0x5c: {  	_ =	shalt  }
0x5d: {  	_ =	shalt  }
0x5e: {  	_ =	shalt  }
0x5f: {  	_ =	shalt  }
0x60: {  	_ =	shalt  }
0x61: {  	_ =	shalt  }
0x62: {  	_ =	shalt  }
0x63: {  	_ =	shalt  }
0x64: {  	_ =	shalt  }
0x65: {  	_ =	shalt  }
0x66: {  	_ =	shalt  }
0x67: {  	_ =	shalt  }
0x68: {  	_ =	shalt  }
0x69: {  	_ =	shalt  }
0x6a: {  	_ =	shalt  }
0x6b: {  	_ =	shalt  }
0x6c: {  	_ =	shalt  }
0x6d: {  	_ =	shalt  }
0x6e: {  	_ =	shalt  }
0x6f: {  	_ =	shalt  }
0x70: {  	_ =	shalt  }
0x71: {  	_ =	shalt  }
0x72: {  	_ =	shalt  }
0x73: {  	_ =	shalt  }
0x74: {  	_ =	shalt  }
0x75: {  	_ =	shalt  }
0x76: {  	_ =	shalt  }
0x77: {  	_ =	shalt  }
0x78: {  	_ =	shalt  }
0x79: {  	_ =	shalt  }
0x7a: {  	_ =	shalt  }
0x7b: {  	_ =	shalt  }
0x7c: {  	_ =	shalt  }
0x7d: {  	_ =	shalt  }
0x7e: {  	_ =	shalt  }
0x7f: {  	_ =	shalt  }
0x80: {  	_ =	shalt  }
0x81: {  	_ =	shalt  }
0x82: {  	_ =	shalt  }
0x83: {  	_ =	shalt  }
0x84: {  	_ =	shalt  }
0x85: {  	_ =	shalt  }
0x86: {  	_ =	shalt  }
0x87: {  	_ =	shalt  }
.Lfunc_end0:
.L_simem_size_0:
called_computation.1_lowered:
.L_overlay_start_0:
0x88: {  	s0 =	sld [smem:$0x3FD9]  }
0x89: {  	s1 =	sld [smem:$0x3FFE];
	_ =	sdelay $0x3  }
0x8a: {  	s0 =	sadd.s32 s1, s0  }
0x8b: {  	[smem:$0x3FC0] =	sst s0  }
0x8c: {  	_ = 	snop  }
0x8d: {  	s0 =	sld [smem:$0x3FD0];
	(tm) =	ssettm $0x1  }
0x8e: {  	s16 =	sld [smem:$0x3FFB];
	_ =	sdelay $0x3  }
0x8f: {  	_ =	strace s16  }
0x90: {  	s1 =	sld [smem:$0x3FFC];
	_ =	sdelay $0x3  }
0x91: {  	_ =	strace s1  }
0x92: {  	s1 =	sld [smem:$0x3FFD];
	_ =	sdelay $0x3  }
0x93: {  	_ =	strace s1  }
0x94: {  	_ =	strace $0x8FFFFFFF  }
0x95: {  	s17 =	sld [smem:$0x3FDB];
	_ =	sdelay $0x1  }
0x96: {  	s2 =	simm.s32 $_scs_section_size  }
0x97: {  	s3 =	simm.s32 $_size__tile_overlayer_lowered;
	s4 =	simm.s32 $_tile_overlayer_lowered  }
0x98: {  	s20 =	simm.s32 $0x1BFF;
	s19 =	sshll.u32 s4, $0x1;
	s1 =	sadd.s32 s2, s17  }
0x99: {  	s5 =	simm.s32 $0x0;
	s18 =	sshll.u32 s3, $0x1;
	s3 =	sadd.s32 s19, s1  }
0x9a: {  	[timem:s5], [sflag:s20] =	dma.local [hbm:s3], s18  }
0x9b: {  	_ =	swait.ge [sflag:s20], s18  }
0x9c: {  	s2 =	ssub.s32 $0x0, s18;
	[sflag:s20] =	ssyncset.done $0x0  }
0x9d: {  	[sflag:s20] =	ssyncadd.s32 s2;
	_ =	sdelay $0x1  }
0x9e: {  	s21 =	simm.s32 $0x1B8B  }
0x9f: {  	_ =	swait.ge [sflag:s21], $0x1  }
0xa0: {  	[sflag:s21] =	ssyncset.done $0x0  }
0xa1: {  	s23 =	simm.s32 $0x1B8E;
	s22 =	sld [smem:$0x3FFE];
	[sflag:s21] =	ssyncadd.s32 $0xFFFFFFFF  }
0xa2: {  	s24 =	simm.s32 $execute0_lowered;
	[smem:$0x3FD2] =	sst s23  }
0xa3: {  	s3 =	sshll.u32 s24, $0x1;
	_ =	strace $0x80000049;
	[dreg:$0x1] =	wrdreg $0xFFFFFFFF  }
0xa4: {  	s25 =	simm.s32 $_size_execute0_lowered;
	s1 =	sadd.s32 s1, s3;
	[dreg:$0x0] =	wrdreg $0x0  }
0xa5: {  	s3 =	sshll.u32 s25, $0x1;
	[dreg:$0x2] =	wrdreg s1  }
0xa6: {  	[dreg:$0x3] =	wrdreg s3  }
0xa7: {  	[dreg:$0x4] =	wrdreg $0xC0  }
0xa8: {  	_ =	task [dreg:s5], $0x5FFFF  }
0xa9: {  	[dreg:$0x1] =	wrdreg $0xFFFFFFFF  }
0xaa: {  	[dreg:$0x0] =	wrdreg $0x60  }
0xab: {  	[dreg:$0x2] =	wrdreg s22  }
0xac: {  	[dreg:$0x3] =	wrdreg s0  }
0xad: {  	[dreg:$0x4] =	wrdreg $0x11EE00  }
0xae: {  	[dreg:$0x5] =	wrdreg $0x9  }
0xaf: {  	_ =	task.clear_ibuf [dreg:s5], $0x6FFFF;
	_ =	strace $0x90000049  }
0xb0: {  	s26 =	simm.s32 $0x9;
	_ =	strace $0x8000004B  }
0xb1: {  	_ =	swait.ge [sflag:s26], $0x1  }
0xb2: {  	[sflag:s26] =	ssyncadd.s32 $0xFFFFFFFF  }
0xb3: {  	_ =	strace $0x9000004B  }
0xb4: {  	_ =	sfence  }
0xb5: {  	s28 =	sld [smem:$0x0];
	_ =	sdelay $0x1  }
0xb6: {  	s29 =	srdreg.scid  }
0xb7: {  	s30 =	sshll.u32 s29, $0xD;
	s31 =	sshrl.u32 s29, $0x2  }
0xb8: {  	s2 =	sand.u32 $0x4000, s30;
	s1 =	sand.u32 $0x1, s29;
	s0 =	sadd.s32 s31, s28  }
0xb9: {  	s1 =	sor.u32 s2, s1;
	s0 =	sshll.u32 s0, $0x11  }
0xba: {  	s0 =	sor.u32 s0, s1  }
0xbb: {  	s0 =	sadd.s32 $0x8F2B, s0  }
0xbc: {  	[sflag:s0] =	ssyncadd.remote.s32 $0x1  }
0xbd: {  	_ =	sfence.sel $0xFFFF  }
0xbe: {  	[dreg:$0x0] =	wrdreg $0xFFFFFFFF;
	(pc) =	sbr.abs _section_cstart, $3  }
0xbf: {  	[dreg:$0x1] =	wrdreg $0xFFFFFFFF  }
0xc0: {  	_ =	task.clear_ibuf [dreg:s5], $0x2FFFF;
	_ =	strace $0x9FFFFFFF  }
0xc1: {  	(tm) =	ssettm $0x7FFFFFFF  }
tec
execute0_lowered:
.L_overlay_start_1:
0x0: {  	(tag) =	ssettag $0x1  }
0x1: {  	s7 =	rddreg [dreg:$0x0]  }
0x2: {  	s1 =	rddreg [dreg:$0x1]  }
0x3: {  	s3 =	rddreg [dreg:$0x2];
	s4 =	simm.s32 $0x0  }
0x4: {  	v0 =	vimm.f32 $0.0e+00;
	[smem:$0x7FF] =	sst s4  }
0x5: {  	s0 =	rddreg [dreg:$0x3];
	_ =	strace $0x8000004A;
	[tilespmem:$0x11260] =	vst v0  }
0x6: {  	[tilespmem:$0x11270] =	vst v0  }
0x7: {  	[tilespmem:$0x11280] =	vst v0  }
0x8: {  	[tilespmem:$0x11290] =	vst v0  }
0x9: {  	[tilespmem:$0x112A0] =	vst v0  }
0xa: {  	[tilespmem:$0x112B0] =	vst v0  }
0xb: {  	[tilespmem:$0x112C0] =	vst v0  }
0xc: {  	[tilespmem:$0x112D0] =	vst v0  }
0xd: {  	[tilespmem:$0x112E0] =	vst v0  }
0xe: {  	[tilespmem:$0x112F0] =	vst v0  }
0xf: {  	[tilespmem:$0x11300] =	vst v0  }
0x10: {  	[tilespmem:$0x11310] =	vst v0  }
0x11: {  	[tilespmem:$0x11320] =	vst v0  }
0x12: {  	[tilespmem:$0x11330] =	vst v0  }
0x13: {  	[tilespmem:$0x11340] =	vst v0  }
0x14: {  	[tilespmem:$0x11350] =	vst v0  }
0x15: {  	[tilespmem:$0x11360] =	vst v0  }
0x16: {  	[tilespmem:$0x11370] =	vst v0  }
0x17: {  	[tilespmem:$0x11380] =	vst v0  }
0x18: {  	[tilespmem:$0x11390] =	vst v0  }
0x19: {  	[tilespmem:$0x113A0] =	vst v0  }
0x1a: {  	[tilespmem:$0x113B0] =	vst v0  }
0x1b: {  	[tilespmem:$0x113C0] =	vst v0  }
0x1c: {  	[tilespmem:$0x113D0] =	vst v0  }
0x1d: {  	[tilespmem:$0x113E0] =	vst v0  }
0x1e: {  	[tilespmem:$0x113F0] =	vst v0  }
0x1f: {  	[tilespmem:$0x11400] =	vst v0  }
0x20: {  	[tilespmem:$0x11410] =	vst v0  }
0x21: {  	[tilespmem:$0x11420] =	vst v0  }
0x22: {  	[tilespmem:$0x11430] =	vst v0  }
0x23: {  	[tilespmem:$0x11440] =	vst v0  }
0x24: {  	[tilespmem:$0x11450] =	vst v0  }
0x25: {  	[tilespmem:$0x11460] =	vst v0  }
0x26: {  	[tilespmem:$0x11470] =	vst v0  }
0x27: {  	[tilespmem:$0x11480] =	vst v0  }
0x28: {  	[tilespmem:$0x11490] =	vst v0  }
0x29: {  	s2 =	stileid.u32;
	[tilespmem:$0x114A0] =	vst v0  }
0x2a: {  	s5 =	smul.u32 $0x280, s2;
	[tilespmem:$0x114B0] =	vst v0  }
0x2b: {  	[tilespmem:$0x114C0] =	vst v0  }
0x2c: {  	s8 =	simm.s32 $0x11260;
	s10 =	simm.s32 $0x6;
	[tilespmem:$0x114D0] =	vst v0;
	s6 =	sadd.s32 s5, s3  }
0x2d: {  	[spmem:s6] =	stream.linear.scatter [tilespmem:s8], [sflag:$0x6], $0x280, $0x38;
	[tilespmem:$0x12160] =	vst v63  }
0x2e: {  	_ =	swait.ge [sflag:s10], $0x280  }
0x2f: {  	[sflag:s10] =	ssyncset.done $0x0  }
0x30: {  	s9 =	simm.s32 $0x9C40;
	[sflag:s10] =	ssyncadd.s32 $0xFFFFFD80  }
0x31: {  	s29 =	sadd.s32 $0x15800, s7;
	s11 =	smul.u32 $0x9C4, s2;
	[bflag:$0x0] =	sbarrier.arrive $0xFFFF  }
0x32: {  	[tilespmem:s9], [sflag:$0x6] =	stream.linear.gather [hbm4b:s29+s4], $0x2800, $0x38;
	[tilespmem:$0x12160] =	vst v63  }
0x33: {  	_ =	swait.ge [sflag:s10], $0x2800  }
0x34: {  	s30 =	sadd.s32 s11, s7;
	[sflag:s10] =	ssyncset.done $0x0  }
0x35: {  	s11 =	sadd.s32 $0x1C00, s30;
	[sflag:s10] =	ssyncadd.s32 $0xFFFFD800  }
0x36: {  	[tilespmem:s4], [sflag:$0x6] =	stream.linear.gather [hbm4b:s11+s4], $0x4E20, $0x38;
	[tilespmem:$0x12160] =	vst v63  }
0x37: {  	_ =	swait.ge [sflag:s10], $0x4E20  }
0x38: {  	[sflag:s10] =	ssyncset.done $0x0  }
0x39: {  	s31 =	simm.s32 $0x4E20;
	s8 =	sadd.s32 $0xBA00, s30;
	[sflag:s10] =	ssyncadd.s32 $0xFFFFB1E0  }
0x3a: {  	[tilespmem:s31], [sflag:$0x6] =	stream.linear.gather [hbm4b:s8+s4], $0x4E20, $0x38;
	[tilespmem:$0x12160] =	vst v63  }
0x3b: {  	_ =	swait.ge [sflag:s10], $0x4E20  }
0x3c: {  	s8 =	sadd.s32 $0x16400, s7;
	[sflag:s10] =	ssyncset.done $0x0  }
0x3d: {  	s7 =	sadd.s32 $0x15E00, s7;
	[sflag:s10] =	ssyncadd.s32 $0xFFFFB1E0;
	s10 =	simm.s32 $0x50  }
.LBB2_1:
0x3e: {  	s11 =	sshra.s32 s4, $0x2  }
0x3f: {  	v0 =	vld [tilespmem:s11+$0x0];
	_ =	sdelay $0x5  }
0x40: {  	v1 =	vld [tilespmem:s11+$0x10];
	_ =	sdelay $0x1  }
0x41: {  	v0 =	vld.idx.msk [tilespmem:v0+s9+$0x0], $0xffff;
	_ =	sdelay $0x3  }
0x42: {  	v2 =	vld [tilespmem:s11+$0x20]  }
0x43: {  	[tilespmem:s11+$0xC440] =	vst v0  }
0x44: {  	v0 =	vld.idx.msk [tilespmem:v1+s9+$0x0], $0xffff;
	_ =	sdelay $0x3  }
0x45: {  	v42 =	vld [tilespmem:s11+$0x30]  }
0x46: {  	[tilespmem:s11+$0xC450] =	vst v0  }
0x47: {  	v0 =	vld.idx.msk [tilespmem:v2+s9+$0x0], $0xffff;
	_ =	sdelay $0x3  }
0x48: {  	v43 =	vld [tilespmem:s11+$0x40]  }
0x49: {  	[tilespmem:s11+$0xC460] =	vst v0  }
0x4a: {  	v0 =	vld.idx.msk [tilespmem:v42+s9+$0x0], $0xffff;
	_ =	sdelay $0x4  }
0x4b: {  	[tilespmem:s11+$0xC470] =	vst v0  }
0x4c: {  	v0 =	vld.idx.msk [tilespmem:v43+s9+$0x0], $0xffff;
	_ =	sdelay $0x3  }
0x4d: {  	p0 =	seq.s32 s4, $0x0  }
0x4e: {  	s12 =	simm.s32 @!p0 $0x1;
	[tilespmem:s11+$0xC480] =	vst v0  }
0x4f: {  	_ =	swait.ge @!p0 [sflag:s12], $0x50  }
0x50: {  	[sflag:s12] =	ssyncset.done @!p0 $0x0  }
0x51: {  	s13 =	sadd.s32 $0xC440, s11;
	s23 =	sadd.s32 $0x4E20, s11;
	[sflag:s12] =	ssyncadd.s32 @!p0 $0xFFFFFFB0  }
0x52: {  	[spmem:s3] =	stream.indirect.scatter.add.f32 [tilespmem:s13], [sflag:$0x1], $0x1, s23, s10, $0xb8;
	[tilespmem:$0x12160] =	vst v63  }
0x53: {  	v44 =	vld [tilespmem:s11+$0x50];
	_ =	sdelay $0x5  }
0x54: {  	v45 =	vld [tilespmem:s11+$0x60];
	_ =	sdelay $0x1  }
0x55: {  	v0 =	vld.idx.msk [tilespmem:v44+s9+$0x0], $0xffff;
	_ =	sdelay $0x3  }
0x56: {  	v46 =	vld [tilespmem:s11+$0x70]  }
0x57: {  	[tilespmem:s11+$0xC490] =	vst v0  }
0x58: {  	v0 =	vld.idx.msk [tilespmem:v45+s9+$0x0], $0xffff;
	_ =	sdelay $0x3  }
0x59: {  	v47 =	vld [tilespmem:s11+$0x80]  }
0x5a: {  	[tilespmem:s11+$0xC4A0] =	vst v0  }
0x5b: {  	v0 =	vld.idx.msk [tilespmem:v46+s9+$0x0], $0xffff;
	_ =	sdelay $0x3  }
0x5c: {  	v48 =	vld [tilespmem:s11+$0x90]  }
0x5d: {  	[tilespmem:s11+$0xC4B0] =	vst v0  }
0x5e: {  	v0 =	vld.idx.msk [tilespmem:v47+s9+$0x0], $0xffff;
	_ =	sdelay $0x4  }
0x5f: {  	[tilespmem:s11+$0xC4C0] =	vst v0  }
0x60: {  	v0 =	vld.idx.msk [tilespmem:v48+s9+$0x0], $0xffff;
	_ =	sdelay $0x4  }
0x61: {  	s12 =	simm.s32 @!p0 $0x2;
	[tilespmem:s11+$0xC4D0] =	vst v0  }
0x62: {  	_ =	swait.ge @!p0 [sflag:s12], $0x50  }
0x63: {  	[sflag:s12] =	ssyncset.done @!p0 $0x0  }
0x64: {  	s24 =	sadd.s32 $0xC490, s11;
	s25 =	sadd.s32 $0x4E70, s11;
	[sflag:s12] =	ssyncadd.s32 @!p0 $0xFFFFFFB0  }
0x65: {  	[spmem:s3] =	stream.indirect.scatter.add.f32 [tilespmem:s24], [sflag:$0x2], $0x1, s25, s10, $0xb8;
	[tilespmem:$0x12160] =	vst v63  }
0x66: {  	v49 =	vld [tilespmem:s11+$0xA0];
	_ =	sdelay $0x5  }
0x67: {  	v50 =	vld [tilespmem:s11+$0xB0];
	_ =	sdelay $0x1  }
0x68: {  	v0 =	vld.idx.msk [tilespmem:v49+s9+$0x0], $0xffff;
	_ =	sdelay $0x3  }
0x69: {  	v51 =	vld [tilespmem:s11+$0xC0]  }
0x6a: {  	[tilespmem:s11+$0xC4E0] =	vst v0  }
0x6b: {  	v0 =	vld.idx.msk [tilespmem:v50+s9+$0x0], $0xffff;
	_ =	sdelay $0x3  }
0x6c: {  	v52 =	vld [tilespmem:s11+$0xD0]  }
0x6d: {  	[tilespmem:s11+$0xC4F0] =	vst v0  }
0x6e: {  	v0 =	vld.idx.msk [tilespmem:v51+s9+$0x0], $0xffff;
	_ =	sdelay $0x3  }
0x6f: {  	v53 =	vld [tilespmem:s11+$0xE0]  }
0x70: {  	[tilespmem:s11+$0xC500] =	vst v0  }
0x71: {  	v0 =	vld.idx.msk [tilespmem:v52+s9+$0x0], $0xffff;
	_ =	sdelay $0x4  }
0x72: {  	[tilespmem:s11+$0xC510] =	vst v0  }
0x73: {  	v0 =	vld.idx.msk [tilespmem:v53+s9+$0x0], $0xffff;
	_ =	sdelay $0x4  }
0x74: {  	s12 =	simm.s32 @!p0 $0x3;
	[tilespmem:s11+$0xC520] =	vst v0  }
0x75: {  	_ =	swait.ge @!p0 [sflag:s12], $0x50  }
0x76: {  	[sflag:s12] =	ssyncset.done @!p0 $0x0  }
0x77: {  	s26 =	sadd.s32 $0xC4E0, s11;
	s28 =	sadd.s32 $0x4EC0, s11;
	[sflag:s12] =	ssyncadd.s32 @!p0 $0xFFFFFFB0  }
0x78: {  	[spmem:s3] =	stream.indirect.scatter.add.f32 [tilespmem:s26], [sflag:$0x3], $0x1, s28, s10, $0xb8;
	[tilespmem:$0x12160] =	vst v63  }
0x79: {  	v54 =	vld [tilespmem:s11+$0xF0];
	_ =	sdelay $0x5  }
0x7a: {  	v55 =	vld [tilespmem:s11+$0x100];
	_ =	sdelay $0x1  }
0x7b: {  	v0 =	vld.idx.msk [tilespmem:v54+s9+$0x0], $0xffff;
	_ =	sdelay $0x3  }
0x7c: {  	v56 =	vld [tilespmem:s11+$0x110]  }
0x7d: {  	[tilespmem:s11+$0xC530] =	vst v0  }
0x7e: {  	v0 =	vld.idx.msk [tilespmem:v55+s9+$0x0], $0xffff;
	_ =	sdelay $0x3  }
0x7f: {  	v57 =	vld [tilespmem:s11+$0x120]  }
0x80: {  	[tilespmem:s11+$0xC540] =	vst v0  }
0x81: {  	v0 =	vld.idx.msk [tilespmem:v56+s9+$0x0], $0xffff;
	_ =	sdelay $0x3  }
0x82: {  	v58 =	vld [tilespmem:s11+$0x130]  }
0x83: {  	[tilespmem:s11+$0xC550] =	vst v0  }
0x84: {  	v0 =	vld.idx.msk [tilespmem:v57+s9+$0x0], $0xffff;
	_ =	sdelay $0x4  }
0x85: {  	[tilespmem:s11+$0xC560] =	vst v0  }
0x86: {  	v0 =	vld.idx.msk [tilespmem:v58+s9+$0x0], $0xffff;
	_ =	sdelay $0x4  }
0x87: {  	s12 =	simm.s32 @!p0 $0x4;
	[tilespmem:s11+$0xC570] =	vst v0  }
0x88: {  	_ =	swait.ge @!p0 [sflag:s12], $0x50  }
0x89: {  	[sflag:s12] =	ssyncset.done @!p0 $0x0  }
0x8a: {  	s29 =	sadd.s32 $0xC530, s11;
	s30 =	sadd.s32 $0x4F10, s11;
	[sflag:s12] =	ssyncadd.s32 @!p0 $0xFFFFFFB0  }
0x8b: {  	[spmem:s3] =	stream.indirect.scatter.add.f32 [tilespmem:s29], [sflag:$0x4], $0x1, s30, s10, $0xb8;
	[tilespmem:$0x12160] =	vst v63  }
0x8c: {  	v59 =	vld [tilespmem:s11+$0x140];
	_ =	sdelay $0x5  }
0x8d: {  	v60 =	vld [tilespmem:s11+$0x150];
	_ =	sdelay $0x1  }
0x8e: {  	v0 =	vld.idx.msk [tilespmem:v59+s9+$0x0], $0xffff;
	_ =	sdelay $0x3  }
0x8f: {  	v61 =	vld [tilespmem:s11+$0x160]  }
0x90: {  	[tilespmem:s11+$0xC580] =	vst v0  }
0x91: {  	v0 =	vld.idx.msk [tilespmem:v60+s9+$0x0], $0xffff;
	_ =	sdelay $0x3  }
0x92: {  	v62 =	vld [tilespmem:s11+$0x170]  }
0x93: {  	[tilespmem:s11+$0xC590] =	vst v0  }
0x94: {  	v0 =	vld.idx.msk [tilespmem:v61+s9+$0x0], $0xffff;
	_ =	sdelay $0x3  }
0x95: {  	v63 =	vld [tilespmem:s11+$0x180]  }
0x96: {  	[tilespmem:s11+$0xC5A0] =	vst v0  }
0x97: {  	v0 =	vld.idx.msk [tilespmem:v62+s9+$0x0], $0xffff;
	_ =	sdelay $0x4  }
0x98: {  	[tilespmem:s11+$0xC5B0] =	vst v0  }
0x99: {  	v0 =	vld.idx.msk [tilespmem:v63+s9+$0x0], $0xffff;
	_ =	sdelay $0x4  }
0x9a: {  	s12 =	simm.s32 @!p0 $0x5;
	[tilespmem:s11+$0xC5C0] =	vst v0  }
0x9b: {  	_ =	swait.ge @!p0 [sflag:s12], $0x50  }
0x9c: {  	s4 =	sadd.s32 $0x640, s4;
	[sflag:s12] =	ssyncset.done @!p0 $0x0  }
0x9d: {  	[sflag:s12] =	ssyncadd.s32 @!p0 $0xFFFFFFB0;
	p0 =	sne.s32 s4, $0x13880  }
.Ltmp0:
0x9e: {  	_ = 	snop;
	(pc) =	sbr.rel @p0 .LBB2_1-.Ltmp0, $3  }
0x9f: {  	_ =	sdelay $0x1  }
0xa0: {  	s31 =	sadd.s32 $0xC580, s11;
	s11 =	sadd.s32 $0x4F60, s11  }
0xa1: {  	[spmem:s3] =	stream.indirect.scatter.add.f32 [tilespmem:s31], [sflag:$0x5], $0x1, s11, s10, $0xb8;
	[tilespmem:$0x12160] =	vst v63  }
0xa2: {  	s3 =	simm.s32 $0x1  }
0xa3: {  	_ =	swait.ge [sflag:s3], $0x50  }
0xa4: {  	[sflag:s3] =	ssyncset.done $0x0  }
0xa5: {  	s22 =	simm.s32 $0x2;
	[sflag:s3] =	ssyncadd.s32 $0xFFFFFFB0  }
0xa6: {  	_ =	swait.ge [sflag:s22], $0x50  }
0xa7: {  	[sflag:s22] =	ssyncset.done $0x0  }
0xa8: {  	s23 =	simm.s32 $0x3;
	[sflag:s22] =	ssyncadd.s32 $0xFFFFFFB0  }
0xa9: {  	_ =	swait.ge [sflag:s23], $0x50  }
0xaa: {  	[sflag:s23] =	ssyncset.done $0x0  }
0xab: {  	s24 =	simm.s32 $0x4;
	[sflag:s23] =	ssyncadd.s32 $0xFFFFFFB0  }
0xac: {  	_ =	swait.ge [sflag:s24], $0x50  }
0xad: {  	[sflag:s24] =	ssyncset.done $0x0  }
0xae: {  	s25 =	simm.s32 $0x5;
	[sflag:s24] =	ssyncadd.s32 $0xFFFFFFB0  }
0xaf: {  	_ =	swait.ge [sflag:s25], $0x50  }
0xb0: {  	[sflag:s25] =	ssyncset.done $0x0  }
0xb1: {  	[sflag:s25] =	ssyncadd.s32 $0xFFFFFFB0  }
0xb2: {  	s26 =	simm.s32 $0x114E0;
	s4 =	simm.s32 $0x6;
	[bflag:$0x0] =	sbarrier.arrive $0xFFFF  }
0xb3: {  	[tilespmem:s26], [sflag:$0x6] =	stream.linear.gather [spmem:s6], $0x280, $0x38;
	[tilespmem:$0x12160] =	vst v63  }
0xb4: {  	_ =	swait.ge [sflag:s4], $0x280  }
0xb5: {  	s28 =	simm.s32 $0x0;
	s3 =	sshrl.u32 s5, $0x3;
	[sflag:s4] =	ssyncset.done $0x0  }
0xb6: {  	s29 =	simm.s32 $0x11760;
	s5 =	sadd.s32 s8, s3;
	[sflag:s4] =	ssyncadd.s32 $0xFFFFFD80  }
0xb7: {  	[tilespmem:s29], [sflag:$0x6] =	stream.linear.gather [hbm4b:s5+s28], $0x280, $0x38;
	[tilespmem:$0x12160] =	vst v63  }
0xb8: {  	_ =	swait.ge [sflag:s4], $0x280  }
0xb9: {  	[sflag:s4] =	ssyncset.done $0x0  }
0xba: {  	s31 =	simm.s32 $0x119E0;
	s30 =	sadd.s32 s7, s3;
	[sflag:s4] =	ssyncadd.s32 $0xFFFFFD80  }
0xbb: {  	[tilespmem:s31], [sflag:$0x6] =	stream.linear.gather [hbm4b:s30+s28], $0x280, $0x38;
	[tilespmem:$0x12160] =	vst v63  }
0xbc: {  	_ =	swait.ge [sflag:s4], $0x280  }
0xbd: {  	[sflag:s4] =	ssyncset.done $0x0  }
0xbe: {  	s6 =	simm.s32 $0x0;
	[sflag:s4] =	ssyncadd.s32 $0xFFFFFD80  }
0xbf: {  	v0 =	vld [tilespmem:s6+$0x11760];
	_ =	sdelay $0x4  }
0xc0: {  	(erf) = vrcp.f32 v0;
	_ =	sdelay $0x2  }
0xc1: {  	s4 =	simm.s32 $0x10  }
0xc2: {  	v1 =	vld [tilespmem:s4+$0x11760];
	_ =	sdelay $0x3  }
0xc3: {  	s5 =	simm.s32 $0x20;
	v3 =	vld [tilespmem:s6+$0x114E0]  }
0xc4: {  	v2 =	vld [tilespmem:s5+$0x11760];
	v4 =	vpop (erf);
	(erf) = vrcp.f32 v1  }
0xc5: {  	v0 =	vld [tilespmem:s6+$0x119E0];
	_ =	sdelay $0x2  }
0xc6: {  	v3 =	vmul.f32 v4, v3  }
0xc7: {  	s7 =	simm.s32 $0xC0;
	v1 =	vld [tilespmem:s4+$0x114E0]  }
.LBB2_3:
0xc8: {  	s8 =	sshra.s32 s7, $0x2;
	p0 =	sne.s32 s7, $0x9C0;
	s7 =	sadd.s32 $0x40, s7;
	(erf) = vrcp.f32 v2;
	v4 =	vadd.f32 v3, v0;
	v0 =	vld [tilespmem:s4+$0x119E0]  }
.Ltmp1:
0xc9: {  	v2 =	vld [tilespmem:s8+$0x11760];
	(pc) =	sbr.rel @p0 .LBB2_3-.Ltmp1, $4  }
0xca: {  	[tilespmem:s6+$0x11C60] =	vst v4;
	s6 =	smov.u32 s4;
	s4 =	smov.u32 s5;
	s5 =	smov.u32 s8  }
0xcb: {  	v3 =	vpop (erf)  }
0xcc: {  	v3 =	vmul.f32 v3, v1  }
0xcd: {  	v1 =	vld [tilespmem:s4+$0x114E0]  }
0xce: {  	(erf) = vrcp.f32 v2;
	_ =	sdelay $0x1  }
0xcf: {  	v0 =	vadd.f32 v3, v0;
	_ =	sdelay $0x1  }
0xd0: {  	v61 =	vld [tilespmem:s4+$0x119E0];
	[tilespmem:s6+$0x11C60] =	vst v0  }
0xd1: {  	v0 =	vld [tilespmem:s5+$0x114E0];
	_ =	sdelay $0x1  }
0xd2: {  	v62 =	vld [tilespmem:s5+$0x119E0]  }
0xd3: {  	v4 =	vpop (erf)  }
0xd4: {  	v1 =	vmul.f32 v4, v1;
	v63 =	vpop (erf)  }
0xd5: {  	v0 =	vmul.f32 v63, v0  }
0xd6: {  	v1 =	vadd.f32 v1, v61  }
0xd7: {  	v0 =	vadd.f32 v0, v62  }
0xd8: {  	s1 =	sadd.s32 s1, s3;
	[tilespmem:s4+$0x11C60] =	vst v1  }
0xd9: {  	s29 =	simm.s32 $0x0;
	s30 =	simm.s32 $0x11C60;
	s31 =	simm.s32 $0x6;
	[tilespmem:s5+$0x11C60] =	vst v0  }
0xda: {  	[hbm4b:s1+s29] =	stream.linear.scatter [tilespmem:s30], [sflag:$0x6], $0x280, $0x38;
	[tilespmem:$0x12160] =	vst v63  }
0xdb: {  	_ =	swait.ge [sflag:s31], $0x280  }
0xdc: {  	[sflag:s31] =	ssyncset.done $0x0  }
0xdd: {  	[sflag:s31] =	ssyncadd.s32 $0xFFFFFD80  }
0xde: {  	_ =	sfence.sel $0x180000  }
0xdf: {  	[bflag:$0x0] =	sbarrier.arrive $0xFFFF  }
0xe0: {  	p0 =	sne.s32 s2, $0x0;
	_ =	strace $0x9000004A  }
0xe1: {  	s0 =	sadd.s32 @!p0 $0x100000, s0;
	[bflag:$0x2] =	sbarrier.arrive $0xFFFF  }
0xe2: {  	[sflag:s0] =	ssyncadd.tile.s32 @!p0 $0x1;
	_ =	shalt  }
.Lfunc_end2:
_tile_overlayer_lowered:
.L_overlay_start_2:
0xe3: {  	(tag) =	ssettag $0x2  }
0xe4: {  	s0 =	rddreg [dreg:$0x0];
	s2 =	stileid.u32  }
0xe5: {  	s1 =	rddreg [dreg:$0x1];
	p0 =	sne.s32 s2, $0x0  }
0xe6: {  	s3 =	rddreg [dreg:$0x2];
	[bflag:$0x3] =	sbarrier.arrive $0xFFFF;
	s2 =	simm.s32 @!p0 $0x1C06  }
0xe7: {  	[timem:s3], [sflag:s2] =	dma.local @!p0 [hbm:s0], s1  }
0xe8: {  	s0 =	simm.s32 @!p0 $0x6  }
0xe9: {  	_ =	swait.ge @!p0 [sflag:s0], s1  }
0xea: {  	s1 =	ssub.s32 @!p0 $0x0, s1;
	[sflag:s0] =	ssyncset.done @!p0 $0x0  }
0xeb: {  	[sflag:s0] =	ssyncadd.s32 @!p0 s1  }
0xec: {  	[bflag:$0x3] =	sbarrier.arrive $0xFFFF  }
0xed: {  	_ =	shalt  }

</sc_bundles>
